<compile_context>
chip_gen: v7x
topology: tpu7x:2x2x1
jax: 0.10.2.dev20260603
libtpu: 0.0.44.dev20260713+nightly
codegen_flags: <defaults>
</compile_context>

<pallas_src>
import functools

import jax
import jax.numpy as jnp
from jax import lax
from jax.experimental import pallas as pl
from jax.experimental.pallas import tpu as pltpu
from jax.experimental.pallas import tpu_sc as plsc

N = 10000
D = 128
BATCH = 100
E = 320000

NC = 2
NS = 16
NW = NC * NS
C = 128
PER_TILE = 10240
NCHUNK = PER_TILE // C
EPAD = PER_TILE * NW
REAL_PER_TILE = E // NW
PADT = PER_TILE - REAL_PER_TILE
NACC = 10112
ZROWS = NACC // NS
FROWS = ZROWS

_mesh = plsc.VectorSubcoreMesh(
    core_axis_name="c", subcore_axis_name="s", num_cores=NC, num_subcores=NS)


@functools.partial(
    pl.kernel,
    out_type=jax.ShapeDtypeStruct((NC, NACC, D), jnp.float32),
    mesh=_mesh,
    scratch_types=[
        pltpu.VMEM((NCHUNK // 2, C), jnp.int32),
        pltpu.VMEM((NCHUNK // 2, C), jnp.int32),
        pltpu.VMEM((2, C, D), jnp.float32),
        pltpu.VMEM_SHARED((NACC, D), jnp.float32),
        pltpu.SemaphoreType.DMA((2,)),
        pltpu.SemaphoreType.DMA((2,)),
    ],
)
def _sc_aggregate(h_hbm, src_hbm, dst_hbm, out_hbm,
                  sidx, didx, rows, acc, gsem, ssem):
    c = lax.axis_index("c")
    s = lax.axis_index("s")
    nh = NCHUNK // 2
    cb = (c * NS + s) * NCHUNK

    for half in range(2):
        pltpu.sync_copy(src_hbm.at[pl.ds(cb + half * nh, nh)], sidx)
        pltpu.sync_copy(dst_hbm.at[pl.ds(cb + half * nh, nh)], didx)

        pltpu.async_copy(h_hbm.at[sidx.at[0]], rows.at[0], gsem.at[0])

        if half == 0:
            zv = jnp.zeros((16,), jnp.float32)

            def zrow(r, carry):
                for k in range(D // 16):
                    rows[1, r, pl.ds(k * 16, 16)] = zv
                return carry

            lax.fori_loop(0, C, zrow, 0)
            for k in range(ZROWS // C):
                pltpu.sync_copy(
                    rows.at[1],
                    acc.at[pl.ds(s * ZROWS + k * C, C)])
            rem = ZROWS - (ZROWS // C) * C
            pltpu.sync_copy(
                rows.at[1, pl.ds(0, rem)],
                acc.at[pl.ds(s * ZROWS + (ZROWS // C) * C, rem)])
            plsc.subcore_barrier()

        def body(j, carry):
            b = lax.rem(j, 2)
            nb = 1 - b

            @pl.when(j > 0)
            def _():
                pltpu.make_async_copy(rows.at[nb], acc.at[didx.at[j - 1]],
                                      ssem.at[nb]).wait()

            @pl.when(j + 1 < nh)
            def _():
                pltpu.async_copy(h_hbm.at[sidx.at[j + 1]], rows.at[nb],
                                 gsem.at[nb])

            pltpu.make_async_copy(h_hbm.at[sidx.at[j]], rows.at[b],
                                  gsem.at[b]).wait()
            pltpu.async_copy(rows.at[b], acc.at[didx.at[j]], ssem.at[b],
                             add=True)
            return carry

        lax.fori_loop(0, nh, body, 0)
        pltpu.make_async_copy(rows.at[lax.rem(nh - 1, 2)],
                              acc.at[didx.at[nh - 1]],
                              ssem.at[lax.rem(nh - 1, 2)]).wait()
    plsc.subcore_barrier()

    pltpu.sync_copy(acc.at[pl.ds(s * FROWS, FROWS)],
                    out_hbm.at[c, pl.ds(s * FROWS, FROWS)])


_ROWS_BLK = 2000


def _embed_body(x_ref, w_ref, o_ref):
    o_ref[...] = jnp.dot(x_ref[...], w_ref[...],
                         preferred_element_type=jnp.float32)


def _embed(x, w):
    return pl.pallas_call(
        _embed_body,
        grid=(N // _ROWS_BLK,),
        in_specs=[
            pl.BlockSpec((_ROWS_BLK, D), lambda i: (i, 0)),
            pl.BlockSpec((D, D), lambda i: (0, 0)),
        ],
        out_specs=pl.BlockSpec((_ROWS_BLK, D), lambda i: (i, 0)),
        out_shape=jax.ShapeDtypeStruct((N, D), jnp.float32),
    )(x, w)


def _res_body(h_ref, wr_ref, bg_ref, br_ref, o_ref):
    o_ref[...] = (jnp.dot(h_ref[...], wr_ref[...],
                          preferred_element_type=jnp.float32)
                  + (bg_ref[...] + br_ref[...])[None, :])


def _res(h, wr, bg, br):
    return pl.pallas_call(
        _res_body,
        grid=(N // _ROWS_BLK,),
        in_specs=[
            pl.BlockSpec((_ROWS_BLK, D), lambda i: (i, 0)),
            pl.BlockSpec((D, D), lambda i: (0, 0)),
            pl.BlockSpec((D,), lambda i: (0,)),
            pl.BlockSpec((D,), lambda i: (0,)),
        ],
        out_specs=pl.BlockSpec((_ROWS_BLK, D), lambda i: (i, 0)),
        out_shape=jax.ShapeDtypeStruct((N, D), jnp.float32),
    )(h, wr, bg, br)


def _combine_body(s_ref, res_ref, wg_ref, o_ref):
    agg = s_ref[0] + s_ref[1]
    o_ref[...] = (jnp.dot(agg, wg_ref[...], preferred_element_type=jnp.float32)
                  + res_ref[...])


def _combine(s, res, wg):
    return pl.pallas_call(
        _combine_body,
        grid=(N // _ROWS_BLK,),
        in_specs=[
            pl.BlockSpec((NC, _ROWS_BLK, D), lambda i: (0, i, 0)),
            pl.BlockSpec((_ROWS_BLK, D), lambda i: (i, 0)),
            pl.BlockSpec((D, D), lambda i: (0, 0)),
        ],
        out_specs=pl.BlockSpec((_ROWS_BLK, D), lambda i: (i, 0)),
        out_shape=jax.ShapeDtypeStruct((N, D), jnp.float32),
    )(s, res, wg)


def kernel(x, edge_index, batch_size, W_init,
           Wg0, bg0, Wr0, br0,
           Wg1, bg1, Wr1, br1,
           Wg2, bg2, Wr2, br2):
    npad = EPAD - E
    pad_src = jnp.arange(npad, dtype=jnp.int32) % N
    pad_dst = N + jnp.arange(npad, dtype=jnp.int32) % (NACC - N)
    src = jnp.concatenate([edge_index[0], pad_src]).reshape(EPAD // C, C)
    dst = jnp.concatenate([edge_index[1], pad_dst]).reshape(EPAD // C, C)

    h = _embed(x, W_init)
    for (wg, bg, wr, br) in ((Wg0, bg0, Wr0, br0),
                             (Wg1, bg1, Wr1, br1),
                             (Wg2, bg2, Wr2, br2)):
        s = _sc_aggregate(h, src, dst)
        res = _res(h, wr, bg, br)
        h = _combine(s, res, wg)
    return h.reshape(BATCH, N // BATCH, D)

# --- scband reference (transcript-rebuilt; emitter-appended) ---
"""Pipeline reference for scband-molecular-gcn-3478923510589 (READ-ONLY COPY).

The authoritative reference and input builder live on the scoring server;
editing this copy changes nothing except your own understanding.
"""

import jax, jax.numpy as jnp
import numpy as np

N = 10000
E = 320000
D_IN = 128
D_EMB = 128
HIDDEN = [128, 128, 128]
BATCH = 100


def setup_inputs(seed: int = 0) -> dict:
    key = jax.random.key(seed)
    ks = jax.random.split(key, 32)
    x = jax.random.normal(ks[0], (N, D_IN), dtype=jnp.float32)
    edge_index = jax.random.randint(ks[1], (2, E), 0, N, dtype=jnp.int32)
    # init_transform: Linear(in_feats, dim_embedding, bias=False); padding -> last output unit zeroed
    W_init = jax.random.normal(ks[2], (D_IN, D_EMB), dtype=jnp.float32) * 0.05
    W_init = W_init.at[:, -1].set(0.0)
    inp = {"x": x, "edge_index": edge_index, "batch_size": BATCH, "W_init": W_init}
    d_prev = D_EMB
    for i, d_out in enumerate(HIDDEN):
        inp[f"Wg{i}"] = jax.random.normal(ks[3 + 4 * i], (d_prev, d_out), dtype=jnp.float32) * 0.05
        inp[f"bg{i}"] = jnp.zeros((d_out,), dtype=jnp.float32)
        inp[f"Wr{i}"] = jax.random.normal(ks[4 + 4 * i], (d_prev, d_out), dtype=jnp.float32) * 0.05
        inp[f"br{i}"] = jnp.zeros((d_out,), dtype=jnp.float32)
        d_prev = d_out
    return inp


def reference(x, edge_index, batch_size, W_init,
              Wg0, bg0, Wr0, br0,
              Wg1, bg1, Wr1, br1,
              Wg2, bg2, Wr2, br2):
    # MolecularGCN.forward: node_feats = init_transform(h); then GCN layers; reshape per-graph.
    h = x @ W_init
    src = edge_index[0]
    dst = edge_index[1]
    layers = ((Wg0, bg0, Wr0, br0), (Wg1, bg1, Wr1, br1), (Wg2, bg2, Wr2, br2))
    for (Wg, bg, Wr, br) in layers:
        # GraphConv (norm='none'): transform then sum-aggregate src->dst
        m = jnp.take(h, src, axis=0) @ Wg
        agg = jnp.zeros((h.shape[0], Wg.shape[1]), dtype=h.dtype).at[dst].add(m)
        new_feats = agg + bg
        # residual linear connection (dgllife GCNLayer residual=True)
        res_feats = h @ Wr + br
        h = new_feats + res_feats
    out_feats = h.shape[-1]
    return h.reshape(BATCH, -1, out_feats) + jnp.zeros((), h.dtype) * batch_size

if __name__ == "__main__":
    import jax
    _d = setup_inputs()
    print(jax.jit(kernel)(*tuple(_d.values())))

</pallas_src>

<mosaic_0001>
#map = affine_map<(d0, d1) -> (0, 0)>
#map1 = affine_map<(d0, d1) -> (0, 0, 0)>
module attributes {stable_mosaic.version = 14 : i64} {
  func.func @_sc_aggregate(%arg0: i32, %arg1: i32, %arg2: memref<10000x128xf32, #tpu.memory_space<hbm>>, %arg3: memref<2560x128xi32, #tpu.memory_space<hbm>>, %arg4: memref<2560x128xi32, #tpu.memory_space<hbm>>, %arg5: memref<2x10112x128xf32, #tpu.memory_space<hbm>>, %arg6: memref<40x128xi32, #tpu.memory_space<vmem>>, %arg7: memref<40x128xi32, #tpu.memory_space<vmem>>, %arg8: memref<2x128x128xf32, #tpu.memory_space<vmem>>, %arg9: memref<10112x128xf32, #tpu.memory_space<vmem_shared>>, %arg10: memref<2x!tpu.dma_semaphore, #tpu.memory_space<semaphore_mem>>, %arg11: memref<2x!tpu.dma_semaphore, #tpu.memory_space<semaphore_mem>>) attributes {dimension_semantics = [#tpu.dimension_semantics<core_parallel>, #tpu.dimension_semantics<subcore_parallel>], iteration_bounds = array<i64: 2, 16>, scalar_prefetch = 0 : i64, scratch_operands = 6 : i64, tpu.core_type = #tpu.core_type<sc_vector_subcore>, window_params = [{transform_indices = #map}, {transform_indices = #map}, {transform_indices = #map}, {transform_indices = #map1}]} {
    %mul3A = arith.constant 16 : i32
    %mul3A_0 = arith.muli %arg0, %mul3A : i32
    %add3A = arith.addi %mul3A_0, %arg1 : i32
    %mul3A_1 = arith.constant 80 : i32
    %mul3A_2 = arith.muli %add3A, %mul3A_1 : i32
    %add3A_3 = arith.constant 0 : i32
    %add3A_4 = arith.addi %mul3A_2, %add3A_3 : i32
    "tpu.region"() ({
      %run_scoped3A_123 = tpu.sem_alloc : memref<!tpu.dma_semaphore, #tpu.memory_space<semaphore_mem>>
      %dma_start3A_124 = arith.constant 0 : i32
      %dma_start3A_125 = tpu.memref_slice %arg3[%add3A_4, %dma_start3A_124] : memref<2560x128xi32, #tpu.memory_space<hbm>> -> memref<40x128xi32, #tpu.memory_space<hbm>>
      %dma_start3A_126 = arith.constant 0 : i32
      %dma_start3A_127 = tpu.memref_slice %arg3[%add3A_4, %dma_start3A_126] : memref<2560x128xi32, #tpu.memory_space<hbm>> -> memref<40x128xi32, #tpu.memory_space<hbm>>
      tpu.enqueue_dma source(%dma_start3A_127 : memref<40x128xi32, #tpu.memory_space<hbm>>) target(%arg6 : memref<40x128xi32, #tpu.memory_space<vmem>>) target_semaphore(%run_scoped3A_123 : memref<!tpu.dma_semaphore, #tpu.memory_space<semaphore_mem>>)
      %dma_wait3A_128 = arith.constant 0 : i32
      %dma_wait3A_129 = tpu.memref_slice %arg3[%add3A_4, %dma_wait3A_128] : memref<2560x128xi32, #tpu.memory_space<hbm>> -> memref<40x128xi32, #tpu.memory_space<hbm>>
      %dma_wait3A_130 = arith.constant 0 : i32
      %dma_wait3A_131 = tpu.memref_slice %arg3[%add3A_4, %dma_wait3A_130] : memref<2560x128xi32, #tpu.memory_space<hbm>> -> memref<40x128xi32, #tpu.memory_space<hbm>>
      tpu.wait_dma2 semaphore(%run_scoped3A_123 : memref<!tpu.dma_semaphore, #tpu.memory_space<semaphore_mem>>) src(%dma_wait3A_131 : memref<40x128xi32, #tpu.memory_space<hbm>>) dst(%arg6 : memref<40x128xi32, #tpu.memory_space<vmem>>)
      tpu.yield
    }) : () -> ()
    %add3A_5 = arith.constant 0 : i32
    %add3A_6 = arith.addi %mul3A_2, %add3A_5 : i32
    "tpu.region"() ({
      %run_scoped3A_123 = tpu.sem_alloc : memref<!tpu.dma_semaphore, #tpu.memory_space<semaphore_mem>>
      %dma_start3A_124 = arith.constant 0 : i32
      %dma_start3A_125 = tpu.memref_slice %arg4[%add3A_6, %dma_start3A_124] : memref<2560x128xi32, #tpu.memory_space<hbm>> -> memref<40x128xi32, #tpu.memory_space<hbm>>
      %dma_start3A_126 = arith.constant 0 : i32
      %dma_start3A_127 = tpu.memref_slice %arg4[%add3A_6, %dma_start3A_126] : memref<2560x128xi32, #tpu.memory_space<hbm>> -> memref<40x128xi32, #tpu.memory_space<hbm>>
      tpu.enqueue_dma source(%dma_start3A_127 : memref<40x128xi32, #tpu.memory_space<hbm>>) target(%arg7 : memref<40x128xi32, #tpu.memory_space<vmem>>) target_semaphore(%run_scoped3A_123 : memref<!tpu.dma_semaphore, #tpu.memory_space<semaphore_mem>>)
      %dma_wait3A_128 = arith.constant 0 : i32
      %dma_wait3A_129 = tpu.memref_slice %arg4[%add3A_6, %dma_wait3A_128] : memref<2560x128xi32, #tpu.memory_space<hbm>> -> memref<40x128xi32, #tpu.memory_space<hbm>>
      %dma_wait3A_130 = arith.constant 0 : i32
      %dma_wait3A_131 = tpu.memref_slice %arg4[%add3A_6, %dma_wait3A_130] : memref<2560x128xi32, #tpu.memory_space<hbm>> -> memref<40x128xi32, #tpu.memory_space<hbm>>
      tpu.wait_dma2 semaphore(%run_scoped3A_123 : memref<!tpu.dma_semaphore, #tpu.memory_space<semaphore_mem>>) src(%dma_wait3A_131 : memref<40x128xi32, #tpu.memory_space<hbm>>) dst(%arg7 : memref<40x128xi32, #tpu.memory_space<vmem>>)
      tpu.yield
    }) : () -> ()
    %dma_start3A = arith.constant 0 : i32
    %dma_start3A_7 = arith.constant 0 : i32
    %dma_start3A_8 = arith.constant 0 : i32
    %dma_start3A_9 = arith.constant 0 : i32
    %dma_start3A_10 = arith.constant 0 : i32
    %dma_start3A_11 = tpu.memref_slice %arg8[%dma_start3A_7, %dma_start3A_9, %dma_start3A_10] : memref<2x128x128xf32, #tpu.memory_space<vmem>> -> memref<1x128x128xf32, #tpu.memory_space<vmem>>
    %dma_start3A_12 = tpu.memref_squeeze %dma_start3A_11 : memref<1x128x128xf32, #tpu.memory_space<vmem>> -> memref<128x128xf32, #tpu.memory_space<vmem>>
    %dma_start3A_13 = arith.constant 0 : i32
    %dma_start3A_14 = tpu.memref_slice %arg6[%dma_start3A, %dma_start3A_13] : memref<40x128xi32, #tpu.memory_space<vmem>> -> memref<1x128xi32, #tpu.memory_space<vmem>>
    %dma_start3A_15 = tpu.memref_squeeze %dma_start3A_14 : memref<1x128xi32, #tpu.memory_space<vmem>> -> memref<128xi32, #tpu.memory_space<vmem>>
    %dma_start3A_16 = arith.constant 0 : i32
    %dma_start3A_17 = arith.constant 0 : i32
    %dma_start3A_18 = tpu.memref_slice %arg2[%dma_start3A_16, %dma_start3A_17] : memref<10000x128xf32, #tpu.memory_space<hbm>> -> memref<10000x128xf32, #tpu.memory_space<hbm>>
    %dma_start3A_19 = tpu.memref_slice %arg10[%dma_start3A_8] : memref<2x!tpu.dma_semaphore, #tpu.memory_space<semaphore_mem>> -> memref<1x!tpu.dma_semaphore, #tpu.memory_space<semaphore_mem>>
    %dma_start3A_20 = tpu.memref_squeeze %dma_start3A_19 : memref<1x!tpu.dma_semaphore, #tpu.memory_space<semaphore_mem>> -> memref<!tpu.dma_semaphore, #tpu.memory_space<semaphore_mem>>
    tpu.enqueue_indirect_dma source(%dma_start3A_18 : memref<10000x128xf32, #tpu.memory_space<hbm>>) target(%dma_start3A_12 : memref<128x128xf32, #tpu.memory_space<vmem>>) offsets(%dma_start3A_15 : memref<128xi32, #tpu.memory_space<vmem>>) semaphore(%dma_start3A_20 : memref<!tpu.dma_semaphore, #tpu.memory_space<semaphore_mem>>)
    %broadcast_in_dim3A = arith.constant 0.000000e+00 : f32
    %broadcast_in_dim3A_21 = vector.broadcast %broadcast_in_dim3A : f32 to vector<16xf32>
    %scan3A = arith.constant 0 : i32
    %scan3A_22 = arith.constant 0 : i32
    %scan3A_23 = arith.constant 128 : i32
    %scan3A_24 = arith.addi %scan3A_22, %scan3A_23 : i32
    %scan3A_25 = arith.constant 1 : i32
    scf.for %scan3A_123 = %scan3A_22 to %scan3A_24 step %scan3A_25  : i32 {
      %swap3A = arith.constant 1 : i32
      %swap3A_124 = arith.index_cast %swap3A : i32 to index
      %swap3A_125 = arith.index_cast %scan3A_123 : i32 to index
      %swap3A_126 = arith.constant 0 : index
      %swap3A_127 = tpu.vector_load %arg8[%swap3A_124, %swap3A_125, %swap3A_126] {strides = array<i32>} : memref<2x128x128xf32, #tpu.memory_space<vmem>>, vector<1x1x16xf32>,
      %swap3A_128 = vector.shape_cast %swap3A_127 : vector<1x1x16xf32> to vector<16xf32>
      %swap3A_129 = vector.shape_cast %broadcast_in_dim3A_21 : vector<16xf32> to vector<1x1x16xf32>
      tpu.vector_store %arg8[%swap3A_124, %swap3A_125, %swap3A_126], %swap3A_129 {strides = array<i32>} : memref<2x128x128xf32, #tpu.memory_space<vmem>>, vector<1x1x16xf32>,
      %swap3A_130 = arith.constant 1 : i32
      %swap3A_131 = arith.index_cast %swap3A_130 : i32 to index
      %swap3A_132 = arith.index_cast %scan3A_123 : i32 to index
      %swap3A_133 = arith.constant 16 : index
      %swap3A_134 = tpu.vector_load %arg8[%swap3A_131, %swap3A_132, %swap3A_133] {strides = array<i32>} : memref<2x128x128xf32, #tpu.memory_space<vmem>>, vector<1x1x16xf32>,
      %swap3A_135 = vector.shape_cast %swap3A_134 : vector<1x1x16xf32> to vector<16xf32>
      %swap3A_136 = vector.shape_cast %broadcast_in_dim3A_21 : vector<16xf32> to vector<1x1x16xf32>
      tpu.vector_store %arg8[%swap3A_131, %swap3A_132, %swap3A_133], %swap3A_136 {strides = array<i32>} : memref<2x128x128xf32, #tpu.memory_space<vmem>>, vector<1x1x16xf32>,
      %swap3A_137 = arith.constant 1 : i32
      %swap3A_138 = arith.index_cast %swap3A_137 : i32 to index
      %swap3A_139 = arith.index_cast %scan3A_123 : i32 to index
      %swap3A_140 = arith.constant 32 : index
      %swap3A_141 = tpu.vector_load %arg8[%swap3A_138, %swap3A_139, %swap3A_140] {strides = array<i32>} : memref<2x128x128xf32, #tpu.memory_space<vmem>>, vector<1x1x16xf32>,
      %swap3A_142 = vector.shape_cast %swap3A_141 : vector<1x1x16xf32> to vector<16xf32>
      %swap3A_143 = vector.shape_cast %broadcast_in_dim3A_21 : vector<16xf32> to vector<1x1x16xf32>
      tpu.vector_store %arg8[%swap3A_138, %swap3A_139, %swap3A_140], %swap3A_143 {strides = array<i32>} : memref<2x128x128xf32, #tpu.memory_space<vmem>>, vector<1x1x16xf32>,
      %swap3A_144 = arith.constant 1 : i32
      %swap3A_145 = arith.index_cast %swap3A_144 : i32 to index
      %swap3A_146 = arith.index_cast %scan3A_123 : i32 to index
      %swap3A_147 = arith.constant 48 : index
      %swap3A_148 = tpu.vector_load %arg8[%swap3A_145, %swap3A_146, %swap3A_147] {strides = array<i32>} : memref<2x128x128xf32, #tpu.memory_space<vmem>>, vector<1x1x16xf32>,
      %swap3A_149 = vector.shape_cast %swap3A_148 : vector<1x1x16xf32> to vector<16xf32>
      %swap3A_150 = vector.shape_cast %broadcast_in_dim3A_21 : vector<16xf32> to vector<1x1x16xf32>
      tpu.vector_store %arg8[%swap3A_145, %swap3A_146, %swap3A_147], %swap3A_150 {strides = array<i32>} : memref<2x128x128xf32, #tpu.memory_space<vmem>>, vector<1x1x16xf32>,
      %swap3A_151 = arith.constant 1 : i32
      %swap3A_152 = arith.index_cast %swap3A_151 : i32 to index
      %swap3A_153 = arith.index_cast %scan3A_123 : i32 to index
      %swap3A_154 = arith.constant 64 : index
      %swap3A_155 = tpu.vector_load %arg8[%swap3A_152, %swap3A_153, %swap3A_154] {strides = array<i32>} : memref<2x128x128xf32, #tpu.memory_space<vmem>>, vector<1x1x16xf32>,
      %swap3A_156 = vector.shape_cast %swap3A_155 : vector<1x1x16xf32> to vector<16xf32>
      %swap3A_157 = vector.shape_cast %broadcast_in_dim3A_21 : vector<16xf32> to vector<1x1x16xf32>
      tpu.vector_store %arg8[%swap3A_152, %swap3A_153, %swap3A_154], %swap3A_157 {strides = array<i32>} : memref<2x128x128xf32, #tpu.memory_space<vmem>>, vector<1x1x16xf32>,
      %swap3A_158 = arith.constant 1 : i32
      %swap3A_159 = arith.index_cast %swap3A_158 : i32 to index
      %swap3A_160 = arith.index_cast %scan3A_123 : i32 to index
      %swap3A_161 = arith.constant 80 : index
      %swap3A_162 = tpu.vector_load %arg8[%swap3A_159, %swap3A_160, %swap3A_161] {strides = array<i32>} : memref<2x128x128xf32, #tpu.memory_space<vmem>>, vector<1x1x16xf32>,
      %swap3A_163 = vector.shape_cast %swap3A_162 : vector<1x1x16xf32> to vector<16xf32>
      %swap3A_164 = vector.shape_cast %broadcast_in_dim3A_21 : vector<16xf32> to vector<1x1x16xf32>
      tpu.vector_store %arg8[%swap3A_159, %swap3A_160, %swap3A_161], %swap3A_164 {strides = array<i32>} : memref<2x128x128xf32, #tpu.memory_space<vmem>>, vector<1x1x16xf32>,
      %swap3A_165 = arith.constant 1 : i32
      %swap3A_166 = arith.index_cast %swap3A_165 : i32 to index
      %swap3A_167 = arith.index_cast %scan3A_123 : i32 to index
      %swap3A_168 = arith.constant 96 : index
      %swap3A_169 = tpu.vector_load %arg8[%swap3A_166, %swap3A_167, %swap3A_168] {strides = array<i32>} : memref<2x128x128xf32, #tpu.memory_space<vmem>>, vector<1x1x16xf32>,
      %swap3A_170 = vector.shape_cast %swap3A_169 : vector<1x1x16xf32> to vector<16xf32>
      %swap3A_171 = vector.shape_cast %broadcast_in_dim3A_21 : vector<16xf32> to vector<1x1x16xf32>
      tpu.vector_store %arg8[%swap3A_166, %swap3A_167, %swap3A_168], %swap3A_171 {strides = array<i32>} : memref<2x128x128xf32, #tpu.memory_space<vmem>>, vector<1x1x16xf32>,
      %swap3A_172 = arith.constant 1 : i32
      %swap3A_173 = arith.index_cast %swap3A_172 : i32 to index
      %swap3A_174 = arith.index_cast %scan3A_123 : i32 to index
      %swap3A_175 = arith.constant 112 : index
      %swap3A_176 = tpu.vector_load %arg8[%swap3A_173, %swap3A_174, %swap3A_175] {strides = array<i32>} : memref<2x128x128xf32, #tpu.memory_space<vmem>>, vector<1x1x16xf32>,
      %swap3A_177 = vector.shape_cast %swap3A_176 : vector<1x1x16xf32> to vector<16xf32>
      %swap3A_178 = vector.shape_cast %broadcast_in_dim3A_21 : vector<16xf32> to vector<1x1x16xf32>
      tpu.vector_store %arg8[%swap3A_173, %swap3A_174, %swap3A_175], %swap3A_178 {strides = array<i32>} : memref<2x128x128xf32, #tpu.memory_space<vmem>>, vector<1x1x16xf32>,
    }
    %scan3A_26 = arith.constant 128 : i32
    %mul3A_27 = arith.constant 632 : i32
    %mul3A_28 = arith.muli %arg1, %mul3A_27 : i32
    %add3A_29 = arith.constant 0 : i32
    %add3A_30 = arith.addi %mul3A_28, %add3A_29 : i32
    %run_scoped3A = arith.constant 1 : i32
    "tpu.region"() ({
      %run_scoped3A_123 = tpu.sem_alloc : memref<!tpu.dma_semaphore, #tpu.memory_space<semaphore_mem>>
      %dma_start3A_124 = arith.constant 0 : i32
      %dma_start3A_125 = arith.constant 0 : i32
      %dma_start3A_126 = tpu.memref_slice %arg8[%run_scoped3A, %dma_start3A_124, %dma_start3A_125] : memref<2x128x128xf32, #tpu.memory_space<vmem>> -> memref<1x128x128xf32, #tpu.memory_space<vmem>>
      %dma_start3A_127 = tpu.memref_squeeze %dma_start3A_126 : memref<1x128x128xf32, #tpu.memory_space<vmem>> -> memref<128x128xf32, #tpu.memory_space<vmem>>
      %dma_start3A_128 = arith.constant 0 : i32
      %dma_start3A_129 = tpu.memref_slice %arg9[%add3A_30, %dma_start3A_128] : memref<10112x128xf32, #tpu.memory_space<vmem_shared>> -> memref<128x128xf32, #tpu.memory_space<vmem_shared>>
      %dma_start3A_130 = arith.constant 0 : i32
      %dma_start3A_131 = tpu.memref_slice %arg9[%add3A_30, %dma_start3A_130] : memref<10112x128xf32, #tpu.memory_space<vmem_shared>> -> memref<128x128xf32, #tpu.memory_space<vmem_shared>>
      %dma_start3A_132 = arith.constant 0 : i32
      %dma_start3A_133 = arith.constant 0 : i32
      %dma_start3A_134 = tpu.memref_slice %arg8[%run_scoped3A, %dma_start3A_132, %dma_start3A_133] : memref<2x128x128xf32, #tpu.memory_space<vmem>> -> memref<1x128x128xf32, #tpu.memory_space<vmem>>
      %dma_start3A_135 = tpu.memref_squeeze %dma_start3A_134 : memref<1x128x128xf32, #tpu.memory_space<vmem>> -> memref<128x128xf32, #tpu.memory_space<vmem>>
      tpu.enqueue_dma source(%dma_start3A_135 : memref<128x128xf32, #tpu.memory_space<vmem>>) target(%dma_start3A_131 : memref<128x128xf32, #tpu.memory_space<vmem_shared>>) target_semaphore(%run_scoped3A_123 : memref<!tpu.dma_semaphore, #tpu.memory_space<semaphore_mem>>)
      %dma_wait3A_136 = arith.constant 0 : i32
      %dma_wait3A_137 = arith.constant 0 : i32
      %dma_wait3A_138 = tpu.memref_slice %arg8[%run_scoped3A, %dma_wait3A_136, %dma_wait3A_137] : memref<2x128x128xf32, #tpu.memory_space<vmem>> -> memref<1x128x128xf32, #tpu.memory_space<vmem>>
      %dma_wait3A_139 = tpu.memref_squeeze %dma_wait3A_138 : memref<1x128x128xf32, #tpu.memory_space<vmem>> -> memref<128x128xf32, #tpu.memory_space<vmem>>
      %dma_wait3A_140 = arith.constant 0 : i32
      %dma_wait3A_141 = tpu.memref_slice %arg9[%add3A_30, %dma_wait3A_140] : memref<10112x128xf32, #tpu.memory_space<vmem_shared>> -> memref<128x128xf32, #tpu.memory_space<vmem_shared>>
      %dma_wait3A_142 = arith.constant 0 : i32
      %dma_wait3A_143 = tpu.memref_slice %arg9[%add3A_30, %dma_wait3A_142] : memref<10112x128xf32, #tpu.memory_space<vmem_shared>> -> memref<128x128xf32, #tpu.memory_space<vmem_shared>>
      %dma_wait3A_144 = arith.constant 0 : i32
      %dma_wait3A_145 = arith.constant 0 : i32
      %dma_wait3A_146 = tpu.memref_slice %arg8[%run_scoped3A, %dma_wait3A_144, %dma_wait3A_145] : memref<2x128x128xf32, #tpu.memory_space<vmem>> -> memref<1x128x128xf32, #tpu.memory_space<vmem>>
      %dma_wait3A_147 = tpu.memref_squeeze %dma_wait3A_146 : memref<1x128x128xf32, #tpu.memory_space<vmem>> -> memref<128x128xf32, #tpu.memory_space<vmem>>
      tpu.wait_dma2 semaphore(%run_scoped3A_123 : memref<!tpu.dma_semaphore, #tpu.memory_space<semaphore_mem>>) src(%dma_wait3A_147 : memref<128x128xf32, #tpu.memory_space<vmem>>) dst(%dma_wait3A_143 : memref<128x128xf32, #tpu.memory_space<vmem_shared>>)
      tpu.yield
    }) : () -> ()
    %mul3A_31 = arith.constant 632 : i32
    %mul3A_32 = arith.muli %arg1, %mul3A_31 : i32
    %add3A_33 = arith.constant 128 : i32
    %add3A_34 = arith.addi %mul3A_32, %add3A_33 : i32
    %run_scoped3A_35 = arith.constant 1 : i32
    "tpu.region"() ({
      %run_scoped3A_123 = tpu.sem_alloc : memref<!tpu.dma_semaphore, #tpu.memory_space<semaphore_mem>>
      %dma_start3A_124 = arith.constant 0 : i32
      %dma_start3A_125 = arith.constant 0 : i32
      %dma_start3A_126 = tpu.memref_slice %arg8[%run_scoped3A_35, %dma_start3A_124, %dma_start3A_125] : memref<2x128x128xf32, #tpu.memory_space<vmem>> -> memref<1x128x128xf32, #tpu.memory_space<vmem>>
      %dma_start3A_127 = tpu.memref_squeeze %dma_start3A_126 : memref<1x128x128xf32, #tpu.memory_space<vmem>> -> memref<128x128xf32, #tpu.memory_space<vmem>>
      %dma_start3A_128 = arith.constant 0 : i32
      %dma_start3A_129 = tpu.memref_slice %arg9[%add3A_34, %dma_start3A_128] : memref<10112x128xf32, #tpu.memory_space<vmem_shared>> -> memref<128x128xf32, #tpu.memory_space<vmem_shared>>
      %dma_start3A_130 = arith.constant 0 : i32
      %dma_start3A_131 = tpu.memref_slice %arg9[%add3A_34, %dma_start3A_130] : memref<10112x128xf32, #tpu.memory_space<vmem_shared>> -> memref<128x128xf32, #tpu.memory_space<vmem_shared>>
      %dma_start3A_132 = arith.constant 0 : i32
      %dma_start3A_133 = arith.constant 0 : i32
      %dma_start3A_134 = tpu.memref_slice %arg8[%run_scoped3A_35, %dma_start3A_132, %dma_start3A_133] : memref<2x128x128xf32, #tpu.memory_space<vmem>> -> memref<1x128x128xf32, #tpu.memory_space<vmem>>
      %dma_start3A_135 = tpu.memref_squeeze %dma_start3A_134 : memref<1x128x128xf32, #tpu.memory_space<vmem>> -> memref<128x128xf32, #tpu.memory_space<vmem>>
      tpu.enqueue_dma source(%dma_start3A_135 : memref<128x128xf32, #tpu.memory_space<vmem>>) target(%dma_start3A_131 : memref<128x128xf32, #tpu.memory_space<vmem_shared>>) target_semaphore(%run_scoped3A_123 : memref<!tpu.dma_semaphore, #tpu.memory_space<semaphore_mem>>)
      %dma_wait3A_136 = arith.constant 0 : i32
      %dma_wait3A_137 = arith.constant 0 : i32
      %dma_wait3A_138 = tpu.memref_slice %arg8[%run_scoped3A_35, %dma_wait3A_136, %dma_wait3A_137] : memref<2x128x128xf32, #tpu.memory_space<vmem>> -> memref<1x128x128xf32, #tpu.memory_space<vmem>>
      %dma_wait3A_139 = tpu.memref_squeeze %dma_wait3A_138 : memref<1x128x128xf32, #tpu.memory_space<vmem>> -> memref<128x128xf32, #tpu.memory_space<vmem>>
      %dma_wait3A_140 = arith.constant 0 : i32
      %dma_wait3A_141 = tpu.memref_slice %arg9[%add3A_34, %dma_wait3A_140] : memref<10112x128xf32, #tpu.memory_space<vmem_shared>> -> memref<128x128xf32, #tpu.memory_space<vmem_shared>>
      %dma_wait3A_142 = arith.constant 0 : i32
      %dma_wait3A_143 = tpu.memref_slice %arg9[%add3A_34, %dma_wait3A_142] : memref<10112x128xf32, #tpu.memory_space<vmem_shared>> -> memref<128x128xf32, #tpu.memory_space<vmem_shared>>
      %dma_wait3A_144 = arith.constant 0 : i32
      %dma_wait3A_145 = arith.constant 0 : i32
      %dma_wait3A_146 = tpu.memref_slice %arg8[%run_scoped3A_35, %dma_wait3A_144, %dma_wait3A_145] : memref<2x128x128xf32, #tpu.memory_space<vmem>> -> memref<1x128x128xf32, #tpu.memory_space<vmem>>
      %dma_wait3A_147 = tpu.memref_squeeze %dma_wait3A_146 : memref<1x128x128xf32, #tpu.memory_space<vmem>> -> memref<128x128xf32, #tpu.memory_space<vmem>>
      tpu.wait_dma2 semaphore(%run_scoped3A_123 : memref<!tpu.dma_semaphore, #tpu.memory_space<semaphore_mem>>) src(%dma_wait3A_147 : memref<128x128xf32, #tpu.memory_space<vmem>>) dst(%dma_wait3A_143 : memref<128x128xf32, #tpu.memory_space<vmem_shared>>)
      tpu.yield
    }) : () -> ()
    %mul3A_36 = arith.constant 632 : i32
    %mul3A_37 = arith.muli %arg1, %mul3A_36 : i32
    %add3A_38 = arith.constant 256 : i32
    %add3A_39 = arith.addi %mul3A_37, %add3A_38 : i32
    %run_scoped3A_40 = arith.constant 1 : i32
    "tpu.region"() ({
      %run_scoped3A_123 = tpu.sem_alloc : memref<!tpu.dma_semaphore, #tpu.memory_space<semaphore_mem>>
      %dma_start3A_124 = arith.constant 0 : i32
      %dma_start3A_125 = arith.constant 0 : i32
      %dma_start3A_126 = tpu.memref_slice %arg8[%run_scoped3A_40, %dma_start3A_124, %dma_start3A_125] : memref<2x128x128xf32, #tpu.memory_space<vmem>> -> memref<1x128x128xf32, #tpu.memory_space<vmem>>
      %dma_start3A_127 = tpu.memref_squeeze %dma_start3A_126 : memref<1x128x128xf32, #tpu.memory_space<vmem>> -> memref<128x128xf32, #tpu.memory_space<vmem>>
      %dma_start3A_128 = arith.constant 0 : i32
      %dma_start3A_129 = tpu.memref_slice %arg9[%add3A_39, %dma_start3A_128] : memref<10112x128xf32, #tpu.memory_space<vmem_shared>> -> memref<128x128xf32, #tpu.memory_space<vmem_shared>>
      %dma_start3A_130 = arith.constant 0 : i32
      %dma_start3A_131 = tpu.memref_slice %arg9[%add3A_39, %dma_start3A_130] : memref<10112x128xf32, #tpu.memory_space<vmem_shared>> -> memref<128x128xf32, #tpu.memory_space<vmem_shared>>
      %dma_start3A_132 = arith.constant 0 : i32
      %dma_start3A_133 = arith.constant 0 : i32
      %dma_start3A_134 = tpu.memref_slice %arg8[%run_scoped3A_40, %dma_start3A_132, %dma_start3A_133] : memref<2x128x128xf32, #tpu.memory_space<vmem>> -> memref<1x128x128xf32, #tpu.memory_space<vmem>>
      %dma_start3A_135 = tpu.memref_squeeze %dma_start3A_134 : memref<1x128x128xf32, #tpu.memory_space<vmem>> -> memref<128x128xf32, #tpu.memory_space<vmem>>
      tpu.enqueue_dma source(%dma_start3A_135 : memref<128x128xf32, #tpu.memory_space<vmem>>) target(%dma_start3A_131 : memref<128x128xf32, #tpu.memory_space<vmem_shared>>) target_semaphore(%run_scoped3A_123 : memref<!tpu.dma_semaphore, #tpu.memory_space<semaphore_mem>>)
      %dma_wait3A_136 = arith.constant 0 : i32
      %dma_wait3A_137 = arith.constant 0 : i32
      %dma_wait3A_138 = tpu.memref_slice %arg8[%run_scoped3A_40, %dma_wait3A_136, %dma_wait3A_137] : memref<2x128x128xf32, #tpu.memory_space<vmem>> -> memref<1x128x128xf32, #tpu.memory_space<vmem>>
      %dma_wait3A_139 = tpu.memref_squeeze %dma_wait3A_138 : memref<1x128x128xf32, #tpu.memory_space<vmem>> -> memref<128x128xf32, #tpu.memory_space<vmem>>
      %dma_wait3A_140 = arith.constant 0 : i32
      %dma_wait3A_141 = tpu.memref_slice %arg9[%add3A_39, %dma_wait3A_140] : memref<10112x128xf32, #tpu.memory_space<vmem_shared>> -> memref<128x128xf32, #tpu.memory_space<vmem_shared>>
      %dma_wait3A_142 = arith.constant 0 : i32
      %dma_wait3A_143 = tpu.memref_slice %arg9[%add3A_39, %dma_wait3A_142] : memref<10112x128xf32, #tpu.memory_space<vmem_shared>> -> memref<128x128xf32, #tpu.memory_space<vmem_shared>>
      %dma_wait3A_144 = arith.constant 0 : i32
      %dma_wait3A_145 = arith.constant 0 : i32
      %dma_wait3A_146 = tpu.memref_slice %arg8[%run_scoped3A_40, %dma_wait3A_144, %dma_wait3A_145] : memref<2x128x128xf32, #tpu.memory_space<vmem>> -> memref<1x128x128xf32, #tpu.memory_space<vmem>>
      %dma_wait3A_147 = tpu.memref_squeeze %dma_wait3A_146 : memref<1x128x128xf32, #tpu.memory_space<vmem>> -> memref<128x128xf32, #tpu.memory_space<vmem>>
      tpu.wait_dma2 semaphore(%run_scoped3A_123 : memref<!tpu.dma_semaphore, #tpu.memory_space<semaphore_mem>>) src(%dma_wait3A_147 : memref<128x128xf32, #tpu.memory_space<vmem>>) dst(%dma_wait3A_143 : memref<128x128xf32, #tpu.memory_space<vmem_shared>>)
      tpu.yield
    }) : () -> ()
    %mul3A_41 = arith.constant 632 : i32
    %mul3A_42 = arith.muli %arg1, %mul3A_41 : i32
    %add3A_43 = arith.constant 384 : i32
    %add3A_44 = arith.addi %mul3A_42, %add3A_43 : i32
    %run_scoped3A_45 = arith.constant 1 : i32
    "tpu.region"() ({
      %run_scoped3A_123 = tpu.sem_alloc : memref<!tpu.dma_semaphore, #tpu.memory_space<semaphore_mem>>
      %dma_start3A_124 = arith.constant 0 : i32
      %dma_start3A_125 = arith.constant 0 : i32
      %dma_start3A_126 = tpu.memref_slice %arg8[%run_scoped3A_45, %dma_start3A_124, %dma_start3A_125] : memref<2x128x128xf32, #tpu.memory_space<vmem>> -> memref<1x128x128xf32, #tpu.memory_space<vmem>>
      %dma_start3A_127 = tpu.memref_squeeze %dma_start3A_126 : memref<1x128x128xf32, #tpu.memory_space<vmem>> -> memref<128x128xf32, #tpu.memory_space<vmem>>
      %dma_start3A_128 = arith.constant 0 : i32
      %dma_start3A_129 = tpu.memref_slice %arg9[%add3A_44, %dma_start3A_128] : memref<10112x128xf32, #tpu.memory_space<vmem_shared>> -> memref<128x128xf32, #tpu.memory_space<vmem_shared>>
      %dma_start3A_130 = arith.constant 0 : i32
      %dma_start3A_131 = tpu.memref_slice %arg9[%add3A_44, %dma_start3A_130] : memref<10112x128xf32, #tpu.memory_space<vmem_shared>> -> memref<128x128xf32, #tpu.memory_space<vmem_shared>>
      %dma_start3A_132 = arith.constant 0 : i32
      %dma_start3A_133 = arith.constant 0 : i32
      %dma_start3A_134 = tpu.memref_slice %arg8[%run_scoped3A_45, %dma_start3A_132, %dma_start3A_133] : memref<2x128x128xf32, #tpu.memory_space<vmem>> -> memref<1x128x128xf32, #tpu.memory_space<vmem>>
      %dma_start3A_135 = tpu.memref_squeeze %dma_start3A_134 : memref<1x128x128xf32, #tpu.memory_space<vmem>> -> memref<128x128xf32, #tpu.memory_space<vmem>>
      tpu.enqueue_dma source(%dma_start3A_135 : memref<128x128xf32, #tpu.memory_space<vmem>>) target(%dma_start3A_131 : memref<128x128xf32, #tpu.memory_space<vmem_shared>>) target_semaphore(%run_scoped3A_123 : memref<!tpu.dma_semaphore, #tpu.memory_space<semaphore_mem>>)
      %dma_wait3A_136 = arith.constant 0 : i32
      %dma_wait3A_137 = arith.constant 0 : i32
      %dma_wait3A_138 = tpu.memref_slice %arg8[%run_scoped3A_45, %dma_wait3A_136, %dma_wait3A_137] : memref<2x128x128xf32, #tpu.memory_space<vmem>> -> memref<1x128x128xf32, #tpu.memory_space<vmem>>
      %dma_wait3A_139 = tpu.memref_squeeze %dma_wait3A_138 : memref<1x128x128xf32, #tpu.memory_space<vmem>> -> memref<128x128xf32, #tpu.memory_space<vmem>>
      %dma_wait3A_140 = arith.constant 0 : i32
      %dma_wait3A_141 = tpu.memref_slice %arg9[%add3A_44, %dma_wait3A_140] : memref<10112x128xf32, #tpu.memory_space<vmem_shared>> -> memref<128x128xf32, #tpu.memory_space<vmem_shared>>
      %dma_wait3A_142 = arith.constant 0 : i32
      %dma_wait3A_143 = tpu.memref_slice %arg9[%add3A_44, %dma_wait3A_142] : memref<10112x128xf32, #tpu.memory_space<vmem_shared>> -> memref<128x128xf32, #tpu.memory_space<vmem_shared>>
      %dma_wait3A_144 = arith.constant 0 : i32
      %dma_wait3A_145 = arith.constant 0 : i32
      %dma_wait3A_146 = tpu.memref_slice %arg8[%run_scoped3A_45, %dma_wait3A_144, %dma_wait3A_145] : memref<2x128x128xf32, #tpu.memory_space<vmem>> -> memref<1x128x128xf32, #tpu.memory_space<vmem>>
      %dma_wait3A_147 = tpu.memref_squeeze %dma_wait3A_146 : memref<1x128x128xf32, #tpu.memory_space<vmem>> -> memref<128x128xf32, #tpu.memory_space<vmem>>
      tpu.wait_dma2 semaphore(%run_scoped3A_123 : memref<!tpu.dma_semaphore, #tpu.memory_space<semaphore_mem>>) src(%dma_wait3A_147 : memref<128x128xf32, #tpu.memory_space<vmem>>) dst(%dma_wait3A_143 : memref<128x128xf32, #tpu.memory_space<vmem_shared>>)
      tpu.yield
    }) : () -> ()
    %mul3A_46 = arith.constant 632 : i32
    %mul3A_47 = arith.muli %arg1, %mul3A_46 : i32
    %add3A_48 = arith.constant 512 : i32
    %add3A_49 = arith.addi %mul3A_47, %add3A_48 : i32
    %run_scoped3A_50 = arith.constant 1 : i32
    "tpu.region"() ({
      %run_scoped3A_123 = tpu.sem_alloc : memref<!tpu.dma_semaphore, #tpu.memory_space<semaphore_mem>>
      %dma_start3A_124 = arith.constant 0 : i32
      %dma_start3A_125 = arith.constant 0 : i32
      %dma_start3A_126 = tpu.memref_slice %arg8[%run_scoped3A_50, %dma_start3A_124, %dma_start3A_125] : memref<2x128x128xf32, #tpu.memory_space<vmem>> -> memref<1x120x128xf32, #tpu.memory_space<vmem>>
      %dma_start3A_127 = tpu.memref_squeeze %dma_start3A_126 : memref<1x120x128xf32, #tpu.memory_space<vmem>> -> memref<120x128xf32, #tpu.memory_space<vmem>>
      %dma_start3A_128 = arith.constant 0 : i32
      %dma_start3A_129 = tpu.memref_slice %arg9[%add3A_49, %dma_start3A_128] : memref<10112x128xf32, #tpu.memory_space<vmem_shared>> -> memref<120x128xf32, #tpu.memory_space<vmem_shared>>
      %dma_start3A_130 = arith.constant 0 : i32
      %dma_start3A_131 = tpu.memref_slice %arg9[%add3A_49, %dma_start3A_130] : memref<10112x128xf32, #tpu.memory_space<vmem_shared>> -> memref<120x128xf32, #tpu.memory_space<vmem_shared>>
      %dma_start3A_132 = arith.constant 0 : i32
      %dma_start3A_133 = arith.constant 0 : i32
      %dma_start3A_134 = tpu.memref_slice %arg8[%run_scoped3A_50, %dma_start3A_132, %dma_start3A_133] : memref<2x128x128xf32, #tpu.memory_space<vmem>> -> memref<1x120x128xf32, #tpu.memory_space<vmem>>
      %dma_start3A_135 = tpu.memref_squeeze %dma_start3A_134 : memref<1x120x128xf32, #tpu.memory_space<vmem>> -> memref<120x128xf32, #tpu.memory_space<vmem>>
      tpu.enqueue_dma source(%dma_start3A_135 : memref<120x128xf32, #tpu.memory_space<vmem>>) target(%dma_start3A_131 : memref<120x128xf32, #tpu.memory_space<vmem_shared>>) target_semaphore(%run_scoped3A_123 : memref<!tpu.dma_semaphore, #tpu.memory_space<semaphore_mem>>)
      %dma_wait3A_136 = arith.constant 0 : i32
      %dma_wait3A_137 = arith.constant 0 : i32
      %dma_wait3A_138 = tpu.memref_slice %arg8[%run_scoped3A_50, %dma_wait3A_136, %dma_wait3A_137] : memref<2x128x128xf32, #tpu.memory_space<vmem>> -> memref<1x120x128xf32, #tpu.memory_space<vmem>>
      %dma_wait3A_139 = tpu.memref_squeeze %dma_wait3A_138 : memref<1x120x128xf32, #tpu.memory_space<vmem>> -> memref<120x128xf32, #tpu.memory_space<vmem>>
      %dma_wait3A_140 = arith.constant 0 : i32
      %dma_wait3A_141 = tpu.memref_slice %arg9[%add3A_49, %dma_wait3A_140] : memref<10112x128xf32, #tpu.memory_space<vmem_shared>> -> memref<120x128xf32, #tpu.memory_space<vmem_shared>>
      %dma_wait3A_142 = arith.constant 0 : i32
      %dma_wait3A_143 = tpu.memref_slice %arg9[%add3A_49, %dma_wait3A_142] : memref<10112x128xf32, #tpu.memory_space<vmem_shared>> -> memref<120x128xf32, #tpu.memory_space<vmem_shared>>
      %dma_wait3A_144 = arith.constant 0 : i32
      %dma_wait3A_145 = arith.constant 0 : i32
      %dma_wait3A_146 = tpu.memref_slice %arg8[%run_scoped3A_50, %dma_wait3A_144, %dma_wait3A_145] : memref<2x128x128xf32, #tpu.memory_space<vmem>> -> memref<1x120x128xf32, #tpu.memory_space<vmem>>
      %dma_wait3A_147 = tpu.memref_squeeze %dma_wait3A_146 : memref<1x120x128xf32, #tpu.memory_space<vmem>> -> memref<120x128xf32, #tpu.memory_space<vmem>>
      tpu.wait_dma2 semaphore(%run_scoped3A_123 : memref<!tpu.dma_semaphore, #tpu.memory_space<semaphore_mem>>) src(%dma_wait3A_147 : memref<120x128xf32, #tpu.memory_space<vmem>>) dst(%dma_wait3A_143 : memref<120x128xf32, #tpu.memory_space<vmem_shared>>)
      tpu.yield
    }) : () -> ()
    %barrier3A = arith.constant 0 : index
    tpu.barrier barrier_id(%barrier3A)
    %scan3A_51 = arith.constant 0 : i32
    %scan3A_52 = arith.constant 0 : i32
    %scan3A_53 = arith.constant 40 : i32
    %scan3A_54 = arith.addi %scan3A_52, %scan3A_53 : i32
    %scan3A_55 = arith.constant 1 : i32
    scf.for %scan3A_123 = %scan3A_52 to %scan3A_54 step %scan3A_55  : i32 {
      %rem3A_124 = arith.constant 2 : i32
      %rem3A_125 = arith.remsi %scan3A_123, %rem3A_124 : i32
      %sub3A = arith.constant 1 : i32
      %sub3A_126 = arith.subi %sub3A, %rem3A_125 : i32
      %gt3A = arith.constant 0 : i32
      %gt3A_127 = arith.cmpi sgt, %scan3A_123, %gt3A : i32
      %convert_element_type3A = arith.extui %gt3A_127 : i1 to i32
      %cond3A = arith.constant 0 : i32
      %cond3A_128 = arith.cmpi ne, %convert_element_type3A, %cond3A : i32
      scf.if %cond3A_128 {
        %sub3A_159 = arith.constant 1 : i32
        %sub3A_160 = arith.subi %scan3A_123, %sub3A_159 : i32
        %dma_wait3A_161 = arith.constant 0 : i32
        %dma_wait3A_162 = arith.constant 0 : i32
        %dma_wait3A_163 = tpu.memref_slice %arg8[%sub3A_126, %dma_wait3A_161, %dma_wait3A_162] : memref<2x128x128xf32, #tpu.memory_space<vmem>> -> memref<1x128x128xf32, #tpu.memory_space<vmem>>
        %dma_wait3A_164 = tpu.memref_squeeze %dma_wait3A_163 : memref<1x128x128xf32, #tpu.memory_space<vmem>> -> memref<128x128xf32, #tpu.memory_space<vmem>>
        %dma_wait3A_165 = arith.constant 0 : i32
        %dma_wait3A_166 = tpu.memref_slice %arg7[%sub3A_160, %dma_wait3A_165] : memref<40x128xi32, #tpu.memory_space<vmem>> -> memref<1x128xi32, #tpu.memory_space<vmem>>
        %dma_wait3A_167 = tpu.memref_squeeze %dma_wait3A_166 : memref<1x128xi32, #tpu.memory_space<vmem>> -> memref<128xi32, #tpu.memory_space<vmem>>
        %dma_wait3A_168 = arith.constant 0 : i32
        %dma_wait3A_169 = arith.constant 0 : i32
        %dma_wait3A_170 = tpu.memref_slice %arg9[%dma_wait3A_168, %dma_wait3A_169] : memref<10112x128xf32, #tpu.memory_space<vmem_shared>> -> memref<10112x128xf32, #tpu.memory_space<vmem_shared>>
        %dma_wait3A_171 = tpu.memref_slice %arg11[%sub3A_126] : memref<2x!tpu.dma_semaphore, #tpu.memory_space<semaphore_mem>> -> memref<1x!tpu.dma_semaphore, #tpu.memory_space<semaphore_mem>>
        %dma_wait3A_172 = tpu.memref_squeeze %dma_wait3A_171 : memref<1x!tpu.dma_semaphore, #tpu.memory_space<semaphore_mem>> -> memref<!tpu.dma_semaphore, #tpu.memory_space<semaphore_mem>>
        tpu.wait_indirect_dma semaphore(%dma_wait3A_172 : memref<!tpu.dma_semaphore, #tpu.memory_space<semaphore_mem>>) src(%dma_wait3A_164 : memref<128x128xf32, #tpu.memory_space<vmem>>) dst(%dma_wait3A_170 : memref<10112x128xf32, #tpu.memory_space<vmem_shared>>)
      } else {
      }
      %add3A_129 = arith.constant 1 : i32
      %add3A_130 = arith.addi %scan3A_123, %add3A_129 : i32
      %lt3A = arith.constant 40 : i32
      %lt3A_131 = arith.cmpi slt, %add3A_130, %lt3A : i32
      %convert_element_type3A_132 = arith.extui %lt3A_131 : i1 to i32
      %cond3A_133 = arith.constant 0 : i32
      %cond3A_134 = arith.cmpi ne, %convert_element_type3A_132, %cond3A_133 : i32
      scf.if %cond3A_134 {
        %add3A_159 = arith.constant 1 : i32
        %add3A_160 = arith.addi %scan3A_123, %add3A_159 : i32
        %dma_start3A_161 = arith.constant 0 : i32
        %dma_start3A_162 = arith.constant 0 : i32
        %dma_start3A_163 = tpu.memref_slice %arg8[%sub3A_126, %dma_start3A_161, %dma_start3A_162] : memref<2x128x128xf32, #tpu.memory_space<vmem>> -> memref<1x128x128xf32, #tpu.memory_space<vmem>>
        %dma_start3A_164 = tpu.memref_squeeze %dma_start3A_163 : memref<1x128x128xf32, #tpu.memory_space<vmem>> -> memref<128x128xf32, #tpu.memory_space<vmem>>
        %dma_start3A_165 = arith.constant 0 : i32
        %dma_start3A_166 = tpu.memref_slice %arg6[%add3A_160, %dma_start3A_165] : memref<40x128xi32, #tpu.memory_space<vmem>> -> memref<1x128xi32, #tpu.memory_space<vmem>>
        %dma_start3A_167 = tpu.memref_squeeze %dma_start3A_166 : memref<1x128xi32, #tpu.memory_space<vmem>> -> memref<128xi32, #tpu.memory_space<vmem>>
        %dma_start3A_168 = arith.constant 0 : i32
        %dma_start3A_169 = arith.constant 0 : i32
        %dma_start3A_170 = tpu.memref_slice %arg2[%dma_start3A_168, %dma_start3A_169] : memref<10000x128xf32, #tpu.memory_space<hbm>> -> memref<10000x128xf32, #tpu.memory_space<hbm>>
        %dma_start3A_171 = tpu.memref_slice %arg10[%sub3A_126] : memref<2x!tpu.dma_semaphore, #tpu.memory_space<semaphore_mem>> -> memref<1x!tpu.dma_semaphore, #tpu.memory_space<semaphore_mem>>
        %dma_start3A_172 = tpu.memref_squeeze %dma_start3A_171 : memref<1x!tpu.dma_semaphore, #tpu.memory_space<semaphore_mem>> -> memref<!tpu.dma_semaphore, #tpu.memory_space<semaphore_mem>>
        tpu.enqueue_indirect_dma source(%dma_start3A_170 : memref<10000x128xf32, #tpu.memory_space<hbm>>) target(%dma_start3A_164 : memref<128x128xf32, #tpu.memory_space<vmem>>) offsets(%dma_start3A_167 : memref<128xi32, #tpu.memory_space<vmem>>) semaphore(%dma_start3A_172 : memref<!tpu.dma_semaphore, #tpu.memory_space<semaphore_mem>>)
      } else {
      }
      %dma_wait3A_135 = arith.constant 0 : i32
      %dma_wait3A_136 = arith.constant 0 : i32
      %dma_wait3A_137 = tpu.memref_slice %arg8[%rem3A_125, %dma_wait3A_135, %dma_wait3A_136] : memref<2x128x128xf32, #tpu.memory_space<vmem>> -> memref<1x128x128xf32, #tpu.memory_space<vmem>>
      %dma_wait3A_138 = tpu.memref_squeeze %dma_wait3A_137 : memref<1x128x128xf32, #tpu.memory_space<vmem>> -> memref<128x128xf32, #tpu.memory_space<vmem>>
      %dma_wait3A_139 = arith.constant 0 : i32
      %dma_wait3A_140 = tpu.memref_slice %arg6[%scan3A_123, %dma_wait3A_139] : memref<40x128xi32, #tpu.memory_space<vmem>> -> memref<1x128xi32, #tpu.memory_space<vmem>>
      %dma_wait3A_141 = tpu.memref_squeeze %dma_wait3A_140 : memref<1x128xi32, #tpu.memory_space<vmem>> -> memref<128xi32, #tpu.memory_space<vmem>>
      %dma_wait3A_142 = arith.constant 0 : i32
      %dma_wait3A_143 = arith.constant 0 : i32
      %dma_wait3A_144 = tpu.memref_slice %arg2[%dma_wait3A_142, %dma_wait3A_143] : memref<10000x128xf32, #tpu.memory_space<hbm>> -> memref<10000x128xf32, #tpu.memory_space<hbm>>
      %dma_wait3A_145 = tpu.memref_slice %arg10[%rem3A_125] : memref<2x!tpu.dma_semaphore, #tpu.memory_space<semaphore_mem>> -> memref<1x!tpu.dma_semaphore, #tpu.memory_space<semaphore_mem>>
      %dma_wait3A_146 = tpu.memref_squeeze %dma_wait3A_145 : memref<1x!tpu.dma_semaphore, #tpu.memory_space<semaphore_mem>> -> memref<!tpu.dma_semaphore, #tpu.memory_space<semaphore_mem>>
      tpu.wait_indirect_dma semaphore(%dma_wait3A_146 : memref<!tpu.dma_semaphore, #tpu.memory_space<semaphore_mem>>) src(%dma_wait3A_144 : memref<10000x128xf32, #tpu.memory_space<hbm>>) dst(%dma_wait3A_138 : memref<128x128xf32, #tpu.memory_space<vmem>>)
      %dma_start3A_147 = arith.constant 0 : i32
      %dma_start3A_148 = arith.constant 0 : i32
      %dma_start3A_149 = tpu.memref_slice %arg8[%rem3A_125, %dma_start3A_147, %dma_start3A_148] : memref<2x128x128xf32, #tpu.memory_space<vmem>> -> memref<1x128x128xf32, #tpu.memory_space<vmem>>
      %dma_start3A_150 = tpu.memref_squeeze %dma_start3A_149 : memref<1x128x128xf32, #tpu.memory_space<vmem>> -> memref<128x128xf32, #tpu.memory_space<vmem>>
      %dma_start3A_151 = arith.constant 0 : i32
      %dma_start3A_152 = tpu.memref_slice %arg7[%scan3A_123, %dma_start3A_151] : memref<40x128xi32, #tpu.memory_space<vmem>> -> memref<1x128xi32, #tpu.memory_space<vmem>>
      %dma_start3A_153 = tpu.memref_squeeze %dma_start3A_152 : memref<1x128xi32, #tpu.memory_space<vmem>> -> memref<128xi32, #tpu.memory_space<vmem>>
      %dma_start3A_154 = arith.constant 0 : i32
      %dma_start3A_155 = arith.constant 0 : i32
      %dma_start3A_156 = tpu.memref_slice %arg9[%dma_start3A_154, %dma_start3A_155] : memref<10112x128xf32, #tpu.memory_space<vmem_shared>> -> memref<10112x128xf32, #tpu.memory_space<vmem_shared>>
      %dma_start3A_157 = tpu.memref_slice %arg11[%rem3A_125] : memref<2x!tpu.dma_semaphore, #tpu.memory_space<semaphore_mem>> -> memref<1x!tpu.dma_semaphore, #tpu.memory_space<semaphore_mem>>
      %dma_start3A_158 = tpu.memref_squeeze %dma_start3A_157 : memref<1x!tpu.dma_semaphore, #tpu.memory_space<semaphore_mem>> -> memref<!tpu.dma_semaphore, #tpu.memory_space<semaphore_mem>>
      tpu.enqueue_indirect_dma source(%dma_start3A_150 : memref<128x128xf32, #tpu.memory_space<vmem>>) target(%dma_start3A_156 : memref<10112x128xf32, #tpu.memory_space<vmem_shared>>) offsets(%dma_start3A_153 : memref<128xi32, #tpu.memory_space<vmem>>) semaphore(%dma_start3A_158 : memref<!tpu.dma_semaphore, #tpu.memory_space<semaphore_mem>>) {add = true}
    }
    %scan3A_56 = arith.constant 40 : i32
    %rem3A = arith.constant 39 : i32
    %rem3A_57 = arith.constant 2 : i32
    %rem3A_58 = arith.remsi %rem3A, %rem3A_57 : i32
    %rem3A_59 = arith.constant 39 : i32
    %rem3A_60 = arith.constant 2 : i32
    %rem3A_61 = arith.remsi %rem3A_59, %rem3A_60 : i32
    %dma_wait3A = arith.constant 39 : i32
    %dma_wait3A_62 = arith.constant 0 : i32
    %dma_wait3A_63 = arith.constant 0 : i32
    %dma_wait3A_64 = tpu.memref_slice %arg8[%rem3A_58, %dma_wait3A_62, %dma_wait3A_63] : memref<2x128x128xf32, #tpu.memory_space<vmem>> -> memref<1x128x128xf32, #tpu.memory_space<vmem>>
    %dma_wait3A_65 = tpu.memref_squeeze %dma_wait3A_64 : memref<1x128x128xf32, #tpu.memory_space<vmem>> -> memref<128x128xf32, #tpu.memory_space<vmem>>
    %dma_wait3A_66 = arith.constant 0 : i32
    %dma_wait3A_67 = tpu.memref_slice %arg7[%dma_wait3A, %dma_wait3A_66] : memref<40x128xi32, #tpu.memory_space<vmem>> -> memref<1x128xi32, #tpu.memory_space<vmem>>
    %dma_wait3A_68 = tpu.memref_squeeze %dma_wait3A_67 : memref<1x128xi32, #tpu.memory_space<vmem>> -> memref<128xi32, #tpu.memory_space<vmem>>
    %dma_wait3A_69 = arith.constant 0 : i32
    %dma_wait3A_70 = arith.constant 0 : i32
    %dma_wait3A_71 = tpu.memref_slice %arg9[%dma_wait3A_69, %dma_wait3A_70] : memref<10112x128xf32, #tpu.memory_space<vmem_shared>> -> memref<10112x128xf32, #tpu.memory_space<vmem_shared>>
    %dma_wait3A_72 = tpu.memref_slice %arg11[%rem3A_61] : memref<2x!tpu.dma_semaphore, #tpu.memory_space<semaphore_mem>> -> memref<1x!tpu.dma_semaphore, #tpu.memory_space<semaphore_mem>>
    %dma_wait3A_73 = tpu.memref_squeeze %dma_wait3A_72 : memref<1x!tpu.dma_semaphore, #tpu.memory_space<semaphore_mem>> -> memref<!tpu.dma_semaphore, #tpu.memory_space<semaphore_mem>>
    tpu.wait_indirect_dma semaphore(%dma_wait3A_73 : memref<!tpu.dma_semaphore, #tpu.memory_space<semaphore_mem>>) src(%dma_wait3A_65 : memref<128x128xf32, #tpu.memory_space<vmem>>) dst(%dma_wait3A_71 : memref<10112x128xf32, #tpu.memory_space<vmem_shared>>)
    %add3A_74 = arith.constant 40 : i32
    %add3A_75 = arith.addi %mul3A_2, %add3A_74 : i32
    "tpu.region"() ({
      %run_scoped3A_123 = tpu.sem_alloc : memref<!tpu.dma_semaphore, #tpu.memory_space<semaphore_mem>>
      %dma_start3A_124 = arith.constant 0 : i32
      %dma_start3A_125 = tpu.memref_slice %arg3[%add3A_75, %dma_start3A_124] : memref<2560x128xi32, #tpu.memory_space<hbm>> -> memref<40x128xi32, #tpu.memory_space<hbm>>
      %dma_start3A_126 = arith.constant 0 : i32
      %dma_start3A_127 = tpu.memref_slice %arg3[%add3A_75, %dma_start3A_126] : memref<2560x128xi32, #tpu.memory_space<hbm>> -> memref<40x128xi32, #tpu.memory_space<hbm>>
      tpu.enqueue_dma source(%dma_start3A_127 : memref<40x128xi32, #tpu.memory_space<hbm>>) target(%arg6 : memref<40x128xi32, #tpu.memory_space<vmem>>) target_semaphore(%run_scoped3A_123 : memref<!tpu.dma_semaphore, #tpu.memory_space<semaphore_mem>>)
      %dma_wait3A_128 = arith.constant 0 : i32
      %dma_wait3A_129 = tpu.memref_slice %arg3[%add3A_75, %dma_wait3A_128] : memref<2560x128xi32, #tpu.memory_space<hbm>> -> memref<40x128xi32, #tpu.memory_space<hbm>>
      %dma_wait3A_130 = arith.constant 0 : i32
      %dma_wait3A_131 = tpu.memref_slice %arg3[%add3A_75, %dma_wait3A_130] : memref<2560x128xi32, #tpu.memory_space<hbm>> -> memref<40x128xi32, #tpu.memory_space<hbm>>
      tpu.wait_dma2 semaphore(%run_scoped3A_123 : memref<!tpu.dma_semaphore, #tpu.memory_space<semaphore_mem>>) src(%dma_wait3A_131 : memref<40x128xi32, #tpu.memory_space<hbm>>) dst(%arg6 : memref<40x128xi32, #tpu.memory_space<vmem>>)
      tpu.yield
    }) : () -> ()
    %add3A_76 = arith.constant 40 : i32
    %add3A_77 = arith.addi %mul3A_2, %add3A_76 : i32
    "tpu.region"() ({
      %run_scoped3A_123 = tpu.sem_alloc : memref<!tpu.dma_semaphore, #tpu.memory_space<semaphore_mem>>
      %dma_start3A_124 = arith.constant 0 : i32
      %dma_start3A_125 = tpu.memref_slice %arg4[%add3A_77, %dma_start3A_124] : memref<2560x128xi32, #tpu.memory_space<hbm>> -> memref<40x128xi32, #tpu.memory_space<hbm>>
      %dma_start3A_126 = arith.constant 0 : i32
      %dma_start3A_127 = tpu.memref_slice %arg4[%add3A_77, %dma_start3A_126] : memref<2560x128xi32, #tpu.memory_space<hbm>> -> memref<40x128xi32, #tpu.memory_space<hbm>>
      tpu.enqueue_dma source(%dma_start3A_127 : memref<40x128xi32, #tpu.memory_space<hbm>>) target(%arg7 : memref<40x128xi32, #tpu.memory_space<vmem>>) target_semaphore(%run_scoped3A_123 : memref<!tpu.dma_semaphore, #tpu.memory_space<semaphore_mem>>)
      %dma_wait3A_128 = arith.constant 0 : i32
      %dma_wait3A_129 = tpu.memref_slice %arg4[%add3A_77, %dma_wait3A_128] : memref<2560x128xi32, #tpu.memory_space<hbm>> -> memref<40x128xi32, #tpu.memory_space<hbm>>
      %dma_wait3A_130 = arith.constant 0 : i32
      %dma_wait3A_131 = tpu.memref_slice %arg4[%add3A_77, %dma_wait3A_130] : memref<2560x128xi32, #tpu.memory_space<hbm>> -> memref<40x128xi32, #tpu.memory_space<hbm>>
      tpu.wait_dma2 semaphore(%run_scoped3A_123 : memref<!tpu.dma_semaphore, #tpu.memory_space<semaphore_mem>>) src(%dma_wait3A_131 : memref<40x128xi32, #tpu.memory_space<hbm>>) dst(%arg7 : memref<40x128xi32, #tpu.memory_space<vmem>>)
      tpu.yield
    }) : () -> ()
    %dma_start3A_78 = arith.constant 0 : i32
    %dma_start3A_79 = arith.constant 0 : i32
    %dma_start3A_80 = arith.constant 0 : i32
    %dma_start3A_81 = arith.constant 0 : i32
    %dma_start3A_82 = arith.constant 0 : i32
    %dma_start3A_83 = tpu.memref_slice %arg8[%dma_start3A_79, %dma_start3A_81, %dma_start3A_82] : memref<2x128x128xf32, #tpu.memory_space<vmem>> -> memref<1x128x128xf32, #tpu.memory_space<vmem>>
    %dma_start3A_84 = tpu.memref_squeeze %dma_start3A_83 : memref<1x128x128xf32, #tpu.memory_space<vmem>> -> memref<128x128xf32, #tpu.memory_space<vmem>>
    %dma_start3A_85 = arith.constant 0 : i32
    %dma_start3A_86 = tpu.memref_slice %arg6[%dma_start3A_78, %dma_start3A_85] : memref<40x128xi32, #tpu.memory_space<vmem>> -> memref<1x128xi32, #tpu.memory_space<vmem>>
    %dma_start3A_87 = tpu.memref_squeeze %dma_start3A_86 : memref<1x128xi32, #tpu.memory_space<vmem>> -> memref<128xi32, #tpu.memory_space<vmem>>
    %dma_start3A_88 = arith.constant 0 : i32
    %dma_start3A_89 = arith.constant 0 : i32
    %dma_start3A_90 = tpu.memref_slice %arg2[%dma_start3A_88, %dma_start3A_89] : memref<10000x128xf32, #tpu.memory_space<hbm>> -> memref<10000x128xf32, #tpu.memory_space<hbm>>
    %dma_start3A_91 = tpu.memref_slice %arg10[%dma_start3A_80] : memref<2x!tpu.dma_semaphore, #tpu.memory_space<semaphore_mem>> -> memref<1x!tpu.dma_semaphore, #tpu.memory_space<semaphore_mem>>
    %dma_start3A_92 = tpu.memref_squeeze %dma_start3A_91 : memref<1x!tpu.dma_semaphore, #tpu.memory_space<semaphore_mem>> -> memref<!tpu.dma_semaphore, #tpu.memory_space<semaphore_mem>>
    tpu.enqueue_indirect_dma source(%dma_start3A_90 : memref<10000x128xf32, #tpu.memory_space<hbm>>) target(%dma_start3A_84 : memref<128x128xf32, #tpu.memory_space<vmem>>) offsets(%dma_start3A_87 : memref<128xi32, #tpu.memory_space<vmem>>) semaphore(%dma_start3A_92 : memref<!tpu.dma_semaphore, #tpu.memory_space<semaphore_mem>>)
    %scan3A_93 = arith.constant 0 : i32
    %scan3A_94 = arith.constant 0 : i32
    %scan3A_95 = arith.constant 40 : i32
    %scan3A_96 = arith.addi %scan3A_94, %scan3A_95 : i32
    %scan3A_97 = arith.constant 1 : i32
    scf.for %scan3A_123 = %scan3A_94 to %scan3A_96 step %scan3A_97  : i32 {
      %rem3A_124 = arith.constant 2 : i32
      %rem3A_125 = arith.remsi %scan3A_123, %rem3A_124 : i32
      %sub3A = arith.constant 1 : i32
      %sub3A_126 = arith.subi %sub3A, %rem3A_125 : i32
      %gt3A = arith.constant 0 : i32
      %gt3A_127 = arith.cmpi sgt, %scan3A_123, %gt3A : i32
      %convert_element_type3A = arith.extui %gt3A_127 : i1 to i32
      %cond3A = arith.constant 0 : i32
      %cond3A_128 = arith.cmpi ne, %convert_element_type3A, %cond3A : i32
      scf.if %cond3A_128 {
        %sub3A_159 = arith.constant 1 : i32
        %sub3A_160 = arith.subi %scan3A_123, %sub3A_159 : i32
        %dma_wait3A_161 = arith.constant 0 : i32
        %dma_wait3A_162 = arith.constant 0 : i32
        %dma_wait3A_163 = tpu.memref_slice %arg8[%sub3A_126, %dma_wait3A_161, %dma_wait3A_162] : memref<2x128x128xf32, #tpu.memory_space<vmem>> -> memref<1x128x128xf32, #tpu.memory_space<vmem>>
        %dma_wait3A_164 = tpu.memref_squeeze %dma_wait3A_163 : memref<1x128x128xf32, #tpu.memory_space<vmem>> -> memref<128x128xf32, #tpu.memory_space<vmem>>
        %dma_wait3A_165 = arith.constant 0 : i32
        %dma_wait3A_166 = tpu.memref_slice %arg7[%sub3A_160, %dma_wait3A_165] : memref<40x128xi32, #tpu.memory_space<vmem>> -> memref<1x128xi32, #tpu.memory_space<vmem>>
        %dma_wait3A_167 = tpu.memref_squeeze %dma_wait3A_166 : memref<1x128xi32, #tpu.memory_space<vmem>> -> memref<128xi32, #tpu.memory_space<vmem>>
        %dma_wait3A_168 = arith.constant 0 : i32
        %dma_wait3A_169 = arith.constant 0 : i32
        %dma_wait3A_170 = tpu.memref_slice %arg9[%dma_wait3A_168, %dma_wait3A_169] : memref<10112x128xf32, #tpu.memory_space<vmem_shared>> -> memref<10112x128xf32, #tpu.memory_space<vmem_shared>>
        %dma_wait3A_171 = tpu.memref_slice %arg11[%sub3A_126] : memref<2x!tpu.dma_semaphore, #tpu.memory_space<semaphore_mem>> -> memref<1x!tpu.dma_semaphore, #tpu.memory_space<semaphore_mem>>
        %dma_wait3A_172 = tpu.memref_squeeze %dma_wait3A_171 : memref<1x!tpu.dma_semaphore, #tpu.memory_space<semaphore_mem>> -> memref<!tpu.dma_semaphore, #tpu.memory_space<semaphore_mem>>
        tpu.wait_indirect_dma semaphore(%dma_wait3A_172 : memref<!tpu.dma_semaphore, #tpu.memory_space<semaphore_mem>>) src(%dma_wait3A_164 : memref<128x128xf32, #tpu.memory_space<vmem>>) dst(%dma_wait3A_170 : memref<10112x128xf32, #tpu.memory_space<vmem_shared>>)
      } else {
      }
      %add3A_129 = arith.constant 1 : i32
      %add3A_130 = arith.addi %scan3A_123, %add3A_129 : i32
      %lt3A = arith.constant 40 : i32
      %lt3A_131 = arith.cmpi slt, %add3A_130, %lt3A : i32
      %convert_element_type3A_132 = arith.extui %lt3A_131 : i1 to i32
      %cond3A_133 = arith.constant 0 : i32
      %cond3A_134 = arith.cmpi ne, %convert_element_type3A_132, %cond3A_133 : i32
      scf.if %cond3A_134 {
        %add3A_159 = arith.constant 1 : i32
        %add3A_160 = arith.addi %scan3A_123, %add3A_159 : i32
        %dma_start3A_161 = arith.constant 0 : i32
        %dma_start3A_162 = arith.constant 0 : i32
        %dma_start3A_163 = tpu.memref_slice %arg8[%sub3A_126, %dma_start3A_161, %dma_start3A_162] : memref<2x128x128xf32, #tpu.memory_space<vmem>> -> memref<1x128x128xf32, #tpu.memory_space<vmem>>
        %dma_start3A_164 = tpu.memref_squeeze %dma_start3A_163 : memref<1x128x128xf32, #tpu.memory_space<vmem>> -> memref<128x128xf32, #tpu.memory_space<vmem>>
        %dma_start3A_165 = arith.constant 0 : i32
        %dma_start3A_166 = tpu.memref_slice %arg6[%add3A_160, %dma_start3A_165] : memref<40x128xi32, #tpu.memory_space<vmem>> -> memref<1x128xi32, #tpu.memory_space<vmem>>
        %dma_start3A_167 = tpu.memref_squeeze %dma_start3A_166 : memref<1x128xi32, #tpu.memory_space<vmem>> -> memref<128xi32, #tpu.memory_space<vmem>>
        %dma_start3A_168 = arith.constant 0 : i32
        %dma_start3A_169 = arith.constant 0 : i32
        %dma_start3A_170 = tpu.memref_slice %arg2[%dma_start3A_168, %dma_start3A_169] : memref<10000x128xf32, #tpu.memory_space<hbm>> -> memref<10000x128xf32, #tpu.memory_space<hbm>>
        %dma_start3A_171 = tpu.memref_slice %arg10[%sub3A_126] : memref<2x!tpu.dma_semaphore, #tpu.memory_space<semaphore_mem>> -> memref<1x!tpu.dma_semaphore, #tpu.memory_space<semaphore_mem>>
        %dma_start3A_172 = tpu.memref_squeeze %dma_start3A_171 : memref<1x!tpu.dma_semaphore, #tpu.memory_space<semaphore_mem>> -> memref<!tpu.dma_semaphore, #tpu.memory_space<semaphore_mem>>
        tpu.enqueue_indirect_dma source(%dma_start3A_170 : memref<10000x128xf32, #tpu.memory_space<hbm>>) target(%dma_start3A_164 : memref<128x128xf32, #tpu.memory_space<vmem>>) offsets(%dma_start3A_167 : memref<128xi32, #tpu.memory_space<vmem>>) semaphore(%dma_start3A_172 : memref<!tpu.dma_semaphore, #tpu.memory_space<semaphore_mem>>)
      } else {
      }
      %dma_wait3A_135 = arith.constant 0 : i32
      %dma_wait3A_136 = arith.constant 0 : i32
      %dma_wait3A_137 = tpu.memref_slice %arg8[%rem3A_125, %dma_wait3A_135, %dma_wait3A_136] : memref<2x128x128xf32, #tpu.memory_space<vmem>> -> memref<1x128x128xf32, #tpu.memory_space<vmem>>
      %dma_wait3A_138 = tpu.memref_squeeze %dma_wait3A_137 : memref<1x128x128xf32, #tpu.memory_space<vmem>> -> memref<128x128xf32, #tpu.memory_space<vmem>>
      %dma_wait3A_139 = arith.constant 0 : i32
      %dma_wait3A_140 = tpu.memref_slice %arg6[%scan3A_123, %dma_wait3A_139] : memref<40x128xi32, #tpu.memory_space<vmem>> -> memref<1x128xi32, #tpu.memory_space<vmem>>
      %dma_wait3A_141 = tpu.memref_squeeze %dma_wait3A_140 : memref<1x128xi32, #tpu.memory_space<vmem>> -> memref<128xi32, #tpu.memory_space<vmem>>
      %dma_wait3A_142 = arith.constant 0 : i32
      %dma_wait3A_143 = arith.constant 0 : i32
      %dma_wait3A_144 = tpu.memref_slice %arg2[%dma_wait3A_142, %dma_wait3A_143] : memref<10000x128xf32, #tpu.memory_space<hbm>> -> memref<10000x128xf32, #tpu.memory_space<hbm>>
      %dma_wait3A_145 = tpu.memref_slice %arg10[%rem3A_125] : memref<2x!tpu.dma_semaphore, #tpu.memory_space<semaphore_mem>> -> memref<1x!tpu.dma_semaphore, #tpu.memory_space<semaphore_mem>>
      %dma_wait3A_146 = tpu.memref_squeeze %dma_wait3A_145 : memref<1x!tpu.dma_semaphore, #tpu.memory_space<semaphore_mem>> -> memref<!tpu.dma_semaphore, #tpu.memory_space<semaphore_mem>>
      tpu.wait_indirect_dma semaphore(%dma_wait3A_146 : memref<!tpu.dma_semaphore, #tpu.memory_space<semaphore_mem>>) src(%dma_wait3A_144 : memref<10000x128xf32, #tpu.memory_space<hbm>>) dst(%dma_wait3A_138 : memref<128x128xf32, #tpu.memory_space<vmem>>)
      %dma_start3A_147 = arith.constant 0 : i32
      %dma_start3A_148 = arith.constant 0 : i32
      %dma_start3A_149 = tpu.memref_slice %arg8[%rem3A_125, %dma_start3A_147, %dma_start3A_148] : memref<2x128x128xf32, #tpu.memory_space<vmem>> -> memref<1x128x128xf32, #tpu.memory_space<vmem>>
      %dma_start3A_150 = tpu.memref_squeeze %dma_start3A_149 : memref<1x128x128xf32, #tpu.memory_space<vmem>> -> memref<128x128xf32, #tpu.memory_space<vmem>>
      %dma_start3A_151 = arith.constant 0 : i32
      %dma_start3A_152 = tpu.memref_slice %arg7[%scan3A_123, %dma_start3A_151] : memref<40x128xi32, #tpu.memory_space<vmem>> -> memref<1x128xi32, #tpu.memory_space<vmem>>
      %dma_start3A_153 = tpu.memref_squeeze %dma_start3A_152 : memref<1x128xi32, #tpu.memory_space<vmem>> -> memref<128xi32, #tpu.memory_space<vmem>>
      %dma_start3A_154 = arith.constant 0 : i32
      %dma_start3A_155 = arith.constant 0 : i32
      %dma_start3A_156 = tpu.memref_slice %arg9[%dma_start3A_154, %dma_start3A_155] : memref<10112x128xf32, #tpu.memory_space<vmem_shared>> -> memref<10112x128xf32, #tpu.memory_space<vmem_shared>>
      %dma_start3A_157 = tpu.memref_slice %arg11[%rem3A_125] : memref<2x!tpu.dma_semaphore, #tpu.memory_space<semaphore_mem>> -> memref<1x!tpu.dma_semaphore, #tpu.memory_space<semaphore_mem>>
      %dma_start3A_158 = tpu.memref_squeeze %dma_start3A_157 : memref<1x!tpu.dma_semaphore, #tpu.memory_space<semaphore_mem>> -> memref<!tpu.dma_semaphore, #tpu.memory_space<semaphore_mem>>
      tpu.enqueue_indirect_dma source(%dma_start3A_150 : memref<128x128xf32, #tpu.memory_space<vmem>>) target(%dma_start3A_156 : memref<10112x128xf32, #tpu.memory_space<vmem_shared>>) offsets(%dma_start3A_153 : memref<128xi32, #tpu.memory_space<vmem>>) semaphore(%dma_start3A_158 : memref<!tpu.dma_semaphore, #tpu.memory_space<semaphore_mem>>) {add = true}
    }
    %scan3A_98 = arith.constant 40 : i32
    %rem3A_99 = arith.constant 39 : i32
    %rem3A_100 = arith.constant 2 : i32
    %rem3A_101 = arith.remsi %rem3A_99, %rem3A_100 : i32
    %rem3A_102 = arith.constant 39 : i32
    %rem3A_103 = arith.constant 2 : i32
    %rem3A_104 = arith.remsi %rem3A_102, %rem3A_103 : i32
    %dma_wait3A_105 = arith.constant 39 : i32
    %dma_wait3A_106 = arith.constant 0 : i32
    %dma_wait3A_107 = arith.constant 0 : i32
    %dma_wait3A_108 = tpu.memref_slice %arg8[%rem3A_101, %dma_wait3A_106, %dma_wait3A_107] : memref<2x128x128xf32, #tpu.memory_space<vmem>> -> memref<1x128x128xf32, #tpu.memory_space<vmem>>
    %dma_wait3A_109 = tpu.memref_squeeze %dma_wait3A_108 : memref<1x128x128xf32, #tpu.memory_space<vmem>> -> memref<128x128xf32, #tpu.memory_space<vmem>>
    %dma_wait3A_110 = arith.constant 0 : i32
    %dma_wait3A_111 = tpu.memref_slice %arg7[%dma_wait3A_105, %dma_wait3A_110] : memref<40x128xi32, #tpu.memory_space<vmem>> -> memref<1x128xi32, #tpu.memory_space<vmem>>
    %dma_wait3A_112 = tpu.memref_squeeze %dma_wait3A_111 : memref<1x128xi32, #tpu.memory_space<vmem>> -> memref<128xi32, #tpu.memory_space<vmem>>
    %dma_wait3A_113 = arith.constant 0 : i32
    %dma_wait3A_114 = arith.constant 0 : i32
    %dma_wait3A_115 = tpu.memref_slice %arg9[%dma_wait3A_113, %dma_wait3A_114] : memref<10112x128xf32, #tpu.memory_space<vmem_shared>> -> memref<10112x128xf32, #tpu.memory_space<vmem_shared>>
    %dma_wait3A_116 = tpu.memref_slice %arg11[%rem3A_104] : memref<2x!tpu.dma_semaphore, #tpu.memory_space<semaphore_mem>> -> memref<1x!tpu.dma_semaphore, #tpu.memory_space<semaphore_mem>>
    %dma_wait3A_117 = tpu.memref_squeeze %dma_wait3A_116 : memref<1x!tpu.dma_semaphore, #tpu.memory_space<semaphore_mem>> -> memref<!tpu.dma_semaphore, #tpu.memory_space<semaphore_mem>>
    tpu.wait_indirect_dma semaphore(%dma_wait3A_117 : memref<!tpu.dma_semaphore, #tpu.memory_space<semaphore_mem>>) src(%dma_wait3A_109 : memref<128x128xf32, #tpu.memory_space<vmem>>) dst(%dma_wait3A_115 : memref<10112x128xf32, #tpu.memory_space<vmem_shared>>)
    %barrier3A_118 = arith.constant 0 : index
    tpu.barrier barrier_id(%barrier3A_118)
    %mul3A_119 = arith.constant 632 : i32
    %mul3A_120 = arith.muli %arg1, %mul3A_119 : i32
    %mul3A_121 = arith.constant 632 : i32
    %mul3A_122 = arith.muli %arg1, %mul3A_121 : i32
    "tpu.region"() ({
      %run_scoped3A_123 = tpu.sem_alloc : memref<!tpu.dma_semaphore, #tpu.memory_space<semaphore_mem>>
      %dma_start3A_124 = arith.constant 0 : i32
      %dma_start3A_125 = tpu.memref_slice %arg5[%arg0, %mul3A_122, %dma_start3A_124] : memref<2x10112x128xf32, #tpu.memory_space<hbm>> -> memref<1x632x128xf32, #tpu.memory_space<hbm>>
      %dma_start3A_126 = tpu.memref_squeeze %dma_start3A_125 : memref<1x632x128xf32, #tpu.memory_space<hbm>> -> memref<632x128xf32, #tpu.memory_space<hbm>>
      %dma_start3A_127 = arith.constant 0 : i32
      %dma_start3A_128 = tpu.memref_slice %arg9[%mul3A_120, %dma_start3A_127] : memref<10112x128xf32, #tpu.memory_space<vmem_shared>> -> memref<632x128xf32, #tpu.memory_space<vmem_shared>>
      tpu.enqueue_dma source(%dma_start3A_128 : memref<632x128xf32, #tpu.memory_space<vmem_shared>>) target(%dma_start3A_126 : memref<632x128xf32, #tpu.memory_space<hbm>>) target_semaphore(%run_scoped3A_123 : memref<!tpu.dma_semaphore, #tpu.memory_space<semaphore_mem>>)
      %dma_wait3A_129 = arith.constant 0 : i32
      %dma_wait3A_130 = tpu.memref_slice %arg5[%arg0, %mul3A_122, %dma_wait3A_129] : memref<2x10112x128xf32, #tpu.memory_space<hbm>> -> memref<1x632x128xf32, #tpu.memory_space<hbm>>
      %dma_wait3A_131 = tpu.memref_squeeze %dma_wait3A_130 : memref<1x632x128xf32, #tpu.memory_space<hbm>> -> memref<632x128xf32, #tpu.memory_space<hbm>>
      %dma_wait3A_132 = arith.constant 0 : i32
      %dma_wait3A_133 = tpu.memref_slice %arg9[%mul3A_120, %dma_wait3A_132] : memref<10112x128xf32, #tpu.memory_space<vmem_shared>> -> memref<632x128xf32, #tpu.memory_space<vmem_shared>>
      tpu.wait_dma2 semaphore(%run_scoped3A_123 : memref<!tpu.dma_semaphore, #tpu.memory_space<semaphore_mem>>) src(%dma_wait3A_133 : memref<632x128xf32, #tpu.memory_space<vmem_shared>>) dst(%dma_wait3A_131 : memref<632x128xf32, #tpu.memory_space<hbm>>)
      tpu.yield
    }) : () -> ()
    return
  }
}

#map = affine_map<(d0, d1) -> (0, 0)>
#map1 = affine_map<(d0, d1) -> (0, 0, 0)>
module attributes {stable_mosaic.version = 14 : i64} {
  func.func @_sc_aggregate(%arg0: i32, %arg1: i32, %arg2: memref<10000x128xf32, #tpu.memory_space<hbm>>, %arg3: memref<2560x128xi32, #tpu.memory_space<hbm>>, %arg4: memref<2560x128xi32, #tpu.memory_space<hbm>>, %arg5: memref<2x10112x128xf32, #tpu.memory_space<hbm>>, %arg6: memref<40x128xi32, #tpu.memory_space<vmem>>, %arg7: memref<40x128xi32, #tpu.memory_space<vmem>>, %arg8: memref<2x128x128xf32, #tpu.memory_space<vmem>>, %arg9: memref<10112x128xf32, #tpu.memory_space<vmem_shared>>, %arg10: memref<2x!tpu.dma_semaphore, #tpu.memory_space<semaphore_mem>>, %arg11: memref<2x!tpu.dma_semaphore, #tpu.memory_space<semaphore_mem>>) attributes {dimension_semantics = [#tpu.dimension_semantics<core_parallel>, #tpu.dimension_semantics<subcore_parallel>], iteration_bounds = array<i64: 2, 16>, scalar_prefetch = 0 : i64, scratch_operands = 6 : i64, tpu.core_type = #tpu.core_type<sc_vector_subcore>, window_params = [{transform_indices = #map}, {transform_indices = #map}, {transform_indices = #map}, {transform_indices = #map1}]} {
    %mul3A = arith.constant 16 : i32
    %mul3A_0 = arith.muli %arg0, %mul3A : i32
    %add3A = arith.addi %mul3A_0, %arg1 : i32
    %mul3A_1 = arith.constant 80 : i32
    %mul3A_2 = arith.muli %add3A, %mul3A_1 : i32
    %add3A_3 = arith.constant 0 : i32
    %add3A_4 = arith.addi %mul3A_2, %add3A_3 : i32
    "tpu.region"() ({
      %run_scoped3A_123 = tpu.sem_alloc : memref<!tpu.dma_semaphore, #tpu.memory_space<semaphore_mem>>
      %dma_start3A_124 = arith.constant 0 : i32
      %dma_start3A_125 = tpu.memref_slice %arg3[%add3A_4, %dma_start3A_124] : memref<2560x128xi32, #tpu.memory_space<hbm>> -> memref<40x128xi32, #tpu.memory_space<hbm>>
      %dma_start3A_126 = arith.constant 0 : i32
      %dma_start3A_127 = tpu.memref_slice %arg3[%add3A_4, %dma_start3A_126] : memref<2560x128xi32, #tpu.memory_space<hbm>> -> memref<40x128xi32, #tpu.memory_space<hbm>>
      tpu.enqueue_dma source(%dma_start3A_127 : memref<40x128xi32, #tpu.memory_space<hbm>>) target(%arg6 : memref<40x128xi32, #tpu.memory_space<vmem>>) target_semaphore(%run_scoped3A_123 : memref<!tpu.dma_semaphore, #tpu.memory_space<semaphore_mem>>)
      %dma_wait3A_128 = arith.constant 0 : i32
      %dma_wait3A_129 = tpu.memref_slice %arg3[%add3A_4, %dma_wait3A_128] : memref<2560x128xi32, #tpu.memory_space<hbm>> -> memref<40x128xi32, #tpu.memory_space<hbm>>
      %dma_wait3A_130 = arith.constant 0 : i32
      %dma_wait3A_131 = tpu.memref_slice %arg3[%add3A_4, %dma_wait3A_130] : memref<2560x128xi32, #tpu.memory_space<hbm>> -> memref<40x128xi32, #tpu.memory_space<hbm>>
      tpu.wait_dma2 semaphore(%run_scoped3A_123 : memref<!tpu.dma_semaphore, #tpu.memory_space<semaphore_mem>>) src(%dma_wait3A_131 : memref<40x128xi32, #tpu.memory_space<hbm>>) dst(%arg6 : memref<40x128xi32, #tpu.memory_space<vmem>>)
      tpu.yield
    }) : () -> ()
    %add3A_5 = arith.constant 0 : i32
    %add3A_6 = arith.addi %mul3A_2, %add3A_5 : i32
    "tpu.region"() ({
      %run_scoped3A_123 = tpu.sem_alloc : memref<!tpu.dma_semaphore, #tpu.memory_space<semaphore_mem>>
      %dma_start3A_124 = arith.constant 0 : i32
      %dma_start3A_125 = tpu.memref_slice %arg4[%add3A_6, %dma_start3A_124] : memref<2560x128xi32, #tpu.memory_space<hbm>> -> memref<40x128xi32, #tpu.memory_space<hbm>>
      %dma_start3A_126 = arith.constant 0 : i32
      %dma_start3A_127 = tpu.memref_slice %arg4[%add3A_6, %dma_start3A_126] : memref<2560x128xi32, #tpu.memory_space<hbm>> -> memref<40x128xi32, #tpu.memory_space<hbm>>
      tpu.enqueue_dma source(%dma_start3A_127 : memref<40x128xi32, #tpu.memory_space<hbm>>) target(%arg7 : memref<40x128xi32, #tpu.memory_space<vmem>>) target_semaphore(%run_scoped3A_123 : memref<!tpu.dma_semaphore, #tpu.memory_space<semaphore_mem>>)
      %dma_wait3A_128 = arith.constant 0 : i32
      %dma_wait3A_129 = tpu.memref_slice %arg4[%add3A_6, %dma_wait3A_128] : memref<2560x128xi32, #tpu.memory_space<hbm>> -> memref<40x128xi32, #tpu.memory_space<hbm>>
      %dma_wait3A_130 = arith.constant 0 : i32
      %dma_wait3A_131 = tpu.memref_slice %arg4[%add3A_6, %dma_wait3A_130] : memref<2560x128xi32, #tpu.memory_space<hbm>> -> memref<40x128xi32, #tpu.memory_space<hbm>>
      tpu.wait_dma2 semaphore(%run_scoped3A_123 : memref<!tpu.dma_semaphore, #tpu.memory_space<semaphore_mem>>) src(%dma_wait3A_131 : memref<40x128xi32, #tpu.memory_space<hbm>>) dst(%arg7 : memref<40x128xi32, #tpu.memory_space<vmem>>)
      tpu.yield
    }) : () -> ()
    %dma_start3A = arith.constant 0 : i32
    %dma_start3A_7 = arith.constant 0 : i32
    %dma_start3A_8 = arith.constant 0 : i32
    %dma_start3A_9 = arith.constant 0 : i32
    %dma_start3A_10 = arith.constant 0 : i32
    %dma_start3A_11 = tpu.memref_slice %arg8[%dma_start3A_7, %dma_start3A_9, %dma_start3A_10] : memref<2x128x128xf32, #tpu.memory_space<vmem>> -> memref<1x128x128xf32, #tpu.memory_space<vmem>>
    %dma_start3A_12 = tpu.memref_squeeze %dma_start3A_11 : memref<1x128x128xf32, #tpu.memory_space<vmem>> -> memref<128x128xf32, #tpu.memory_space<vmem>>
    %dma_start3A_13 = arith.constant 0 : i32
    %dma_start3A_14 = tpu.memref_slice %arg6[%dma_start3A, %dma_start3A_13] : memref<40x128xi32, #tpu.memory_space<vmem>> -> memref<1x128xi32, #tpu.memory_space<vmem>>
    %dma_start3A_15 = tpu.memref_squeeze %dma_start3A_14 : memref<1x128xi32, #tpu.memory_space<vmem>> -> memref<128xi32, #tpu.memory_space<vmem>>
    %dma_start3A_16 = arith.constant 0 : i32
    %dma_start3A_17 = arith.constant 0 : i32
    %dma_start3A_18 = tpu.memref_slice %arg2[%dma_start3A_16, %dma_start3A_17] : memref<10000x128xf32, #tpu.memory_space<hbm>> -> memref<10000x128xf32, #tpu.memory_space<hbm>>
    %dma_start3A_19 = tpu.memref_slice %arg10[%dma_start3A_8] : memref<2x!tpu.dma_semaphore, #tpu.memory_space<semaphore_mem>> -> memref<1x!tpu.dma_semaphore, #tpu.memory_space<semaphore_mem>>
    %dma_start3A_20 = tpu.memref_squeeze %dma_start3A_19 : memref<1x!tpu.dma_semaphore, #tpu.memory_space<semaphore_mem>> -> memref<!tpu.dma_semaphore, #tpu.memory_space<semaphore_mem>>
    tpu.enqueue_indirect_dma source(%dma_start3A_18 : memref<10000x128xf32, #tpu.memory_space<hbm>>) target(%dma_start3A_12 : memref<128x128xf32, #tpu.memory_space<vmem>>) offsets(%dma_start3A_15 : memref<128xi32, #tpu.memory_space<vmem>>) semaphore(%dma_start3A_20 : memref<!tpu.dma_semaphore, #tpu.memory_space<semaphore_mem>>)
    %broadcast_in_dim3A = arith.constant 0.000000e+00 : f32
    %broadcast_in_dim3A_21 = vector.broadcast %broadcast_in_dim3A : f32 to vector<16xf32>
    %scan3A = arith.constant 0 : i32
    %scan3A_22 = arith.constant 0 : i32
    %scan3A_23 = arith.constant 128 : i32
    %scan3A_24 = arith.addi %scan3A_22, %scan3A_23 : i32
    %scan3A_25 = arith.constant 1 : i32
    scf.for %scan3A_123 = %scan3A_22 to %scan3A_24 step %scan3A_25  : i32 {
      %swap3A = arith.constant 1 : i32
      %swap3A_124 = arith.index_cast %swap3A : i32 to index
      %swap3A_125 = arith.index_cast %scan3A_123 : i32 to index
      %swap3A_126 = arith.constant 0 : index
      %swap3A_127 = tpu.vector_load %arg8[%swap3A_124, %swap3A_125, %swap3A_126] {strides = array<i32>} : memref<2x128x128xf32, #tpu.memory_space<vmem>>, vector<1x1x16xf32>,
      %swap3A_128 = vector.shape_cast %swap3A_127 : vector<1x1x16xf32> to vector<16xf32>
      %swap3A_129 = vector.shape_cast %broadcast_in_dim3A_21 : vector<16xf32> to vector<1x1x16xf32>
      tpu.vector_store %arg8[%swap3A_124, %swap3A_125, %swap3A_126], %swap3A_129 {strides = array<i32>} : memref<2x128x128xf32, #tpu.memory_space<vmem>>, vector<1x1x16xf32>,
      %swap3A_130 = arith.constant 1 : i32
      %swap3A_131 = arith.index_cast %swap3A_130 : i32 to index
      %swap3A_132 = arith.index_cast %scan3A_123 : i32 to index
      %swap3A_133 = arith.constant 16 : index
      %swap3A_134 = tpu.vector_load %arg8[%swap3A_131, %swap3A_132, %swap3A_133] {strides = array<i32>} : memref<2x128x128xf32, #tpu.memory_space<vmem>>, vector<1x1x16xf32>,
      %swap3A_135 = vector.shape_cast %swap3A_134 : vector<1x1x16xf32> to vector<16xf32>
      %swap3A_136 = vector.shape_cast %broadcast_in_dim3A_21 : vector<16xf32> to vector<1x1x16xf32>
      tpu.vector_store %arg8[%swap3A_131, %swap3A_132, %swap3A_133], %swap3A_136 {strides = array<i32>} : memref<2x128x128xf32, #tpu.memory_space<vmem>>, vector<1x1x16xf32>,
      %swap3A_137 = arith.constant 1 : i32
      %swap3A_138 = arith.index_cast %swap3A_137 : i32 to index
      %swap3A_139 = arith.index_cast %scan3A_123 : i32 to index
      %swap3A_140 = arith.constant 32 : index
      %swap3A_141 = tpu.vector_load %arg8[%swap3A_138, %swap3A_139, %swap3A_140] {strides = array<i32>} : memref<2x128x128xf32, #tpu.memory_space<vmem>>, vector<1x1x16xf32>,
      %swap3A_142 = vector.shape_cast %swap3A_141 : vector<1x1x16xf32> to vector<16xf32>
      %swap3A_143 = vector.shape_cast %broadcast_in_dim3A_21 : vector<16xf32> to vector<1x1x16xf32>
      tpu.vector_store %arg8[%swap3A_138, %swap3A_139, %swap3A_140], %swap3A_143 {strides = array<i32>} : memref<2x128x128xf32, #tpu.memory_space<vmem>>, vector<1x1x16xf32>,
      %swap3A_144 = arith.constant 1 : i32
      %swap3A_145 = arith.index_cast %swap3A_144 : i32 to index
      %swap3A_146 = arith.index_cast %scan3A_123 : i32 to index
      %swap3A_147 = arith.constant 48 : index
      %swap3A_148 = tpu.vector_load %arg8[%swap3A_145, %swap3A_146, %swap3A_147] {strides = array<i32>} : memref<2x128x128xf32, #tpu.memory_space<vmem>>, vector<1x1x16xf32>,
      %swap3A_149 = vector.shape_cast %swap3A_148 : vector<1x1x16xf32> to vector<16xf32>
      %swap3A_150 = vector.shape_cast %broadcast_in_dim3A_21 : vector<16xf32> to vector<1x1x16xf32>
      tpu.vector_store %arg8[%swap3A_145, %swap3A_146, %swap3A_147], %swap3A_150 {strides = array<i32>} : memref<2x128x128xf32, #tpu.memory_space<vmem>>, vector<1x1x16xf32>,
      %swap3A_151 = arith.constant 1 : i32
      %swap3A_152 = arith.index_cast %swap3A_151 : i32 to index
      %swap3A_153 = arith.index_cast %scan3A_123 : i32 to index
      %swap3A_154 = arith.constant 64 : index
      %swap3A_155 = tpu.vector_load %arg8[%swap3A_152, %swap3A_153, %swap3A_154] {strides = array<i32>} : memref<2x128x128xf32, #tpu.memory_space<vmem>>, vector<1x1x16xf32>,
      %swap3A_156 = vector.shape_cast %swap3A_155 : vector<1x1x16xf32> to vector<16xf32>
      %swap3A_157 = vector.shape_cast %broadcast_in_dim3A_21 : vector<16xf32> to vector<1x1x16xf32>
      tpu.vector_store %arg8[%swap3A_152, %swap3A_153, %swap3A_154], %swap3A_157 {strides = array<i32>} : memref<2x128x128xf32, #tpu.memory_space<vmem>>, vector<1x1x16xf32>,
      %swap3A_158 = arith.constant 1 : i32
      %swap3A_159 = arith.index_cast %swap3A_158 : i32 to index
      %swap3A_160 = arith.index_cast %scan3A_123 : i32 to index
      %swap3A_161 = arith.constant 80 : index
      %swap3A_162 = tpu.vector_load %arg8[%swap3A_159, %swap3A_160, %swap3A_161] {strides = array<i32>} : memref<2x128x128xf32, #tpu.memory_space<vmem>>, vector<1x1x16xf32>,
      %swap3A_163 = vector.shape_cast %swap3A_162 : vector<1x1x16xf32> to vector<16xf32>
      %swap3A_164 = vector.shape_cast %broadcast_in_dim3A_21 : vector<16xf32> to vector<1x1x16xf32>
      tpu.vector_store %arg8[%swap3A_159, %swap3A_160, %swap3A_161], %swap3A_164 {strides = array<i32>} : memref<2x128x128xf32, #tpu.memory_space<vmem>>, vector<1x1x16xf32>,
      %swap3A_165 = arith.constant 1 : i32
      %swap3A_166 = arith.index_cast %swap3A_165 : i32 to index
      %swap3A_167 = arith.index_cast %scan3A_123 : i32 to index
      %swap3A_168 = arith.constant 96 : index
      %swap3A_169 = tpu.vector_load %arg8[%swap3A_166, %swap3A_167, %swap3A_168] {strides = array<i32>} : memref<2x128x128xf32, #tpu.memory_space<vmem>>, vector<1x1x16xf32>,
      %swap3A_170 = vector.shape_cast %swap3A_169 : vector<1x1x16xf32> to vector<16xf32>
      %swap3A_171 = vector.shape_cast %broadcast_in_dim3A_21 : vector<16xf32> to vector<1x1x16xf32>
      tpu.vector_store %arg8[%swap3A_166, %swap3A_167, %swap3A_168], %swap3A_171 {strides = array<i32>} : memref<2x128x128xf32, #tpu.memory_space<vmem>>, vector<1x1x16xf32>,
      %swap3A_172 = arith.constant 1 : i32
      %swap3A_173 = arith.index_cast %swap3A_172 : i32 to index
      %swap3A_174 = arith.index_cast %scan3A_123 : i32 to index
      %swap3A_175 = arith.constant 112 : index
      %swap3A_176 = tpu.vector_load %arg8[%swap3A_173, %swap3A_174, %swap3A_175] {strides = array<i32>} : memref<2x128x128xf32, #tpu.memory_space<vmem>>, vector<1x1x16xf32>,
      %swap3A_177 = vector.shape_cast %swap3A_176 : vector<1x1x16xf32> to vector<16xf32>
      %swap3A_178 = vector.shape_cast %broadcast_in_dim3A_21 : vector<16xf32> to vector<1x1x16xf32>
      tpu.vector_store %arg8[%swap3A_173, %swap3A_174, %swap3A_175], %swap3A_178 {strides = array<i32>} : memref<2x128x128xf32, #tpu.memory_space<vmem>>, vector<1x1x16xf32>,
    }
    %scan3A_26 = arith.constant 128 : i32
    %mul3A_27 = arith.constant 632 : i32
    %mul3A_28 = arith.muli %arg1, %mul3A_27 : i32
    %add3A_29 = arith.constant 0 : i32
    %add3A_30 = arith.addi %mul3A_28, %add3A_29 : i32
    %run_scoped3A = arith.constant 1 : i32
    "tpu.region"() ({
      %run_scoped3A_123 = tpu.sem_alloc : memref<!tpu.dma_semaphore, #tpu.memory_space<semaphore_mem>>
      %dma_start3A_124 = arith.constant 0 : i32
      %dma_start3A_125 = arith.constant 0 : i32
      %dma_start3A_126 = tpu.memref_slice %arg8[%run_scoped3A, %dma_start3A_124, %dma_start3A_125] : memref<2x128x128xf32, #tpu.memory_space<vmem>> -> memref<1x128x128xf32, #tpu.memory_space<vmem>>
      %dma_start3A_127 = tpu.memref_squeeze %dma_start3A_126 : memref<1x128x128xf32, #tpu.memory_space<vmem>> -> memref<128x128xf32, #tpu.memory_space<vmem>>
      %dma_start3A_128 = arith.constant 0 : i32
      %dma_start3A_129 = tpu.memref_slice %arg9[%add3A_30, %dma_start3A_128] : memref<10112x128xf32, #tpu.memory_space<vmem_shared>> -> memref<128x128xf32, #tpu.memory_space<vmem_shared>>
      %dma_start3A_130 = arith.constant 0 : i32
      %dma_start3A_131 = tpu.memref_slice %arg9[%add3A_30, %dma_start3A_130] : memref<10112x128xf32, #tpu.memory_space<vmem_shared>> -> memref<128x128xf32, #tpu.memory_space<vmem_shared>>
      %dma_start3A_132 = arith.constant 0 : i32
      %dma_start3A_133 = arith.constant 0 : i32
      %dma_start3A_134 = tpu.memref_slice %arg8[%run_scoped3A, %dma_start3A_132, %dma_start3A_133] : memref<2x128x128xf32, #tpu.memory_space<vmem>> -> memref<1x128x128xf32, #tpu.memory_space<vmem>>
      %dma_start3A_135 = tpu.memref_squeeze %dma_start3A_134 : memref<1x128x128xf32, #tpu.memory_space<vmem>> -> memref<128x128xf32, #tpu.memory_space<vmem>>
      tpu.enqueue_dma source(%dma_start3A_135 : memref<128x128xf32, #tpu.memory_space<vmem>>) target(%dma_start3A_131 : memref<128x128xf32, #tpu.memory_space<vmem_shared>>) target_semaphore(%run_scoped3A_123 : memref<!tpu.dma_semaphore, #tpu.memory_space<semaphore_mem>>)
      %dma_wait3A_136 = arith.constant 0 : i32
      %dma_wait3A_137 = arith.constant 0 : i32
      %dma_wait3A_138 = tpu.memref_slice %arg8[%run_scoped3A, %dma_wait3A_136, %dma_wait3A_137] : memref<2x128x128xf32, #tpu.memory_space<vmem>> -> memref<1x128x128xf32, #tpu.memory_space<vmem>>
      %dma_wait3A_139 = tpu.memref_squeeze %dma_wait3A_138 : memref<1x128x128xf32, #tpu.memory_space<vmem>> -> memref<128x128xf32, #tpu.memory_space<vmem>>
      %dma_wait3A_140 = arith.constant 0 : i32
      %dma_wait3A_141 = tpu.memref_slice %arg9[%add3A_30, %dma_wait3A_140] : memref<10112x128xf32, #tpu.memory_space<vmem_shared>> -> memref<128x128xf32, #tpu.memory_space<vmem_shared>>
      %dma_wait3A_142 = arith.constant 0 : i32
      %dma_wait3A_143 = tpu.memref_slice %arg9[%add3A_30, %dma_wait3A_142] : memref<10112x128xf32, #tpu.memory_space<vmem_shared>> -> memref<128x128xf32, #tpu.memory_space<vmem_shared>>
      %dma_wait3A_144 = arith.constant 0 : i32
      %dma_wait3A_145 = arith.constant 0 : i32
      %dma_wait3A_146 = tpu.memref_slice %arg8[%run_scoped3A, %dma_wait3A_144, %dma_wait3A_145] : memref<2x128x128xf32, #tpu.memory_space<vmem>> -> memref<1x128x128xf32, #tpu.memory_space<vmem>>
      %dma_wait3A_147 = tpu.memref_squeeze %dma_wait3A_146 : memref<1x128x128xf32, #tpu.memory_space<vmem>> -> memref<128x128xf32, #tpu.memory_space<vmem>>
      tpu.wait_dma2 semaphore(%run_scoped3A_123 : memref<!tpu.dma_semaphore, #tpu.memory_space<semaphore_mem>>) src(%dma_wait3A_147 : memref<128x128xf32, #tpu.memory_space<vmem>>) dst(%dma_wait3A_143 : memref<128x128xf32, #tpu.memory_space<vmem_shared>>)
      tpu.yield
    }) : () -> ()
    %mul3A_31 = arith.constant 632 : i32
    %mul3A_32 = arith.muli %arg1, %mul3A_31 : i32
    %add3A_33 = arith.constant 128 : i32
    %add3A_34 = arith.addi %mul3A_32, %add3A_33 : i32
    %run_scoped3A_35 = arith.constant 1 : i32
    "tpu.region"() ({
      %run_scoped3A_123 = tpu.sem_alloc : memref<!tpu.dma_semaphore, #tpu.memory_space<semaphore_mem>>
      %dma_start3A_124 = arith.constant 0 : i32
      %dma_start3A_125 = arith.constant 0 : i32
      %dma_start3A_126 = tpu.memref_slice %arg8[%run_scoped3A_35, %dma_start3A_124, %dma_start3A_125] : memref<2x128x128xf32, #tpu.memory_space<vmem>> -> memref<1x128x128xf32, #tpu.memory_space<vmem>>
      %dma_start3A_127 = tpu.memref_squeeze %dma_start3A_126 : memref<1x128x128xf32, #tpu.memory_space<vmem>> -> memref<128x128xf32, #tpu.memory_space<vmem>>
      %dma_start3A_128 = arith.constant 0 : i32
      %dma_start3A_129 = tpu.memref_slice %arg9[%add3A_34, %dma_start3A_128] : memref<10112x128xf32, #tpu.memory_space<vmem_shared>> -> memref<128x128xf32, #tpu.memory_space<vmem_shared>>
      %dma_start3A_130 = arith.constant 0 : i32
      %dma_start3A_131 = tpu.memref_slice %arg9[%add3A_34, %dma_start3A_130] : memref<10112x128xf32, #tpu.memory_space<vmem_shared>> -> memref<128x128xf32, #tpu.memory_space<vmem_shared>>
      %dma_start3A_132 = arith.constant 0 : i32
      %dma_start3A_133 = arith.constant 0 : i32
      %dma_start3A_134 = tpu.memref_slice %arg8[%run_scoped3A_35, %dma_start3A_132, %dma_start3A_133] : memref<2x128x128xf32, #tpu.memory_space<vmem>> -> memref<1x128x128xf32, #tpu.memory_space<vmem>>
      %dma_start3A_135 = tpu.memref_squeeze %dma_start3A_134 : memref<1x128x128xf32, #tpu.memory_space<vmem>> -> memref<128x128xf32, #tpu.memory_space<vmem>>
      tpu.enqueue_dma source(%dma_start3A_135 : memref<128x128xf32, #tpu.memory_space<vmem>>) target(%dma_start3A_131 : memref<128x128xf32, #tpu.memory_space<vmem_shared>>) target_semaphore(%run_scoped3A_123 : memref<!tpu.dma_semaphore, #tpu.memory_space<semaphore_mem>>)
      %dma_wait3A_136 = arith.constant 0 : i32
      %dma_wait3A_137 = arith.constant 0 : i32
      %dma_wait3A_138 = tpu.memref_slice %arg8[%run_scoped3A_35, %dma_wait3A_136, %dma_wait3A_137] : memref<2x128x128xf32, #tpu.memory_space<vmem>> -> memref<1x128x128xf32, #tpu.memory_space<vmem>>
      %dma_wait3A_139 = tpu.memref_squeeze %dma_wait3A_138 : memref<1x128x128xf32, #tpu.memory_space<vmem>> -> memref<128x128xf32, #tpu.memory_space<vmem>>
      %dma_wait3A_140 = arith.constant 0 : i32
      %dma_wait3A_141 = tpu.memref_slice %arg9[%add3A_34, %dma_wait3A_140] : memref<10112x128xf32, #tpu.memory_space<vmem_shared>> -> memref<128x128xf32, #tpu.memory_space<vmem_shared>>
      %dma_wait3A_142 = arith.constant 0 : i32
      %dma_wait3A_143 = tpu.memref_slice %arg9[%add3A_34, %dma_wait3A_142] : memref<10112x128xf32, #tpu.memory_space<vmem_shared>> -> memref<128x128xf32, #tpu.memory_space<vmem_shared>>
      %dma_wait3A_144 = arith.constant 0 : i32
      %dma_wait3A_145 = arith.constant 0 : i32
      %dma_wait3A_146 = tpu.memref_slice %arg8[%run_scoped3A_35, %dma_wait3A_144, %dma_wait3A_145] : memref<2x128x128xf32, #tpu.memory_space<vmem>> -> memref<1x128x128xf32, #tpu.memory_space<vmem>>
      %dma_wait3A_147 = tpu.memref_squeeze %dma_wait3A_146 : memref<1x128x128xf32, #tpu.memory_space<vmem>> -> memref<128x128xf32, #tpu.memory_space<vmem>>
      tpu.wait_dma2 semaphore(%run_scoped3A_123 : memref<!tpu.dma_semaphore, #tpu.memory_space<semaphore_mem>>) src(%dma_wait3A_147 : memref<128x128xf32, #tpu.memory_space<vmem>>) dst(%dma_wait3A_143 : memref<128x128xf32, #tpu.memory_space<vmem_shared>>)
      tpu.yield
    }) : () -> ()
    %mul3A_36 = arith.constant 632 : i32
    %mul3A_37 = arith.muli %arg1, %mul3A_36 : i32
    %add3A_38 = arith.constant 256 : i32
    %add3A_39 = arith.addi %mul3A_37, %add3A_38 : i32
    %run_scoped3A_40 = arith.constant 1 : i32
    "tpu.region"() ({
      %run_scoped3A_123 = tpu.sem_alloc : memref<!tpu.dma_semaphore, #tpu.memory_space<semaphore_mem>>
      %dma_start3A_124 = arith.constant 0 : i32
      %dma_start3A_125 = arith.constant 0 : i32
      %dma_start3A_126 = tpu.memref_slice %arg8[%run_scoped3A_40, %dma_start3A_124, %dma_start3A_125] : memref<2x128x128xf32, #tpu.memory_space<vmem>> -> memref<1x128x128xf32, #tpu.memory_space<vmem>>
      %dma_start3A_127 = tpu.memref_squeeze %dma_start3A_126 : memref<1x128x128xf32, #tpu.memory_space<vmem>> -> memref<128x128xf32, #tpu.memory_space<vmem>>
      %dma_start3A_128 = arith.constant 0 : i32
      %dma_start3A_129 = tpu.memref_slice %arg9[%add3A_39, %dma_start3A_128] : memref<10112x128xf32, #tpu.memory_space<vmem_shared>> -> memref<128x128xf32, #tpu.memory_space<vmem_shared>>
      %dma_start3A_130 = arith.constant 0 : i32
      %dma_start3A_131 = tpu.memref_slice %arg9[%add3A_39, %dma_start3A_130] : memref<10112x128xf32, #tpu.memory_space<vmem_shared>> -> memref<128x128xf32, #tpu.memory_space<vmem_shared>>
      %dma_start3A_132 = arith.constant 0 : i32
      %dma_start3A_133 = arith.constant 0 : i32
      %dma_start3A_134 = tpu.memref_slice %arg8[%run_scoped3A_40, %dma_start3A_132, %dma_start3A_133] : memref<2x128x128xf32, #tpu.memory_space<vmem>> -> memref<1x128x128xf32, #tpu.memory_space<vmem>>
      %dma_start3A_135 = tpu.memref_squeeze %dma_start3A_134 : memref<1x128x128xf32, #tpu.memory_space<vmem>> -> memref<128x128xf32, #tpu.memory_space<vmem>>
      tpu.enqueue_dma source(%dma_start3A_135 : memref<128x128xf32, #tpu.memory_space<vmem>>) target(%dma_start3A_131 : memref<128x128xf32, #tpu.memory_space<vmem_shared>>) target_semaphore(%run_scoped3A_123 : memref<!tpu.dma_semaphore, #tpu.memory_space<semaphore_mem>>)
      %dma_wait3A_136 = arith.constant 0 : i32
      %dma_wait3A_137 = arith.constant 0 : i32
      %dma_wait3A_138 = tpu.memref_slice %arg8[%run_scoped3A_40, %dma_wait3A_136, %dma_wait3A_137] : memref<2x128x128xf32, #tpu.memory_space<vmem>> -> memref<1x128x128xf32, #tpu.memory_space<vmem>>
      %dma_wait3A_139 = tpu.memref_squeeze %dma_wait3A_138 : memref<1x128x128xf32, #tpu.memory_space<vmem>> -> memref<128x128xf32, #tpu.memory_space<vmem>>
      %dma_wait3A_140 = arith.constant 0 : i32
      %dma_wait3A_141 = tpu.memref_slice %arg9[%add3A_39, %dma_wait3A_140] : memref<10112x128xf32, #tpu.memory_space<vmem_shared>> -> memref<128x128xf32, #tpu.memory_space<vmem_shared>>
      %dma_wait3A_142 = arith.constant 0 : i32
      %dma_wait3A_143 = tpu.memref_slice %arg9[%add3A_39, %dma_wait3A_142] : memref<10112x128xf32, #tpu.memory_space<vmem_shared>> -> memref<128x128xf32, #tpu.memory_space<vmem_shared>>
      %dma_wait3A_144 = arith.constant 0 : i32
      %dma_wait3A_145 = arith.constant 0 : i32
      %dma_wait3A_146 = tpu.memref_slice %arg8[%run_scoped3A_40, %dma_wait3A_144, %dma_wait3A_145] : memref<2x128x128xf32, #tpu.memory_space<vmem>> -> memref<1x128x128xf32, #tpu.memory_space<vmem>>
      %dma_wait3A_147 = tpu.memref_squeeze %dma_wait3A_146 : memref<1x128x128xf32, #tpu.memory_space<vmem>> -> memref<128x128xf32, #tpu.memory_space<vmem>>
      tpu.wait_dma2 semaphore(%run_scoped3A_123 : memref<!tpu.dma_semaphore, #tpu.memory_space<semaphore_mem>>) src(%dma_wait3A_147 : memref<128x128xf32, #tpu.memory_space<vmem>>) dst(%dma_wait3A_143 : memref<128x128xf32, #tpu.memory_space<vmem_shared>>)
      tpu.yield
    }) : () -> ()
    %mul3A_41 = arith.constant 632 : i32
    %mul3A_42 = arith.muli %arg1, %mul3A_41 : i32
    %add3A_43 = arith.constant 384 : i32
    %add3A_44 = arith.addi %mul3A_42, %add3A_43 : i32
    %run_scoped3A_45 = arith.constant 1 : i32
    "tpu.region"() ({
      %run_scoped3A_123 = tpu.sem_alloc : memref<!tpu.dma_semaphore, #tpu.memory_space<semaphore_mem>>
      %dma_start3A_124 = arith.constant 0 : i32
      %dma_start3A_125 = arith.constant 0 : i32
      %dma_start3A_126 = tpu.memref_slice %arg8[%run_scoped3A_45, %dma_start3A_124, %dma_start3A_125] : memref<2x128x128xf32, #tpu.memory_space<vmem>> -> memref<1x128x128xf32, #tpu.memory_space<vmem>>
      %dma_start3A_127 = tpu.memref_squeeze %dma_start3A_126 : memref<1x128x128xf32, #tpu.memory_space<vmem>> -> memref<128x128xf32, #tpu.memory_space<vmem>>
      %dma_start3A_128 = arith.constant 0 : i32
      %dma_start3A_129 = tpu.memref_slice %arg9[%add3A_44, %dma_start3A_128] : memref<10112x128xf32, #tpu.memory_space<vmem_shared>> -> memref<128x128xf32, #tpu.memory_space<vmem_shared>>
      %dma_start3A_130 = arith.constant 0 : i32
      %dma_start3A_131 = tpu.memref_slice %arg9[%add3A_44, %dma_start3A_130] : memref<10112x128xf32, #tpu.memory_space<vmem_shared>> -> memref<128x128xf32, #tpu.memory_space<vmem_shared>>
      %dma_start3A_132 = arith.constant 0 : i32
      %dma_start3A_133 = arith.constant 0 : i32
      %dma_start3A_134 = tpu.memref_slice %arg8[%run_scoped3A_45, %dma_start3A_132, %dma_start3A_133] : memref<2x128x128xf32, #tpu.memory_space<vmem>> -> memref<1x128x128xf32, #tpu.memory_space<vmem>>
      %dma_start3A_135 = tpu.memref_squeeze %dma_start3A_134 : memref<1x128x128xf32, #tpu.memory_space<vmem>> -> memref<128x128xf32, #tpu.memory_space<vmem>>
      tpu.enqueue_dma source(%dma_start3A_135 : memref<128x128xf32, #tpu.memory_space<vmem>>) target(%dma_start3A_131 : memref<128x128xf32, #tpu.memory_space<vmem_shared>>) target_semaphore(%run_scoped3A_123 : memref<!tpu.dma_semaphore, #tpu.memory_space<semaphore_mem>>)
      %dma_wait3A_136 = arith.constant 0 : i32
      %dma_wait3A_137 = arith.constant 0 : i32
      %dma_wait3A_138 = tpu.memref_slice %arg8[%run_scoped3A_45, %dma_wait3A_136, %dma_wait3A_137] : memref<2x128x128xf32, #tpu.memory_space<vmem>> -> memref<1x128x128xf32, #tpu.memory_space<vmem>>
      %dma_wait3A_139 = tpu.memref_squeeze %dma_wait3A_138 : memref<1x128x128xf32, #tpu.memory_space<vmem>> -> memref<128x128xf32, #tpu.memory_space<vmem>>
      %dma_wait3A_140 = arith.constant 0 : i32
      %dma_wait3A_141 = tpu.memref_slice %arg9[%add3A_44, %dma_wait3A_140] : memref<10112x128xf32, #tpu.memory_space<vmem_shared>> -> memref<128x128xf32, #tpu.memory_space<vmem_shared>>
      %dma_wait3A_142 = arith.constant 0 : i32
      %dma_wait3A_143 = tpu.memref_slice %arg9[%add3A_44, %dma_wait3A_142] : memref<10112x128xf32, #tpu.memory_space<vmem_shared>> -> memref<128x128xf32, #tpu.memory_space<vmem_shared>>
      %dma_wait3A_144 = arith.constant 0 : i32
      %dma_wait3A_145 = arith.constant 0 : i32
      %dma_wait3A_146 = tpu.memref_slice %arg8[%run_scoped3A_45, %dma_wait3A_144, %dma_wait3A_145] : memref<2x128x128xf32, #tpu.memory_space<vmem>> -> memref<1x128x128xf32, #tpu.memory_space<vmem>>
      %dma_wait3A_147 = tpu.memref_squeeze %dma_wait3A_146 : memref<1x128x128xf32, #tpu.memory_space<vmem>> -> memref<128x128xf32, #tpu.memory_space<vmem>>
      tpu.wait_dma2 semaphore(%run_scoped3A_123 : memref<!tpu.dma_semaphore, #tpu.memory_space<semaphore_mem>>) src(%dma_wait3A_147 : memref<128x128xf32, #tpu.memory_space<vmem>>) dst(%dma_wait3A_143 : memref<128x128xf32, #tpu.memory_space<vmem_shared>>)
      tpu.yield
    }) : () -> ()
    %mul3A_46 = arith.constant 632 : i32
    %mul3A_47 = arith.muli %arg1, %mul3A_46 : i32
    %add3A_48 = arith.constant 512 : i32
    %add3A_49 = arith.addi %mul3A_47, %add3A_48 : i32
    %run_scoped3A_50 = arith.constant 1 : i32
    "tpu.region"() ({
      %run_scoped3A_123 = tpu.sem_alloc : memref<!tpu.dma_semaphore, #tpu.memory_space<semaphore_mem>>
      %dma_start3A_124 = arith.constant 0 : i32
      %dma_start3A_125 = arith.constant 0 : i32
      %dma_start3A_126 = tpu.memref_slice %arg8[%run_scoped3A_50, %dma_start3A_124, %dma_start3A_125] : memref<2x128x128xf32, #tpu.memory_space<vmem>> -> memref<1x120x128xf32, #tpu.memory_space<vmem>>
      %dma_start3A_127 = tpu.memref_squeeze %dma_start3A_126 : memref<1x120x128xf32, #tpu.memory_space<vmem>> -> memref<120x128xf32, #tpu.memory_space<vmem>>
      %dma_start3A_128 = arith.constant 0 : i32
      %dma_start3A_129 = tpu.memref_slice %arg9[%add3A_49, %dma_start3A_128] : memref<10112x128xf32, #tpu.memory_space<vmem_shared>> -> memref<120x128xf32, #tpu.memory_space<vmem_shared>>
      %dma_start3A_130 = arith.constant 0 : i32
      %dma_start3A_131 = tpu.memref_slice %arg9[%add3A_49, %dma_start3A_130] : memref<10112x128xf32, #tpu.memory_space<vmem_shared>> -> memref<120x128xf32, #tpu.memory_space<vmem_shared>>
      %dma_start3A_132 = arith.constant 0 : i32
      %dma_start3A_133 = arith.constant 0 : i32
      %dma_start3A_134 = tpu.memref_slice %arg8[%run_scoped3A_50, %dma_start3A_132, %dma_start3A_133] : memref<2x128x128xf32, #tpu.memory_space<vmem>> -> memref<1x120x128xf32, #tpu.memory_space<vmem>>
      %dma_start3A_135 = tpu.memref_squeeze %dma_start3A_134 : memref<1x120x128xf32, #tpu.memory_space<vmem>> -> memref<120x128xf32, #tpu.memory_space<vmem>>
      tpu.enqueue_dma source(%dma_start3A_135 : memref<120x128xf32, #tpu.memory_space<vmem>>) target(%dma_start3A_131 : memref<120x128xf32, #tpu.memory_space<vmem_shared>>) target_semaphore(%run_scoped3A_123 : memref<!tpu.dma_semaphore, #tpu.memory_space<semaphore_mem>>)
      %dma_wait3A_136 = arith.constant 0 : i32
      %dma_wait3A_137 = arith.constant 0 : i32
      %dma_wait3A_138 = tpu.memref_slice %arg8[%run_scoped3A_50, %dma_wait3A_136, %dma_wait3A_137] : memref<2x128x128xf32, #tpu.memory_space<vmem>> -> memref<1x120x128xf32, #tpu.memory_space<vmem>>
      %dma_wait3A_139 = tpu.memref_squeeze %dma_wait3A_138 : memref<1x120x128xf32, #tpu.memory_space<vmem>> -> memref<120x128xf32, #tpu.memory_space<vmem>>
      %dma_wait3A_140 = arith.constant 0 : i32
      %dma_wait3A_141 = tpu.memref_slice %arg9[%add3A_49, %dma_wait3A_140] : memref<10112x128xf32, #tpu.memory_space<vmem_shared>> -> memref<120x128xf32, #tpu.memory_space<vmem_shared>>
      %dma_wait3A_142 = arith.constant 0 : i32
      %dma_wait3A_143 = tpu.memref_slice %arg9[%add3A_49, %dma_wait3A_142] : memref<10112x128xf32, #tpu.memory_space<vmem_shared>> -> memref<120x128xf32, #tpu.memory_space<vmem_shared>>
      %dma_wait3A_144 = arith.constant 0 : i32
      %dma_wait3A_145 = arith.constant 0 : i32
      %dma_wait3A_146 = tpu.memref_slice %arg8[%run_scoped3A_50, %dma_wait3A_144, %dma_wait3A_145] : memref<2x128x128xf32, #tpu.memory_space<vmem>> -> memref<1x120x128xf32, #tpu.memory_space<vmem>>
      %dma_wait3A_147 = tpu.memref_squeeze %dma_wait3A_146 : memref<1x120x128xf32, #tpu.memory_space<vmem>> -> memref<120x128xf32, #tpu.memory_space<vmem>>
      tpu.wait_dma2 semaphore(%run_scoped3A_123 : memref<!tpu.dma_semaphore, #tpu.memory_space<semaphore_mem>>) src(%dma_wait3A_147 : memref<120x128xf32, #tpu.memory_space<vmem>>) dst(%dma_wait3A_143 : memref<120x128xf32, #tpu.memory_space<vmem_shared>>)
      tpu.yield
    }) : () -> ()
    %barrier3A = arith.constant 0 : index
    tpu.barrier barrier_id(%barrier3A)
    %scan3A_51 = arith.constant 0 : i32
    %scan3A_52 = arith.constant 0 : i32
    %scan3A_53 = arith.constant 40 : i32
    %scan3A_54 = arith.addi %scan3A_52, %scan3A_53 : i32
    %scan3A_55 = arith.constant 1 : i32
    scf.for %scan3A_123 = %scan3A_52 to %scan3A_54 step %scan3A_55  : i32 {
      %rem3A_124 = arith.constant 2 : i32
      %rem3A_125 = arith.remsi %scan3A_123, %rem3A_124 : i32
      %sub3A = arith.constant 1 : i32
      %sub3A_126 = arith.subi %sub3A, %rem3A_125 : i32
      %gt3A = arith.constant 0 : i32
      %gt3A_127 = arith.cmpi sgt, %scan3A_123, %gt3A : i32
      %convert_element_type3A = arith.extui %gt3A_127 : i1 to i32
      %cond3A = arith.constant 0 : i32
      %cond3A_128 = arith.cmpi ne, %convert_element_type3A, %cond3A : i32
      scf.if %cond3A_128 {
        %sub3A_159 = arith.constant 1 : i32
        %sub3A_160 = arith.subi %scan3A_123, %sub3A_159 : i32
        %dma_wait3A_161 = arith.constant 0 : i32
        %dma_wait3A_162 = arith.constant 0 : i32
        %dma_wait3A_163 = tpu.memref_slice %arg8[%sub3A_126, %dma_wait3A_161, %dma_wait3A_162] : memref<2x128x128xf32, #tpu.memory_space<vmem>> -> memref<1x128x128xf32, #tpu.memory_space<vmem>>
        %dma_wait3A_164 = tpu.memref_squeeze %dma_wait3A_163 : memref<1x128x128xf32, #tpu.memory_space<vmem>> -> memref<128x128xf32, #tpu.memory_space<vmem>>
        %dma_wait3A_165 = arith.constant 0 : i32
        %dma_wait3A_166 = tpu.memref_slice %arg7[%sub3A_160, %dma_wait3A_165] : memref<40x128xi32, #tpu.memory_space<vmem>> -> memref<1x128xi32, #tpu.memory_space<vmem>>
        %dma_wait3A_167 = tpu.memref_squeeze %dma_wait3A_166 : memref<1x128xi32, #tpu.memory_space<vmem>> -> memref<128xi32, #tpu.memory_space<vmem>>
        %dma_wait3A_168 = arith.constant 0 : i32
        %dma_wait3A_169 = arith.constant 0 : i32
        %dma_wait3A_170 = tpu.memref_slice %arg9[%dma_wait3A_168, %dma_wait3A_169] : memref<10112x128xf32, #tpu.memory_space<vmem_shared>> -> memref<10112x128xf32, #tpu.memory_space<vmem_shared>>
        %dma_wait3A_171 = tpu.memref_slice %arg11[%sub3A_126] : memref<2x!tpu.dma_semaphore, #tpu.memory_space<semaphore_mem>> -> memref<1x!tpu.dma_semaphore, #tpu.memory_space<semaphore_mem>>
        %dma_wait3A_172 = tpu.memref_squeeze %dma_wait3A_171 : memref<1x!tpu.dma_semaphore, #tpu.memory_space<semaphore_mem>> -> memref<!tpu.dma_semaphore, #tpu.memory_space<semaphore_mem>>
        tpu.wait_indirect_dma semaphore(%dma_wait3A_172 : memref<!tpu.dma_semaphore, #tpu.memory_space<semaphore_mem>>) src(%dma_wait3A_164 : memref<128x128xf32, #tpu.memory_space<vmem>>) dst(%dma_wait3A_170 : memref<10112x128xf32, #tpu.memory_space<vmem_shared>>)
      } else {
      }
      %add3A_129 = arith.constant 1 : i32
      %add3A_130 = arith.addi %scan3A_123, %add3A_129 : i32
      %lt3A = arith.constant 40 : i32
      %lt3A_131 = arith.cmpi slt, %add3A_130, %lt3A : i32
      %convert_element_type3A_132 = arith.extui %lt3A_131 : i1 to i32
      %cond3A_133 = arith.constant 0 : i32
      %cond3A_134 = arith.cmpi ne, %convert_element_type3A_132, %cond3A_133 : i32
      scf.if %cond3A_134 {
        %add3A_159 = arith.constant 1 : i32
        %add3A_160 = arith.addi %scan3A_123, %add3A_159 : i32
        %dma_start3A_161 = arith.constant 0 : i32
        %dma_start3A_162 = arith.constant 0 : i32
        %dma_start3A_163 = tpu.memref_slice %arg8[%sub3A_126, %dma_start3A_161, %dma_start3A_162] : memref<2x128x128xf32, #tpu.memory_space<vmem>> -> memref<1x128x128xf32, #tpu.memory_space<vmem>>
        %dma_start3A_164 = tpu.memref_squeeze %dma_start3A_163 : memref<1x128x128xf32, #tpu.memory_space<vmem>> -> memref<128x128xf32, #tpu.memory_space<vmem>>
        %dma_start3A_165 = arith.constant 0 : i32
        %dma_start3A_166 = tpu.memref_slice %arg6[%add3A_160, %dma_start3A_165] : memref<40x128xi32, #tpu.memory_space<vmem>> -> memref<1x128xi32, #tpu.memory_space<vmem>>
        %dma_start3A_167 = tpu.memref_squeeze %dma_start3A_166 : memref<1x128xi32, #tpu.memory_space<vmem>> -> memref<128xi32, #tpu.memory_space<vmem>>
        %dma_start3A_168 = arith.constant 0 : i32
        %dma_start3A_169 = arith.constant 0 : i32
        %dma_start3A_170 = tpu.memref_slice %arg2[%dma_start3A_168, %dma_start3A_169] : memref<10000x128xf32, #tpu.memory_space<hbm>> -> memref<10000x128xf32, #tpu.memory_space<hbm>>
        %dma_start3A_171 = tpu.memref_slice %arg10[%sub3A_126] : memref<2x!tpu.dma_semaphore, #tpu.memory_space<semaphore_mem>> -> memref<1x!tpu.dma_semaphore, #tpu.memory_space<semaphore_mem>>
        %dma_start3A_172 = tpu.memref_squeeze %dma_start3A_171 : memref<1x!tpu.dma_semaphore, #tpu.memory_space<semaphore_mem>> -> memref<!tpu.dma_semaphore, #tpu.memory_space<semaphore_mem>>
        tpu.enqueue_indirect_dma source(%dma_start3A_170 : memref<10000x128xf32, #tpu.memory_space<hbm>>) target(%dma_start3A_164 : memref<128x128xf32, #tpu.memory_space<vmem>>) offsets(%dma_start3A_167 : memref<128xi32, #tpu.memory_space<vmem>>) semaphore(%dma_start3A_172 : memref<!tpu.dma_semaphore, #tpu.memory_space<semaphore_mem>>)
      } else {
      }
      %dma_wait3A_135 = arith.constant 0 : i32
      %dma_wait3A_136 = arith.constant 0 : i32
      %dma_wait3A_137 = tpu.memref_slice %arg8[%rem3A_125, %dma_wait3A_135, %dma_wait3A_136] : memref<2x128x128xf32, #tpu.memory_space<vmem>> -> memref<1x128x128xf32, #tpu.memory_space<vmem>>
      %dma_wait3A_138 = tpu.memref_squeeze %dma_wait3A_137 : memref<1x128x128xf32, #tpu.memory_space<vmem>> -> memref<128x128xf32, #tpu.memory_space<vmem>>
      %dma_wait3A_139 = arith.constant 0 : i32
      %dma_wait3A_140 = tpu.memref_slice %arg6[%scan3A_123, %dma_wait3A_139] : memref<40x128xi32, #tpu.memory_space<vmem>> -> memref<1x128xi32, #tpu.memory_space<vmem>>
      %dma_wait3A_141 = tpu.memref_squeeze %dma_wait3A_140 : memref<1x128xi32, #tpu.memory_space<vmem>> -> memref<128xi32, #tpu.memory_space<vmem>>
      %dma_wait3A_142 = arith.constant 0 : i32
      %dma_wait3A_143 = arith.constant 0 : i32
      %dma_wait3A_144 = tpu.memref_slice %arg2[%dma_wait3A_142, %dma_wait3A_143] : memref<10000x128xf32, #tpu.memory_space<hbm>> -> memref<10000x128xf32, #tpu.memory_space<hbm>>
      %dma_wait3A_145 = tpu.memref_slice %arg10[%rem3A_125] : memref<2x!tpu.dma_semaphore, #tpu.memory_space<semaphore_mem>> -> memref<1x!tpu.dma_semaphore, #tpu.memory_space<semaphore_mem>>
      %dma_wait3A_146 = tpu.memref_squeeze %dma_wait3A_145 : memref<1x!tpu.dma_semaphore, #tpu.memory_space<semaphore_mem>> -> memref<!tpu.dma_semaphore, #tpu.memory_space<semaphore_mem>>
      tpu.wait_indirect_dma semaphore(%dma_wait3A_146 : memref<!tpu.dma_semaphore, #tpu.memory_space<semaphore_mem>>) src(%dma_wait3A_144 : memref<10000x128xf32, #tpu.memory_space<hbm>>) dst(%dma_wait3A_138 : memref<128x128xf32, #tpu.memory_space<vmem>>)
      %dma_start3A_147 = arith.constant 0 : i32
      %dma_start3A_148 = arith.constant 0 : i32
      %dma_start3A_149 = tpu.memref_slice %arg8[%rem3A_125, %dma_start3A_147, %dma_start3A_148] : memref<2x128x128xf32, #tpu.memory_space<vmem>> -> memref<1x128x128xf32, #tpu.memory_space<vmem>>
      %dma_start3A_150 = tpu.memref_squeeze %dma_start3A_149 : memref<1x128x128xf32, #tpu.memory_space<vmem>> -> memref<128x128xf32, #tpu.memory_space<vmem>>
      %dma_start3A_151 = arith.constant 0 : i32
      %dma_start3A_152 = tpu.memref_slice %arg7[%scan3A_123, %dma_start3A_151] : memref<40x128xi32, #tpu.memory_space<vmem>> -> memref<1x128xi32, #tpu.memory_space<vmem>>
      %dma_start3A_153 = tpu.memref_squeeze %dma_start3A_152 : memref<1x128xi32, #tpu.memory_space<vmem>> -> memref<128xi32, #tpu.memory_space<vmem>>
      %dma_start3A_154 = arith.constant 0 : i32
      %dma_start3A_155 = arith.constant 0 : i32
      %dma_start3A_156 = tpu.memref_slice %arg9[%dma_start3A_154, %dma_start3A_155] : memref<10112x128xf32, #tpu.memory_space<vmem_shared>> -> memref<10112x128xf32, #tpu.memory_space<vmem_shared>>
      %dma_start3A_157 = tpu.memref_slice %arg11[%rem3A_125] : memref<2x!tpu.dma_semaphore, #tpu.memory_space<semaphore_mem>> -> memref<1x!tpu.dma_semaphore, #tpu.memory_space<semaphore_mem>>
      %dma_start3A_158 = tpu.memref_squeeze %dma_start3A_157 : memref<1x!tpu.dma_semaphore, #tpu.memory_space<semaphore_mem>> -> memref<!tpu.dma_semaphore, #tpu.memory_space<semaphore_mem>>
      tpu.enqueue_indirect_dma source(%dma_start3A_150 : memref<128x128xf32, #tpu.memory_space<vmem>>) target(%dma_start3A_156 : memref<10112x128xf32, #tpu.memory_space<vmem_shared>>) offsets(%dma_start3A_153 : memref<128xi32, #tpu.memory_space<vmem>>) semaphore(%dma_start3A_158 : memref<!tpu.dma_semaphore, #tpu.memory_space<semaphore_mem>>) {add = true}
    }
    %scan3A_56 = arith.constant 40 : i32
    %rem3A = arith.constant 39 : i32
    %rem3A_57 = arith.constant 2 : i32
    %rem3A_58 = arith.remsi %rem3A, %rem3A_57 : i32
    %rem3A_59 = arith.constant 39 : i32
    %rem3A_60 = arith.constant 2 : i32
    %rem3A_61 = arith.remsi %rem3A_59, %rem3A_60 : i32
    %dma_wait3A = arith.constant 39 : i32
    %dma_wait3A_62 = arith.constant 0 : i32
    %dma_wait3A_63 = arith.constant 0 : i32
    %dma_wait3A_64 = tpu.memref_slice %arg8[%rem3A_58, %dma_wait3A_62, %dma_wait3A_63] : memref<2x128x128xf32, #tpu.memory_space<vmem>> -> memref<1x128x128xf32, #tpu.memory_space<vmem>>
    %dma_wait3A_65 = tpu.memref_squeeze %dma_wait3A_64 : memref<1x128x128xf32, #tpu.memory_space<vmem>> -> memref<128x128xf32, #tpu.memory_space<vmem>>
    %dma_wait3A_66 = arith.constant 0 : i32
    %dma_wait3A_67 = tpu.memref_slice %arg7[%dma_wait3A, %dma_wait3A_66] : memref<40x128xi32, #tpu.memory_space<vmem>> -> memref<1x128xi32, #tpu.memory_space<vmem>>
    %dma_wait3A_68 = tpu.memref_squeeze %dma_wait3A_67 : memref<1x128xi32, #tpu.memory_space<vmem>> -> memref<128xi32, #tpu.memory_space<vmem>>
    %dma_wait3A_69 = arith.constant 0 : i32
    %dma_wait3A_70 = arith.constant 0 : i32
    %dma_wait3A_71 = tpu.memref_slice %arg9[%dma_wait3A_69, %dma_wait3A_70] : memref<10112x128xf32, #tpu.memory_space<vmem_shared>> -> memref<10112x128xf32, #tpu.memory_space<vmem_shared>>
    %dma_wait3A_72 = tpu.memref_slice %arg11[%rem3A_61] : memref<2x!tpu.dma_semaphore, #tpu.memory_space<semaphore_mem>> -> memref<1x!tpu.dma_semaphore, #tpu.memory_space<semaphore_mem>>
    %dma_wait3A_73 = tpu.memref_squeeze %dma_wait3A_72 : memref<1x!tpu.dma_semaphore, #tpu.memory_space<semaphore_mem>> -> memref<!tpu.dma_semaphore, #tpu.memory_space<semaphore_mem>>
    tpu.wait_indirect_dma semaphore(%dma_wait3A_73 : memref<!tpu.dma_semaphore, #tpu.memory_space<semaphore_mem>>) src(%dma_wait3A_65 : memref<128x128xf32, #tpu.memory_space<vmem>>) dst(%dma_wait3A_71 : memref<10112x128xf32, #tpu.memory_space<vmem_shared>>)
    %add3A_74 = arith.constant 40 : i32
    %add3A_75 = arith.addi %mul3A_2, %add3A_74 : i32
    "tpu.region"() ({
      %run_scoped3A_123 = tpu.sem_alloc : memref<!tpu.dma_semaphore, #tpu.memory_space<semaphore_mem>>
      %dma_start3A_124 = arith.constant 0 : i32
      %dma_start3A_125 = tpu.memref_slice %arg3[%add3A_75, %dma_start3A_124] : memref<2560x128xi32, #tpu.memory_space<hbm>> -> memref<40x128xi32, #tpu.memory_space<hbm>>
      %dma_start3A_126 = arith.constant 0 : i32
      %dma_start3A_127 = tpu.memref_slice %arg3[%add3A_75, %dma_start3A_126] : memref<2560x128xi32, #tpu.memory_space<hbm>> -> memref<40x128xi32, #tpu.memory_space<hbm>>
      tpu.enqueue_dma source(%dma_start3A_127 : memref<40x128xi32, #tpu.memory_space<hbm>>) target(%arg6 : memref<40x128xi32, #tpu.memory_space<vmem>>) target_semaphore(%run_scoped3A_123 : memref<!tpu.dma_semaphore, #tpu.memory_space<semaphore_mem>>)
      %dma_wait3A_128 = arith.constant 0 : i32
      %dma_wait3A_129 = tpu.memref_slice %arg3[%add3A_75, %dma_wait3A_128] : memref<2560x128xi32, #tpu.memory_space<hbm>> -> memref<40x128xi32, #tpu.memory_space<hbm>>
      %dma_wait3A_130 = arith.constant 0 : i32
      %dma_wait3A_131 = tpu.memref_slice %arg3[%add3A_75, %dma_wait3A_130] : memref<2560x128xi32, #tpu.memory_space<hbm>> -> memref<40x128xi32, #tpu.memory_space<hbm>>
      tpu.wait_dma2 semaphore(%run_scoped3A_123 : memref<!tpu.dma_semaphore, #tpu.memory_space<semaphore_mem>>) src(%dma_wait3A_131 : memref<40x128xi32, #tpu.memory_space<hbm>>) dst(%arg6 : memref<40x128xi32, #tpu.memory_space<vmem>>)
      tpu.yield
    }) : () -> ()
    %add3A_76 = arith.constant 40 : i32
    %add3A_77 = arith.addi %mul3A_2, %add3A_76 : i32
    "tpu.region"() ({
      %run_scoped3A_123 = tpu.sem_alloc : memref<!tpu.dma_semaphore, #tpu.memory_space<semaphore_mem>>
      %dma_start3A_124 = arith.constant 0 : i32
      %dma_start3A_125 = tpu.memref_slice %arg4[%add3A_77, %dma_start3A_124] : memref<2560x128xi32, #tpu.memory_space<hbm>> -> memref<40x128xi32, #tpu.memory_space<hbm>>
      %dma_start3A_126 = arith.constant 0 : i32
      %dma_start3A_127 = tpu.memref_slice %arg4[%add3A_77, %dma_start3A_126] : memref<2560x128xi32, #tpu.memory_space<hbm>> -> memref<40x128xi32, #tpu.memory_space<hbm>>
      tpu.enqueue_dma source(%dma_start3A_127 : memref<40x128xi32, #tpu.memory_space<hbm>>) target(%arg7 : memref<40x128xi32, #tpu.memory_space<vmem>>) target_semaphore(%run_scoped3A_123 : memref<!tpu.dma_semaphore, #tpu.memory_space<semaphore_mem>>)
      %dma_wait3A_128 = arith.constant 0 : i32
      %dma_wait3A_129 = tpu.memref_slice %arg4[%add3A_77, %dma_wait3A_128] : memref<2560x128xi32, #tpu.memory_space<hbm>> -> memref<40x128xi32, #tpu.memory_space<hbm>>
      %dma_wait3A_130 = arith.constant 0 : i32
      %dma_wait3A_131 = tpu.memref_slice %arg4[%add3A_77, %dma_wait3A_130] : memref<2560x128xi32, #tpu.memory_space<hbm>> -> memref<40x128xi32, #tpu.memory_space<hbm>>
      tpu.wait_dma2 semaphore(%run_scoped3A_123 : memref<!tpu.dma_semaphore, #tpu.memory_space<semaphore_mem>>) src(%dma_wait3A_131 : memref<40x128xi32, #tpu.memory_space<hbm>>) dst(%arg7 : memref<40x128xi32, #tpu.memory_space<vmem>>)
      tpu.yield
    }) : () -> ()
    %dma_start3A_78 = arith.constant 0 : i32
    %dma_start3A_79 = arith.constant 0 : i32
    %dma_start3A_80 = arith.constant 0 : i32
    %dma_start3A_81 = arith.constant 0 : i32
    %dma_start3A_82 = arith.constant 0 : i32
    %dma_start3A_83 = tpu.memref_slice %arg8[%dma_start3A_79, %dma_start3A_81, %dma_start3A_82] : memref<2x128x128xf32, #tpu.memory_space<vmem>> -> memref<1x128x128xf32, #tpu.memory_space<vmem>>
    %dma_start3A_84 = tpu.memref_squeeze %dma_start3A_83 : memref<1x128x128xf32, #tpu.memory_space<vmem>> -> memref<128x128xf32, #tpu.memory_space<vmem>>
    %dma_start3A_85 = arith.constant 0 : i32
    %dma_start3A_86 = tpu.memref_slice %arg6[%dma_start3A_78, %dma_start3A_85] : memref<40x128xi32, #tpu.memory_space<vmem>> -> memref<1x128xi32, #tpu.memory_space<vmem>>
    %dma_start3A_87 = tpu.memref_squeeze %dma_start3A_86 : memref<1x128xi32, #tpu.memory_space<vmem>> -> memref<128xi32, #tpu.memory_space<vmem>>
    %dma_start3A_88 = arith.constant 0 : i32
    %dma_start3A_89 = arith.constant 0 : i32
    %dma_start3A_90 = tpu.memref_slice %arg2[%dma_start3A_88, %dma_start3A_89] : memref<10000x128xf32, #tpu.memory_space<hbm>> -> memref<10000x128xf32, #tpu.memory_space<hbm>>
    %dma_start3A_91 = tpu.memref_slice %arg10[%dma_start3A_80] : memref<2x!tpu.dma_semaphore, #tpu.memory_space<semaphore_mem>> -> memref<1x!tpu.dma_semaphore, #tpu.memory_space<semaphore_mem>>
    %dma_start3A_92 = tpu.memref_squeeze %dma_start3A_91 : memref<1x!tpu.dma_semaphore, #tpu.memory_space<semaphore_mem>> -> memref<!tpu.dma_semaphore, #tpu.memory_space<semaphore_mem>>
    tpu.enqueue_indirect_dma source(%dma_start3A_90 : memref<10000x128xf32, #tpu.memory_space<hbm>>) target(%dma_start3A_84 : memref<128x128xf32, #tpu.memory_space<vmem>>) offsets(%dma_start3A_87 : memref<128xi32, #tpu.memory_space<vmem>>) semaphore(%dma_start3A_92 : memref<!tpu.dma_semaphore, #tpu.memory_space<semaphore_mem>>)
    %scan3A_93 = arith.constant 0 : i32
    %scan3A_94 = arith.constant 0 : i32
    %scan3A_95 = arith.constant 40 : i32
    %scan3A_96 = arith.addi %scan3A_94, %scan3A_95 : i32
    %scan3A_97 = arith.constant 1 : i32
    scf.for %scan3A_123 = %scan3A_94 to %scan3A_96 step %scan3A_97  : i32 {
      %rem3A_124 = arith.constant 2 : i32
      %rem3A_125 = arith.remsi %scan3A_123, %rem3A_124 : i32
      %sub3A = arith.constant 1 : i32
      %sub3A_126 = arith.subi %sub3A, %rem3A_125 : i32
      %gt3A = arith.constant 0 : i32
      %gt3A_127 = arith.cmpi sgt, %scan3A_123, %gt3A : i32
      %convert_element_type3A = arith.extui %gt3A_127 : i1 to i32
      %cond3A = arith.constant 0 : i32
      %cond3A_128 = arith.cmpi ne, %convert_element_type3A, %cond3A : i32
      scf.if %cond3A_128 {
        %sub3A_159 = arith.constant 1 : i32
        %sub3A_160 = arith.subi %scan3A_123, %sub3A_159 : i32
        %dma_wait3A_161 = arith.constant 0 : i32
        %dma_wait3A_162 = arith.constant 0 : i32
        %dma_wait3A_163 = tpu.memref_slice %arg8[%sub3A_126, %dma_wait3A_161, %dma_wait3A_162] : memref<2x128x128xf32, #tpu.memory_space<vmem>> -> memref<1x128x128xf32, #tpu.memory_space<vmem>>
        %dma_wait3A_164 = tpu.memref_squeeze %dma_wait3A_163 : memref<1x128x128xf32, #tpu.memory_space<vmem>> -> memref<128x128xf32, #tpu.memory_space<vmem>>
        %dma_wait3A_165 = arith.constant 0 : i32
        %dma_wait3A_166 = tpu.memref_slice %arg7[%sub3A_160, %dma_wait3A_165] : memref<40x128xi32, #tpu.memory_space<vmem>> -> memref<1x128xi32, #tpu.memory_space<vmem>>
        %dma_wait3A_167 = tpu.memref_squeeze %dma_wait3A_166 : memref<1x128xi32, #tpu.memory_space<vmem>> -> memref<128xi32, #tpu.memory_space<vmem>>
        %dma_wait3A_168 = arith.constant 0 : i32
        %dma_wait3A_169 = arith.constant 0 : i32
        %dma_wait3A_170 = tpu.memref_slice %arg9[%dma_wait3A_168, %dma_wait3A_169] : memref<10112x128xf32, #tpu.memory_space<vmem_shared>> -> memref<10112x128xf32, #tpu.memory_space<vmem_shared>>
        %dma_wait3A_171 = tpu.memref_slice %arg11[%sub3A_126] : memref<2x!tpu.dma_semaphore, #tpu.memory_space<semaphore_mem>> -> memref<1x!tpu.dma_semaphore, #tpu.memory_space<semaphore_mem>>
        %dma_wait3A_172 = tpu.memref_squeeze %dma_wait3A_171 : memref<1x!tpu.dma_semaphore, #tpu.memory_space<semaphore_mem>> -> memref<!tpu.dma_semaphore, #tpu.memory_space<semaphore_mem>>
        tpu.wait_indirect_dma semaphore(%dma_wait3A_172 : memref<!tpu.dma_semaphore, #tpu.memory_space<semaphore_mem>>) src(%dma_wait3A_164 : memref<128x128xf32, #tpu.memory_space<vmem>>) dst(%dma_wait3A_170 : memref<10112x128xf32, #tpu.memory_space<vmem_shared>>)
      } else {
      }
      %add3A_129 = arith.constant 1 : i32
      %add3A_130 = arith.addi %scan3A_123, %add3A_129 : i32
      %lt3A = arith.constant 40 : i32
      %lt3A_131 = arith.cmpi slt, %add3A_130, %lt3A : i32
      %convert_element_type3A_132 = arith.extui %lt3A_131 : i1 to i32
      %cond3A_133 = arith.constant 0 : i32
      %cond3A_134 = arith.cmpi ne, %convert_element_type3A_132, %cond3A_133 : i32
      scf.if %cond3A_134 {
        %add3A_159 = arith.constant 1 : i32
        %add3A_160 = arith.addi %scan3A_123, %add3A_159 : i32
        %dma_start3A_161 = arith.constant 0 : i32
        %dma_start3A_162 = arith.constant 0 : i32
        %dma_start3A_163 = tpu.memref_slice %arg8[%sub3A_126, %dma_start3A_161, %dma_start3A_162] : memref<2x128x128xf32, #tpu.memory_space<vmem>> -> memref<1x128x128xf32, #tpu.memory_space<vmem>>
        %dma_start3A_164 = tpu.memref_squeeze %dma_start3A_163 : memref<1x128x128xf32, #tpu.memory_space<vmem>> -> memref<128x128xf32, #tpu.memory_space<vmem>>
        %dma_start3A_165 = arith.constant 0 : i32
        %dma_start3A_166 = tpu.memref_slice %arg6[%add3A_160, %dma_start3A_165] : memref<40x128xi32, #tpu.memory_space<vmem>> -> memref<1x128xi32, #tpu.memory_space<vmem>>
        %dma_start3A_167 = tpu.memref_squeeze %dma_start3A_166 : memref<1x128xi32, #tpu.memory_space<vmem>> -> memref<128xi32, #tpu.memory_space<vmem>>
        %dma_start3A_168 = arith.constant 0 : i32
        %dma_start3A_169 = arith.constant 0 : i32
        %dma_start3A_170 = tpu.memref_slice %arg2[%dma_start3A_168, %dma_start3A_169] : memref<10000x128xf32, #tpu.memory_space<hbm>> -> memref<10000x128xf32, #tpu.memory_space<hbm>>
        %dma_start3A_171 = tpu.memref_slice %arg10[%sub3A_126] : memref<2x!tpu.dma_semaphore, #tpu.memory_space<semaphore_mem>> -> memref<1x!tpu.dma_semaphore, #tpu.memory_space<semaphore_mem>>
        %dma_start3A_172 = tpu.memref_squeeze %dma_start3A_171 : memref<1x!tpu.dma_semaphore, #tpu.memory_space<semaphore_mem>> -> memref<!tpu.dma_semaphore, #tpu.memory_space<semaphore_mem>>
        tpu.enqueue_indirect_dma source(%dma_start3A_170 : memref<10000x128xf32, #tpu.memory_space<hbm>>) target(%dma_start3A_164 : memref<128x128xf32, #tpu.memory_space<vmem>>) offsets(%dma_start3A_167 : memref<128xi32, #tpu.memory_space<vmem>>) semaphore(%dma_start3A_172 : memref<!tpu.dma_semaphore, #tpu.memory_space<semaphore_mem>>)
      } else {
      }
      %dma_wait3A_135 = arith.constant 0 : i32
      %dma_wait3A_136 = arith.constant 0 : i32
      %dma_wait3A_137 = tpu.memref_slice %arg8[%rem3A_125, %dma_wait3A_135, %dma_wait3A_136] : memref<2x128x128xf32, #tpu.memory_space<vmem>> -> memref<1x128x128xf32, #tpu.memory_space<vmem>>
      %dma_wait3A_138 = tpu.memref_squeeze %dma_wait3A_137 : memref<1x128x128xf32, #tpu.memory_space<vmem>> -> memref<128x128xf32, #tpu.memory_space<vmem>>
      %dma_wait3A_139 = arith.constant 0 : i32
      %dma_wait3A_140 = tpu.memref_slice %arg6[%scan3A_123, %dma_wait3A_139] : memref<40x128xi32, #tpu.memory_space<vmem>> -> memref<1x128xi32, #tpu.memory_space<vmem>>
      %dma_wait3A_141 = tpu.memref_squeeze %dma_wait3A_140 : memref<1x128xi32, #tpu.memory_space<vmem>> -> memref<128xi32, #tpu.memory_space<vmem>>
      %dma_wait3A_142 = arith.constant 0 : i32
      %dma_wait3A_143 = arith.constant 0 : i32
      %dma_wait3A_144 = tpu.memref_slice %arg2[%dma_wait3A_142, %dma_wait3A_143] : memref<10000x128xf32, #tpu.memory_space<hbm>> -> memref<10000x128xf32, #tpu.memory_space<hbm>>
      %dma_wait3A_145 = tpu.memref_slice %arg10[%rem3A_125] : memref<2x!tpu.dma_semaphore, #tpu.memory_space<semaphore_mem>> -> memref<1x!tpu.dma_semaphore, #tpu.memory_space<semaphore_mem>>
      %dma_wait3A_146 = tpu.memref_squeeze %dma_wait3A_145 : memref<1x!tpu.dma_semaphore, #tpu.memory_space<semaphore_mem>> -> memref<!tpu.dma_semaphore, #tpu.memory_space<semaphore_mem>>
      tpu.wait_indirect_dma semaphore(%dma_wait3A_146 : memref<!tpu.dma_semaphore, #tpu.memory_space<semaphore_mem>>) src(%dma_wait3A_144 : memref<10000x128xf32, #tpu.memory_space<hbm>>) dst(%dma_wait3A_138 : memref<128x128xf32, #tpu.memory_space<vmem>>)
      %dma_start3A_147 = arith.constant 0 : i32
      %dma_start3A_148 = arith.constant 0 : i32
      %dma_start3A_149 = tpu.memref_slice %arg8[%rem3A_125, %dma_start3A_147, %dma_start3A_148] : memref<2x128x128xf32, #tpu.memory_space<vmem>> -> memref<1x128x128xf32, #tpu.memory_space<vmem>>
      %dma_start3A_150 = tpu.memref_squeeze %dma_start3A_149 : memref<1x128x128xf32, #tpu.memory_space<vmem>> -> memref<128x128xf32, #tpu.memory_space<vmem>>
      %dma_start3A_151 = arith.constant 0 : i32
      %dma_start3A_152 = tpu.memref_slice %arg7[%scan3A_123, %dma_start3A_151] : memref<40x128xi32, #tpu.memory_space<vmem>> -> memref<1x128xi32, #tpu.memory_space<vmem>>
      %dma_start3A_153 = tpu.memref_squeeze %dma_start3A_152 : memref<1x128xi32, #tpu.memory_space<vmem>> -> memref<128xi32, #tpu.memory_space<vmem>>
      %dma_start3A_154 = arith.constant 0 : i32
      %dma_start3A_155 = arith.constant 0 : i32
      %dma_start3A_156 = tpu.memref_slice %arg9[%dma_start3A_154, %dma_start3A_155] : memref<10112x128xf32, #tpu.memory_space<vmem_shared>> -> memref<10112x128xf32, #tpu.memory_space<vmem_shared>>
      %dma_start3A_157 = tpu.memref_slice %arg11[%rem3A_125] : memref<2x!tpu.dma_semaphore, #tpu.memory_space<semaphore_mem>> -> memref<1x!tpu.dma_semaphore, #tpu.memory_space<semaphore_mem>>
      %dma_start3A_158 = tpu.memref_squeeze %dma_start3A_157 : memref<1x!tpu.dma_semaphore, #tpu.memory_space<semaphore_mem>> -> memref<!tpu.dma_semaphore, #tpu.memory_space<semaphore_mem>>
      tpu.enqueue_indirect_dma source(%dma_start3A_150 : memref<128x128xf32, #tpu.memory_space<vmem>>) target(%dma_start3A_156 : memref<10112x128xf32, #tpu.memory_space<vmem_shared>>) offsets(%dma_start3A_153 : memref<128xi32, #tpu.memory_space<vmem>>) semaphore(%dma_start3A_158 : memref<!tpu.dma_semaphore, #tpu.memory_space<semaphore_mem>>) {add = true}
    }
    %scan3A_98 = arith.constant 40 : i32
    %rem3A_99 = arith.constant 39 : i32
    %rem3A_100 = arith.constant 2 : i32
    %rem3A_101 = arith.remsi %rem3A_99, %rem3A_100 : i32
    %rem3A_102 = arith.constant 39 : i32
    %rem3A_103 = arith.constant 2 : i32
    %rem3A_104 = arith.remsi %rem3A_102, %rem3A_103 : i32
    %dma_wait3A_105 = arith.constant 39 : i32
    %dma_wait3A_106 = arith.constant 0 : i32
    %dma_wait3A_107 = arith.constant 0 : i32
    %dma_wait3A_108 = tpu.memref_slice %arg8[%rem3A_101, %dma_wait3A_106, %dma_wait3A_107] : memref<2x128x128xf32, #tpu.memory_space<vmem>> -> memref<1x128x128xf32, #tpu.memory_space<vmem>>
    %dma_wait3A_109 = tpu.memref_squeeze %dma_wait3A_108 : memref<1x128x128xf32, #tpu.memory_space<vmem>> -> memref<128x128xf32, #tpu.memory_space<vmem>>
    %dma_wait3A_110 = arith.constant 0 : i32
    %dma_wait3A_111 = tpu.memref_slice %arg7[%dma_wait3A_105, %dma_wait3A_110] : memref<40x128xi32, #tpu.memory_space<vmem>> -> memref<1x128xi32, #tpu.memory_space<vmem>>
    %dma_wait3A_112 = tpu.memref_squeeze %dma_wait3A_111 : memref<1x128xi32, #tpu.memory_space<vmem>> -> memref<128xi32, #tpu.memory_space<vmem>>
    %dma_wait3A_113 = arith.constant 0 : i32
    %dma_wait3A_114 = arith.constant 0 : i32
    %dma_wait3A_115 = tpu.memref_slice %arg9[%dma_wait3A_113, %dma_wait3A_114] : memref<10112x128xf32, #tpu.memory_space<vmem_shared>> -> memref<10112x128xf32, #tpu.memory_space<vmem_shared>>
    %dma_wait3A_116 = tpu.memref_slice %arg11[%rem3A_104] : memref<2x!tpu.dma_semaphore, #tpu.memory_space<semaphore_mem>> -> memref<1x!tpu.dma_semaphore, #tpu.memory_space<semaphore_mem>>
    %dma_wait3A_117 = tpu.memref_squeeze %dma_wait3A_116 : memref<1x!tpu.dma_semaphore, #tpu.memory_space<semaphore_mem>> -> memref<!tpu.dma_semaphore, #tpu.memory_space<semaphore_mem>>
    tpu.wait_indirect_dma semaphore(%dma_wait3A_117 : memref<!tpu.dma_semaphore, #tpu.memory_space<semaphore_mem>>) src(%dma_wait3A_109 : memref<128x128xf32, #tpu.memory_space<vmem>>) dst(%dma_wait3A_115 : memref<10112x128xf32, #tpu.memory_space<vmem_shared>>)
    %barrier3A_118 = arith.constant 0 : index
    tpu.barrier barrier_id(%barrier3A_118)
    %mul3A_119 = arith.constant 632 : i32
    %mul3A_120 = arith.muli %arg1, %mul3A_119 : i32
    %mul3A_121 = arith.constant 632 : i32
    %mul3A_122 = arith.muli %arg1, %mul3A_121 : i32
    "tpu.region"() ({
      %run_scoped3A_123 = tpu.sem_alloc : memref<!tpu.dma_semaphore, #tpu.memory_space<semaphore_mem>>
      %dma_start3A_124 = arith.constant 0 : i32
      %dma_start3A_125 = tpu.memref_slice %arg5[%arg0, %mul3A_122, %dma_start3A_124] : memref<2x10112x128xf32, #tpu.memory_space<hbm>> -> memref<1x632x128xf32, #tpu.memory_space<hbm>>
      %dma_start3A_126 = tpu.memref_squeeze %dma_start3A_125 : memref<1x632x128xf32, #tpu.memory_space<hbm>> -> memref<632x128xf32, #tpu.memory_space<hbm>>
      %dma_start3A_127 = arith.constant 0 : i32
      %dma_start3A_128 = tpu.memref_slice %arg9[%mul3A_120, %dma_start3A_127] : memref<10112x128xf32, #tpu.memory_space<vmem_shared>> -> memref<632x128xf32, #tpu.memory_space<vmem_shared>>
      tpu.enqueue_dma source(%dma_start3A_128 : memref<632x128xf32, #tpu.memory_space<vmem_shared>>) target(%dma_start3A_126 : memref<632x128xf32, #tpu.memory_space<hbm>>) target_semaphore(%run_scoped3A_123 : memref<!tpu.dma_semaphore, #tpu.memory_space<semaphore_mem>>)
      %dma_wait3A_129 = arith.constant 0 : i32
      %dma_wait3A_130 = tpu.memref_slice %arg5[%arg0, %mul3A_122, %dma_wait3A_129] : memref<2x10112x128xf32, #tpu.memory_space<hbm>> -> memref<1x632x128xf32, #tpu.memory_space<hbm>>
      %dma_wait3A_131 = tpu.memref_squeeze %dma_wait3A_130 : memref<1x632x128xf32, #tpu.memory_space<hbm>> -> memref<632x128xf32, #tpu.memory_space<hbm>>
      %dma_wait3A_132 = arith.constant 0 : i32
      %dma_wait3A_133 = tpu.memref_slice %arg9[%mul3A_120, %dma_wait3A_132] : memref<10112x128xf32, #tpu.memory_space<vmem_shared>> -> memref<632x128xf32, #tpu.memory_space<vmem_shared>>
      tpu.wait_dma2 semaphore(%run_scoped3A_123 : memref<!tpu.dma_semaphore, #tpu.memory_space<semaphore_mem>>) src(%dma_wait3A_133 : memref<632x128xf32, #tpu.memory_space<vmem_shared>>) dst(%dma_wait3A_131 : memref<632x128xf32, #tpu.memory_space<hbm>>)
      tpu.yield
    }) : () -> ()
    return
  }
}

#map = affine_map<(d0, d1) -> (0, 0)>
#map1 = affine_map<(d0, d1) -> (0, 0, 0)>
module attributes {stable_mosaic.version = 14 : i64} {
  func.func @_sc_aggregate(%arg0: i32, %arg1: i32, %arg2: memref<10000x128xf32, #tpu.memory_space<hbm>>, %arg3: memref<2560x128xi32, #tpu.memory_space<hbm>>, %arg4: memref<2560x128xi32, #tpu.memory_space<hbm>>, %arg5: memref<2x10112x128xf32, #tpu.memory_space<hbm>>, %arg6: memref<40x128xi32, #tpu.memory_space<vmem>>, %arg7: memref<40x128xi32, #tpu.memory_space<vmem>>, %arg8: memref<2x128x128xf32, #tpu.memory_space<vmem>>, %arg9: memref<10112x128xf32, #tpu.memory_space<vmem_shared>>, %arg10: memref<2x!tpu.dma_semaphore, #tpu.memory_space<semaphore_mem>>, %arg11: memref<2x!tpu.dma_semaphore, #tpu.memory_space<semaphore_mem>>) attributes {dimension_semantics = [#tpu.dimension_semantics<core_parallel>, #tpu.dimension_semantics<subcore_parallel>], iteration_bounds = array<i64: 2, 16>, scalar_prefetch = 0 : i64, scratch_operands = 6 : i64, tpu.core_type = #tpu.core_type<sc_vector_subcore>, window_params = [{transform_indices = #map}, {transform_indices = #map}, {transform_indices = #map}, {transform_indices = #map1}]} {
    %mul3A = arith.constant 16 : i32
    %mul3A_0 = arith.muli %arg0, %mul3A : i32
    %add3A = arith.addi %mul3A_0, %arg1 : i32
    %mul3A_1 = arith.constant 80 : i32
    %mul3A_2 = arith.muli %add3A, %mul3A_1 : i32
    %add3A_3 = arith.constant 0 : i32
    %add3A_4 = arith.addi %mul3A_2, %add3A_3 : i32
    "tpu.region"() ({
      %run_scoped3A_123 = tpu.sem_alloc : memref<!tpu.dma_semaphore, #tpu.memory_space<semaphore_mem>>
      %dma_start3A_124 = arith.constant 0 : i32
      %dma_start3A_125 = tpu.memref_slice %arg3[%add3A_4, %dma_start3A_124] : memref<2560x128xi32, #tpu.memory_space<hbm>> -> memref<40x128xi32, #tpu.memory_space<hbm>>
      %dma_start3A_126 = arith.constant 0 : i32
      %dma_start3A_127 = tpu.memref_slice %arg3[%add3A_4, %dma_start3A_126] : memref<2560x128xi32, #tpu.memory_space<hbm>> -> memref<40x128xi32, #tpu.memory_space<hbm>>
      tpu.enqueue_dma source(%dma_start3A_127 : memref<40x128xi32, #tpu.memory_space<hbm>>) target(%arg6 : memref<40x128xi32, #tpu.memory_space<vmem>>) target_semaphore(%run_scoped3A_123 : memref<!tpu.dma_semaphore, #tpu.memory_space<semaphore_mem>>)
      %dma_wait3A_128 = arith.constant 0 : i32
      %dma_wait3A_129 = tpu.memref_slice %arg3[%add3A_4, %dma_wait3A_128] : memref<2560x128xi32, #tpu.memory_space<hbm>> -> memref<40x128xi32, #tpu.memory_space<hbm>>
      %dma_wait3A_130 = arith.constant 0 : i32
      %dma_wait3A_131 = tpu.memref_slice %arg3[%add3A_4, %dma_wait3A_130] : memref<2560x128xi32, #tpu.memory_space<hbm>> -> memref<40x128xi32, #tpu.memory_space<hbm>>
      tpu.wait_dma2 semaphore(%run_scoped3A_123 : memref<!tpu.dma_semaphore, #tpu.memory_space<semaphore_mem>>) src(%dma_wait3A_131 : memref<40x128xi32, #tpu.memory_space<hbm>>) dst(%arg6 : memref<40x128xi32, #tpu.memory_space<vmem>>)
      tpu.yield
    }) : () -> ()
    %add3A_5 = arith.constant 0 : i32
    %add3A_6 = arith.addi %mul3A_2, %add3A_5 : i32
    "tpu.region"() ({
      %run_scoped3A_123 = tpu.sem_alloc : memref<!tpu.dma_semaphore, #tpu.memory_space<semaphore_mem>>
      %dma_start3A_124 = arith.constant 0 : i32
      %dma_start3A_125 = tpu.memref_slice %arg4[%add3A_6, %dma_start3A_124] : memref<2560x128xi32, #tpu.memory_space<hbm>> -> memref<40x128xi32, #tpu.memory_space<hbm>>
      %dma_start3A_126 = arith.constant 0 : i32
      %dma_start3A_127 = tpu.memref_slice %arg4[%add3A_6, %dma_start3A_126] : memref<2560x128xi32, #tpu.memory_space<hbm>> -> memref<40x128xi32, #tpu.memory_space<hbm>>
      tpu.enqueue_dma source(%dma_start3A_127 : memref<40x128xi32, #tpu.memory_space<hbm>>) target(%arg7 : memref<40x128xi32, #tpu.memory_space<vmem>>) target_semaphore(%run_scoped3A_123 : memref<!tpu.dma_semaphore, #tpu.memory_space<semaphore_mem>>)
      %dma_wait3A_128 = arith.constant 0 : i32
      %dma_wait3A_129 = tpu.memref_slice %arg4[%add3A_6, %dma_wait3A_128] : memref<2560x128xi32, #tpu.memory_space<hbm>> -> memref<40x128xi32, #tpu.memory_space<hbm>>
      %dma_wait3A_130 = arith.constant 0 : i32
      %dma_wait3A_131 = tpu.memref_slice %arg4[%add3A_6, %dma_wait3A_130] : memref<2560x128xi32, #tpu.memory_space<hbm>> -> memref<40x128xi32, #tpu.memory_space<hbm>>
      tpu.wait_dma2 semaphore(%run_scoped3A_123 : memref<!tpu.dma_semaphore, #tpu.memory_space<semaphore_mem>>) src(%dma_wait3A_131 : memref<40x128xi32, #tpu.memory_space<hbm>>) dst(%arg7 : memref<40x128xi32, #tpu.memory_space<vmem>>)
      tpu.yield
    }) : () -> ()
    %dma_start3A = arith.constant 0 : i32
    %dma_start3A_7 = arith.constant 0 : i32
    %dma_start3A_8 = arith.constant 0 : i32
    %dma_start3A_9 = arith.constant 0 : i32
    %dma_start3A_10 = arith.constant 0 : i32
    %dma_start3A_11 = tpu.memref_slice %arg8[%dma_start3A_7, %dma_start3A_9, %dma_start3A_10] : memref<2x128x128xf32, #tpu.memory_space<vmem>> -> memref<1x128x128xf32, #tpu.memory_space<vmem>>
    %dma_start3A_12 = tpu.memref_squeeze %dma_start3A_11 : memref<1x128x128xf32, #tpu.memory_space<vmem>> -> memref<128x128xf32, #tpu.memory_space<vmem>>
    %dma_start3A_13 = arith.constant 0 : i32
    %dma_start3A_14 = tpu.memref_slice %arg6[%dma_start3A, %dma_start3A_13] : memref<40x128xi32, #tpu.memory_space<vmem>> -> memref<1x128xi32, #tpu.memory_space<vmem>>
    %dma_start3A_15 = tpu.memref_squeeze %dma_start3A_14 : memref<1x128xi32, #tpu.memory_space<vmem>> -> memref<128xi32, #tpu.memory_space<vmem>>
    %dma_start3A_16 = arith.constant 0 : i32
    %dma_start3A_17 = arith.constant 0 : i32
    %dma_start3A_18 = tpu.memref_slice %arg2[%dma_start3A_16, %dma_start3A_17] : memref<10000x128xf32, #tpu.memory_space<hbm>> -> memref<10000x128xf32, #tpu.memory_space<hbm>>
    %dma_start3A_19 = tpu.memref_slice %arg10[%dma_start3A_8] : memref<2x!tpu.dma_semaphore, #tpu.memory_space<semaphore_mem>> -> memref<1x!tpu.dma_semaphore, #tpu.memory_space<semaphore_mem>>
    %dma_start3A_20 = tpu.memref_squeeze %dma_start3A_19 : memref<1x!tpu.dma_semaphore, #tpu.memory_space<semaphore_mem>> -> memref<!tpu.dma_semaphore, #tpu.memory_space<semaphore_mem>>
    tpu.enqueue_indirect_dma source(%dma_start3A_18 : memref<10000x128xf32, #tpu.memory_space<hbm>>) target(%dma_start3A_12 : memref<128x128xf32, #tpu.memory_space<vmem>>) offsets(%dma_start3A_15 : memref<128xi32, #tpu.memory_space<vmem>>) semaphore(%dma_start3A_20 : memref<!tpu.dma_semaphore, #tpu.memory_space<semaphore_mem>>)
    %broadcast_in_dim3A = arith.constant 0.000000e+00 : f32
    %broadcast_in_dim3A_21 = vector.broadcast %broadcast_in_dim3A : f32 to vector<16xf32>
    %scan3A = arith.constant 0 : i32
    %scan3A_22 = arith.constant 0 : i32
    %scan3A_23 = arith.constant 128 : i32
    %scan3A_24 = arith.addi %scan3A_22, %scan3A_23 : i32
    %scan3A_25 = arith.constant 1 : i32
    scf.for %scan3A_123 = %scan3A_22 to %scan3A_24 step %scan3A_25  : i32 {
      %swap3A = arith.constant 1 : i32
      %swap3A_124 = arith.index_cast %swap3A : i32 to index
      %swap3A_125 = arith.index_cast %scan3A_123 : i32 to index
      %swap3A_126 = arith.constant 0 : index
      %swap3A_127 = tpu.vector_load %arg8[%swap3A_124, %swap3A_125, %swap3A_126] {strides = array<i32>} : memref<2x128x128xf32, #tpu.memory_space<vmem>>, vector<1x1x16xf32>,
      %swap3A_128 = vector.shape_cast %swap3A_127 : vector<1x1x16xf32> to vector<16xf32>
      %swap3A_129 = vector.shape_cast %broadcast_in_dim3A_21 : vector<16xf32> to vector<1x1x16xf32>
      tpu.vector_store %arg8[%swap3A_124, %swap3A_125, %swap3A_126], %swap3A_129 {strides = array<i32>} : memref<2x128x128xf32, #tpu.memory_space<vmem>>, vector<1x1x16xf32>,
      %swap3A_130 = arith.constant 1 : i32
      %swap3A_131 = arith.index_cast %swap3A_130 : i32 to index
      %swap3A_132 = arith.index_cast %scan3A_123 : i32 to index
      %swap3A_133 = arith.constant 16 : index
      %swap3A_134 = tpu.vector_load %arg8[%swap3A_131, %swap3A_132, %swap3A_133] {strides = array<i32>} : memref<2x128x128xf32, #tpu.memory_space<vmem>>, vector<1x1x16xf32>,
      %swap3A_135 = vector.shape_cast %swap3A_134 : vector<1x1x16xf32> to vector<16xf32>
      %swap3A_136 = vector.shape_cast %broadcast_in_dim3A_21 : vector<16xf32> to vector<1x1x16xf32>
      tpu.vector_store %arg8[%swap3A_131, %swap3A_132, %swap3A_133], %swap3A_136 {strides = array<i32>} : memref<2x128x128xf32, #tpu.memory_space<vmem>>, vector<1x1x16xf32>,
      %swap3A_137 = arith.constant 1 : i32
      %swap3A_138 = arith.index_cast %swap3A_137 : i32 to index
      %swap3A_139 = arith.index_cast %scan3A_123 : i32 to index
      %swap3A_140 = arith.constant 32 : index
      %swap3A_141 = tpu.vector_load %arg8[%swap3A_138, %swap3A_139, %swap3A_140] {strides = array<i32>} : memref<2x128x128xf32, #tpu.memory_space<vmem>>, vector<1x1x16xf32>,
      %swap3A_142 = vector.shape_cast %swap3A_141 : vector<1x1x16xf32> to vector<16xf32>
      %swap3A_143 = vector.shape_cast %broadcast_in_dim3A_21 : vector<16xf32> to vector<1x1x16xf32>
      tpu.vector_store %arg8[%swap3A_138, %swap3A_139, %swap3A_140], %swap3A_143 {strides = array<i32>} : memref<2x128x128xf32, #tpu.memory_space<vmem>>, vector<1x1x16xf32>,
      %swap3A_144 = arith.constant 1 : i32
      %swap3A_145 = arith.index_cast %swap3A_144 : i32 to index
      %swap3A_146 = arith.index_cast %scan3A_123 : i32 to index
      %swap3A_147 = arith.constant 48 : index
      %swap3A_148 = tpu.vector_load %arg8[%swap3A_145, %swap3A_146, %swap3A_147] {strides = array<i32>} : memref<2x128x128xf32, #tpu.memory_space<vmem>>, vector<1x1x16xf32>,
      %swap3A_149 = vector.shape_cast %swap3A_148 : vector<1x1x16xf32> to vector<16xf32>
      %swap3A_150 = vector.shape_cast %broadcast_in_dim3A_21 : vector<16xf32> to vector<1x1x16xf32>
      tpu.vector_store %arg8[%swap3A_145, %swap3A_146, %swap3A_147], %swap3A_150 {strides = array<i32>} : memref<2x128x128xf32, #tpu.memory_space<vmem>>, vector<1x1x16xf32>,
      %swap3A_151 = arith.constant 1 : i32
      %swap3A_152 = arith.index_cast %swap3A_151 : i32 to index
      %swap3A_153 = arith.index_cast %scan3A_123 : i32 to index
      %swap3A_154 = arith.constant 64 : index
      %swap3A_155 = tpu.vector_load %arg8[%swap3A_152, %swap3A_153, %swap3A_154] {strides = array<i32>} : memref<2x128x128xf32, #tpu.memory_space<vmem>>, vector<1x1x16xf32>,
      %swap3A_156 = vector.shape_cast %swap3A_155 : vector<1x1x16xf32> to vector<16xf32>
      %swap3A_157 = vector.shape_cast %broadcast_in_dim3A_21 : vector<16xf32> to vector<1x1x16xf32>
      tpu.vector_store %arg8[%swap3A_152, %swap3A_153, %swap3A_154], %swap3A_157 {strides = array<i32>} : memref<2x128x128xf32, #tpu.memory_space<vmem>>, vector<1x1x16xf32>,
      %swap3A_158 = arith.constant 1 : i32
      %swap3A_159 = arith.index_cast %swap3A_158 : i32 to index
      %swap3A_160 = arith.index_cast %scan3A_123 : i32 to index
      %swap3A_161 = arith.constant 80 : index
      %swap3A_162 = tpu.vector_load %arg8[%swap3A_159, %swap3A_160, %swap3A_161] {strides = array<i32>} : memref<2x128x128xf32, #tpu.memory_space<vmem>>, vector<1x1x16xf32>,
      %swap3A_163 = vector.shape_cast %swap3A_162 : vector<1x1x16xf32> to vector<16xf32>
      %swap3A_164 = vector.shape_cast %broadcast_in_dim3A_21 : vector<16xf32> to vector<1x1x16xf32>
      tpu.vector_store %arg8[%swap3A_159, %swap3A_160, %swap3A_161], %swap3A_164 {strides = array<i32>} : memref<2x128x128xf32, #tpu.memory_space<vmem>>, vector<1x1x16xf32>,
      %swap3A_165 = arith.constant 1 : i32
      %swap3A_166 = arith.index_cast %swap3A_165 : i32 to index
      %swap3A_167 = arith.index_cast %scan3A_123 : i32 to index
      %swap3A_168 = arith.constant 96 : index
      %swap3A_169 = tpu.vector_load %arg8[%swap3A_166, %swap3A_167, %swap3A_168] {strides = array<i32>} : memref<2x128x128xf32, #tpu.memory_space<vmem>>, vector<1x1x16xf32>,
      %swap3A_170 = vector.shape_cast %swap3A_169 : vector<1x1x16xf32> to vector<16xf32>
      %swap3A_171 = vector.shape_cast %broadcast_in_dim3A_21 : vector<16xf32> to vector<1x1x16xf32>
      tpu.vector_store %arg8[%swap3A_166, %swap3A_167, %swap3A_168], %swap3A_171 {strides = array<i32>} : memref<2x128x128xf32, #tpu.memory_space<vmem>>, vector<1x1x16xf32>,
      %swap3A_172 = arith.constant 1 : i32
      %swap3A_173 = arith.index_cast %swap3A_172 : i32 to index
      %swap3A_174 = arith.index_cast %scan3A_123 : i32 to index
      %swap3A_175 = arith.constant 112 : index
      %swap3A_176 = tpu.vector_load %arg8[%swap3A_173, %swap3A_174, %swap3A_175] {strides = array<i32>} : memref<2x128x128xf32, #tpu.memory_space<vmem>>, vector<1x1x16xf32>,
      %swap3A_177 = vector.shape_cast %swap3A_176 : vector<1x1x16xf32> to vector<16xf32>
      %swap3A_178 = vector.shape_cast %broadcast_in_dim3A_21 : vector<16xf32> to vector<1x1x16xf32>
      tpu.vector_store %arg8[%swap3A_173, %swap3A_174, %swap3A_175], %swap3A_178 {strides = array<i32>} : memref<2x128x128xf32, #tpu.memory_space<vmem>>, vector<1x1x16xf32>,
    }
    %scan3A_26 = arith.constant 128 : i32
    %mul3A_27 = arith.constant 632 : i32
    %mul3A_28 = arith.muli %arg1, %mul3A_27 : i32
    %add3A_29 = arith.constant 0 : i32
    %add3A_30 = arith.addi %mul3A_28, %add3A_29 : i32
    %run_scoped3A = arith.constant 1 : i32
    "tpu.region"() ({
      %run_scoped3A_123 = tpu.sem_alloc : memref<!tpu.dma_semaphore, #tpu.memory_space<semaphore_mem>>
      %dma_start3A_124 = arith.constant 0 : i32
      %dma_start3A_125 = arith.constant 0 : i32
      %dma_start3A_126 = tpu.memref_slice %arg8[%run_scoped3A, %dma_start3A_124, %dma_start3A_125] : memref<2x128x128xf32, #tpu.memory_space<vmem>> -> memref<1x128x128xf32, #tpu.memory_space<vmem>>
      %dma_start3A_127 = tpu.memref_squeeze %dma_start3A_126 : memref<1x128x128xf32, #tpu.memory_space<vmem>> -> memref<128x128xf32, #tpu.memory_space<vmem>>
      %dma_start3A_128 = arith.constant 0 : i32
      %dma_start3A_129 = tpu.memref_slice %arg9[%add3A_30, %dma_start3A_128] : memref<10112x128xf32, #tpu.memory_space<vmem_shared>> -> memref<128x128xf32, #tpu.memory_space<vmem_shared>>
      %dma_start3A_130 = arith.constant 0 : i32
      %dma_start3A_131 = tpu.memref_slice %arg9[%add3A_30, %dma_start3A_130] : memref<10112x128xf32, #tpu.memory_space<vmem_shared>> -> memref<128x128xf32, #tpu.memory_space<vmem_shared>>
      %dma_start3A_132 = arith.constant 0 : i32
      %dma_start3A_133 = arith.constant 0 : i32
      %dma_start3A_134 = tpu.memref_slice %arg8[%run_scoped3A, %dma_start3A_132, %dma_start3A_133] : memref<2x128x128xf32, #tpu.memory_space<vmem>> -> memref<1x128x128xf32, #tpu.memory_space<vmem>>
      %dma_start3A_135 = tpu.memref_squeeze %dma_start3A_134 : memref<1x128x128xf32, #tpu.memory_space<vmem>> -> memref<128x128xf32, #tpu.memory_space<vmem>>
      tpu.enqueue_dma source(%dma_start3A_135 : memref<128x128xf32, #tpu.memory_space<vmem>>) target(%dma_start3A_131 : memref<128x128xf32, #tpu.memory_space<vmem_shared>>) target_semaphore(%run_scoped3A_123 : memref<!tpu.dma_semaphore, #tpu.memory_space<semaphore_mem>>)
      %dma_wait3A_136 = arith.constant 0 : i32
      %dma_wait3A_137 = arith.constant 0 : i32
      %dma_wait3A_138 = tpu.memref_slice %arg8[%run_scoped3A, %dma_wait3A_136, %dma_wait3A_137] : memref<2x128x128xf32, #tpu.memory_space<vmem>> -> memref<1x128x128xf32, #tpu.memory_space<vmem>>
      %dma_wait3A_139 = tpu.memref_squeeze %dma_wait3A_138 : memref<1x128x128xf32, #tpu.memory_space<vmem>> -> memref<128x128xf32, #tpu.memory_space<vmem>>
      %dma_wait3A_140 = arith.constant 0 : i32
      %dma_wait3A_141 = tpu.memref_slice %arg9[%add3A_30, %dma_wait3A_140] : memref<10112x128xf32, #tpu.memory_space<vmem_shared>> -> memref<128x128xf32, #tpu.memory_space<vmem_shared>>
      %dma_wait3A_142 = arith.constant 0 : i32
      %dma_wait3A_143 = tpu.memref_slice %arg9[%add3A_30, %dma_wait3A_142] : memref<10112x128xf32, #tpu.memory_space<vmem_shared>> -> memref<128x128xf32, #tpu.memory_space<vmem_shared>>
      %dma_wait3A_144 = arith.constant 0 : i32
      %dma_wait3A_145 = arith.constant 0 : i32
      %dma_wait3A_146 = tpu.memref_slice %arg8[%run_scoped3A, %dma_wait3A_144, %dma_wait3A_145] : memref<2x128x128xf32, #tpu.memory_space<vmem>> -> memref<1x128x128xf32, #tpu.memory_space<vmem>>
      %dma_wait3A_147 = tpu.memref_squeeze %dma_wait3A_146 : memref<1x128x128xf32, #tpu.memory_space<vmem>> -> memref<128x128xf32, #tpu.memory_space<vmem>>
      tpu.wait_dma2 semaphore(%run_scoped3A_123 : memref<!tpu.dma_semaphore, #tpu.memory_space<semaphore_mem>>) src(%dma_wait3A_147 : memref<128x128xf32, #tpu.memory_space<vmem>>) dst(%dma_wait3A_143 : memref<128x128xf32, #tpu.memory_space<vmem_shared>>)
      tpu.yield
    }) : () -> ()
    %mul3A_31 = arith.constant 632 : i32
    %mul3A_32 = arith.muli %arg1, %mul3A_31 : i32
    %add3A_33 = arith.constant 128 : i32
    %add3A_34 = arith.addi %mul3A_32, %add3A_33 : i32
    %run_scoped3A_35 = arith.constant 1 : i32
    "tpu.region"() ({
      %run_scoped3A_123 = tpu.sem_alloc : memref<!tpu.dma_semaphore, #tpu.memory_space<semaphore_mem>>
      %dma_start3A_124 = arith.constant 0 : i32
      %dma_start3A_125 = arith.constant 0 : i32
      %dma_start3A_126 = tpu.memref_slice %arg8[%run_scoped3A_35, %dma_start3A_124, %dma_start3A_125] : memref<2x128x128xf32, #tpu.memory_space<vmem>> -> memref<1x128x128xf32, #tpu.memory_space<vmem>>
      %dma_start3A_127 = tpu.memref_squeeze %dma_start3A_126 : memref<1x128x128xf32, #tpu.memory_space<vmem>> -> memref<128x128xf32, #tpu.memory_space<vmem>>
      %dma_start3A_128 = arith.constant 0 : i32
      %dma_start3A_129 = tpu.memref_slice %arg9[%add3A_34, %dma_start3A_128] : memref<10112x128xf32, #tpu.memory_space<vmem_shared>> -> memref<128x128xf32, #tpu.memory_space<vmem_shared>>
      %dma_start3A_130 = arith.constant 0 : i32
      %dma_start3A_131 = tpu.memref_slice %arg9[%add3A_34, %dma_start3A_130] : memref<10112x128xf32, #tpu.memory_space<vmem_shared>> -> memref<128x128xf32, #tpu.memory_space<vmem_shared>>
      %dma_start3A_132 = arith.constant 0 : i32
      %dma_start3A_133 = arith.constant 0 : i32
      %dma_start3A_134 = tpu.memref_slice %arg8[%run_scoped3A_35, %dma_start3A_132, %dma_start3A_133] : memref<2x128x128xf32, #tpu.memory_space<vmem>> -> memref<1x128x128xf32, #tpu.memory_space<vmem>>
      %dma_start3A_135 = tpu.memref_squeeze %dma_start3A_134 : memref<1x128x128xf32, #tpu.memory_space<vmem>> -> memref<128x128xf32, #tpu.memory_space<vmem>>
      tpu.enqueue_dma source(%dma_start3A_135 : memref<128x128xf32, #tpu.memory_space<vmem>>) target(%dma_start3A_131 : memref<128x128xf32, #tpu.memory_space<vmem_shared>>) target_semaphore(%run_scoped3A_123 : memref<!tpu.dma_semaphore, #tpu.memory_space<semaphore_mem>>)
      %dma_wait3A_136 = arith.constant 0 : i32
      %dma_wait3A_137 = arith.constant 0 : i32
      %dma_wait3A_138 = tpu.memref_slice %arg8[%run_scoped3A_35, %dma_wait3A_136, %dma_wait3A_137] : memref<2x128x128xf32, #tpu.memory_space<vmem>> -> memref<1x128x128xf32, #tpu.memory_space<vmem>>
      %dma_wait3A_139 = tpu.memref_squeeze %dma_wait3A_138 : memref<1x128x128xf32, #tpu.memory_space<vmem>> -> memref<128x128xf32, #tpu.memory_space<vmem>>
      %dma_wait3A_140 = arith.constant 0 : i32
      %dma_wait3A_141 = tpu.memref_slice %arg9[%add3A_34, %dma_wait3A_140] : memref<10112x128xf32, #tpu.memory_space<vmem_shared>> -> memref<128x128xf32, #tpu.memory_space<vmem_shared>>
      %dma_wait3A_142 = arith.constant 0 : i32
      %dma_wait3A_143 = tpu.memref_slice %arg9[%add3A_34, %dma_wait3A_142] : memref<10112x128xf32, #tpu.memory_space<vmem_shared>> -> memref<128x128xf32, #tpu.memory_space<vmem_shared>>
      %dma_wait3A_144 = arith.constant 0 : i32
      %dma_wait3A_145 = arith.constant 0 : i32
      %dma_wait3A_146 = tpu.memref_slice %arg8[%run_scoped3A_35, %dma_wait3A_144, %dma_wait3A_145] : memref<2x128x128xf32, #tpu.memory_space<vmem>> -> memref<1x128x128xf32, #tpu.memory_space<vmem>>
      %dma_wait3A_147 = tpu.memref_squeeze %dma_wait3A_146 : memref<1x128x128xf32, #tpu.memory_space<vmem>> -> memref<128x128xf32, #tpu.memory_space<vmem>>
      tpu.wait_dma2 semaphore(%run_scoped3A_123 : memref<!tpu.dma_semaphore, #tpu.memory_space<semaphore_mem>>) src(%dma_wait3A_147 : memref<128x128xf32, #tpu.memory_space<vmem>>) dst(%dma_wait3A_143 : memref<128x128xf32, #tpu.memory_space<vmem_shared>>)
      tpu.yield
    }) : () -> ()
    %mul3A_36 = arith.constant 632 : i32
    %mul3A_37 = arith.muli %arg1, %mul3A_36 : i32
    %add3A_38 = arith.constant 256 : i32
    %add3A_39 = arith.addi %mul3A_37, %add3A_38 : i32
    %run_scoped3A_40 = arith.constant 1 : i32
    "tpu.region"() ({
      %run_scoped3A_123 = tpu.sem_alloc : memref<!tpu.dma_semaphore, #tpu.memory_space<semaphore_mem>>
      %dma_start3A_124 = arith.constant 0 : i32
      %dma_start3A_125 = arith.constant 0 : i32
      %dma_start3A_126 = tpu.memref_slice %arg8[%run_scoped3A_40, %dma_start3A_124, %dma_start3A_125] : memref<2x128x128xf32, #tpu.memory_space<vmem>> -> memref<1x128x128xf32, #tpu.memory_space<vmem>>
      %dma_start3A_127 = tpu.memref_squeeze %dma_start3A_126 : memref<1x128x128xf32, #tpu.memory_space<vmem>> -> memref<128x128xf32, #tpu.memory_space<vmem>>
      %dma_start3A_128 = arith.constant 0 : i32
      %dma_start3A_129 = tpu.memref_slice %arg9[%add3A_39, %dma_start3A_128] : memref<10112x128xf32, #tpu.memory_space<vmem_shared>> -> memref<128x128xf32, #tpu.memory_space<vmem_shared>>
      %dma_start3A_130 = arith.constant 0 : i32
      %dma_start3A_131 = tpu.memref_slice %arg9[%add3A_39, %dma_start3A_130] : memref<10112x128xf32, #tpu.memory_space<vmem_shared>> -> memref<128x128xf32, #tpu.memory_space<vmem_shared>>
      %dma_start3A_132 = arith.constant 0 : i32
      %dma_start3A_133 = arith.constant 0 : i32
      %dma_start3A_134 = tpu.memref_slice %arg8[%run_scoped3A_40, %dma_start3A_132, %dma_start3A_133] : memref<2x128x128xf32, #tpu.memory_space<vmem>> -> memref<1x128x128xf32, #tpu.memory_space<vmem>>
      %dma_start3A_135 = tpu.memref_squeeze %dma_start3A_134 : memref<1x128x128xf32, #tpu.memory_space<vmem>> -> memref<128x128xf32, #tpu.memory_space<vmem>>
      tpu.enqueue_dma source(%dma_start3A_135 : memref<128x128xf32, #tpu.memory_space<vmem>>) target(%dma_start3A_131 : memref<128x128xf32, #tpu.memory_space<vmem_shared>>) target_semaphore(%run_scoped3A_123 : memref<!tpu.dma_semaphore, #tpu.memory_space<semaphore_mem>>)
      %dma_wait3A_136 = arith.constant 0 : i32
      %dma_wait3A_137 = arith.constant 0 : i32
      %dma_wait3A_138 = tpu.memref_slice %arg8[%run_scoped3A_40, %dma_wait3A_136, %dma_wait3A_137] : memref<2x128x128xf32, #tpu.memory_space<vmem>> -> memref<1x128x128xf32, #tpu.memory_space<vmem>>
      %dma_wait3A_139 = tpu.memref_squeeze %dma_wait3A_138 : memref<1x128x128xf32, #tpu.memory_space<vmem>> -> memref<128x128xf32, #tpu.memory_space<vmem>>
      %dma_wait3A_140 = arith.constant 0 : i32
      %dma_wait3A_141 = tpu.memref_slice %arg9[%add3A_39, %dma_wait3A_140] : memref<10112x128xf32, #tpu.memory_space<vmem_shared>> -> memref<128x128xf32, #tpu.memory_space<vmem_shared>>
      %dma_wait3A_142 = arith.constant 0 : i32
      %dma_wait3A_143 = tpu.memref_slice %arg9[%add3A_39, %dma_wait3A_142] : memref<10112x128xf32, #tpu.memory_space<vmem_shared>> -> memref<128x128xf32, #tpu.memory_space<vmem_shared>>
      %dma_wait3A_144 = arith.constant 0 : i32
      %dma_wait3A_145 = arith.constant 0 : i32
      %dma_wait3A_146 = tpu.memref_slice %arg8[%run_scoped3A_40, %dma_wait3A_144, %dma_wait3A_145] : memref<2x128x128xf32, #tpu.memory_space<vmem>> -> memref<1x128x128xf32, #tpu.memory_space<vmem>>
      %dma_wait3A_147 = tpu.memref_squeeze %dma_wait3A_146 : memref<1x128x128xf32, #tpu.memory_space<vmem>> -> memref<128x128xf32, #tpu.memory_space<vmem>>
      tpu.wait_dma2 semaphore(%run_scoped3A_123 : memref<!tpu.dma_semaphore, #tpu.memory_space<semaphore_mem>>) src(%dma_wait3A_147 : memref<128x128xf32, #tpu.memory_space<vmem>>) dst(%dma_wait3A_143 : memref<128x128xf32, #tpu.memory_space<vmem_shared>>)
      tpu.yield
    }) : () -> ()
    %mul3A_41 = arith.constant 632 : i32
    %mul3A_42 = arith.muli %arg1, %mul3A_41 : i32
    %add3A_43 = arith.constant 384 : i32
    %add3A_44 = arith.addi %mul3A_42, %add3A_43 : i32
    %run_scoped3A_45 = arith.constant 1 : i32
    "tpu.region"() ({
      %run_scoped3A_123 = tpu.sem_alloc : memref<!tpu.dma_semaphore, #tpu.memory_space<semaphore_mem>>
      %dma_start3A_124 = arith.constant 0 : i32
      %dma_start3A_125 = arith.constant 0 : i32
      %dma_start3A_126 = tpu.memref_slice %arg8[%run_scoped3A_45, %dma_start3A_124, %dma_start3A_125] : memref<2x128x128xf32, #tpu.memory_space<vmem>> -> memref<1x128x128xf32, #tpu.memory_space<vmem>>
      %dma_start3A_127 = tpu.memref_squeeze %dma_start3A_126 : memref<1x128x128xf32, #tpu.memory_space<vmem>> -> memref<128x128xf32, #tpu.memory_space<vmem>>
      %dma_start3A_128 = arith.constant 0 : i32
      %dma_start3A_129 = tpu.memref_slice %arg9[%add3A_44, %dma_start3A_128] : memref<10112x128xf32, #tpu.memory_space<vmem_shared>> -> memref<128x128xf32, #tpu.memory_space<vmem_shared>>
      %dma_start3A_130 = arith.constant 0 : i32
      %dma_start3A_131 = tpu.memref_slice %arg9[%add3A_44, %dma_start3A_130] : memref<10112x128xf32, #tpu.memory_space<vmem_shared>> -> memref<128x128xf32, #tpu.memory_space<vmem_shared>>
      %dma_start3A_132 = arith.constant 0 : i32
      %dma_start3A_133 = arith.constant 0 : i32
      %dma_start3A_134 = tpu.memref_slice %arg8[%run_scoped3A_45, %dma_start3A_132, %dma_start3A_133] : memref<2x128x128xf32, #tpu.memory_space<vmem>> -> memref<1x128x128xf32, #tpu.memory_space<vmem>>
      %dma_start3A_135 = tpu.memref_squeeze %dma_start3A_134 : memref<1x128x128xf32, #tpu.memory_space<vmem>> -> memref<128x128xf32, #tpu.memory_space<vmem>>
      tpu.enqueue_dma source(%dma_start3A_135 : memref<128x128xf32, #tpu.memory_space<vmem>>) target(%dma_start3A_131 : memref<128x128xf32, #tpu.memory_space<vmem_shared>>) target_semaphore(%run_scoped3A_123 : memref<!tpu.dma_semaphore, #tpu.memory_space<semaphore_mem>>)
      %dma_wait3A_136 = arith.constant 0 : i32
      %dma_wait3A_137 = arith.constant 0 : i32
      %dma_wait3A_138 = tpu.memref_slice %arg8[%run_scoped3A_45, %dma_wait3A_136, %dma_wait3A_137] : memref<2x128x128xf32, #tpu.memory_space<vmem>> -> memref<1x128x128xf32, #tpu.memory_space<vmem>>
      %dma_wait3A_139 = tpu.memref_squeeze %dma_wait3A_138 : memref<1x128x128xf32, #tpu.memory_space<vmem>> -> memref<128x128xf32, #tpu.memory_space<vmem>>
      %dma_wait3A_140 = arith.constant 0 : i32
      %dma_wait3A_141 = tpu.memref_slice %arg9[%add3A_44, %dma_wait3A_140] : memref<10112x128xf32, #tpu.memory_space<vmem_shared>> -> memref<128x128xf32, #tpu.memory_space<vmem_shared>>
      %dma_wait3A_142 = arith.constant 0 : i32
      %dma_wait3A_143 = tpu.memref_slice %arg9[%add3A_44, %dma_wait3A_142] : memref<10112x128xf32, #tpu.memory_space<vmem_shared>> -> memref<128x128xf32, #tpu.memory_space<vmem_shared>>
      %dma_wait3A_144 = arith.constant 0 : i32
      %dma_wait3A_145 = arith.constant 0 : i32
      %dma_wait3A_146 = tpu.memref_slice %arg8[%run_scoped3A_45, %dma_wait3A_144, %dma_wait3A_145] : memref<2x128x128xf32, #tpu.memory_space<vmem>> -> memref<1x128x128xf32, #tpu.memory_space<vmem>>
      %dma_wait3A_147 = tpu.memref_squeeze %dma_wait3A_146 : memref<1x128x128xf32, #tpu.memory_space<vmem>> -> memref<128x128xf32, #tpu.memory_space<vmem>>
      tpu.wait_dma2 semaphore(%run_scoped3A_123 : memref<!tpu.dma_semaphore, #tpu.memory_space<semaphore_mem>>) src(%dma_wait3A_147 : memref<128x128xf32, #tpu.memory_space<vmem>>) dst(%dma_wait3A_143 : memref<128x128xf32, #tpu.memory_space<vmem_shared>>)
      tpu.yield
    }) : () -> ()
    %mul3A_46 = arith.constant 632 : i32
    %mul3A_47 = arith.muli %arg1, %mul3A_46 : i32
    %add3A_48 = arith.constant 512 : i32
    %add3A_49 = arith.addi %mul3A_47, %add3A_48 : i32
    %run_scoped3A_50 = arith.constant 1 : i32
    "tpu.region"() ({
      %run_scoped3A_123 = tpu.sem_alloc : memref<!tpu.dma_semaphore, #tpu.memory_space<semaphore_mem>>
      %dma_start3A_124 = arith.constant 0 : i32
      %dma_start3A_125 = arith.constant 0 : i32
      %dma_start3A_126 = tpu.memref_slice %arg8[%run_scoped3A_50, %dma_start3A_124, %dma_start3A_125] : memref<2x128x128xf32, #tpu.memory_space<vmem>> -> memref<1x120x128xf32, #tpu.memory_space<vmem>>
      %dma_start3A_127 = tpu.memref_squeeze %dma_start3A_126 : memref<1x120x128xf32, #tpu.memory_space<vmem>> -> memref<120x128xf32, #tpu.memory_space<vmem>>
      %dma_start3A_128 = arith.constant 0 : i32
      %dma_start3A_129 = tpu.memref_slice %arg9[%add3A_49, %dma_start3A_128] : memref<10112x128xf32, #tpu.memory_space<vmem_shared>> -> memref<120x128xf32, #tpu.memory_space<vmem_shared>>
      %dma_start3A_130 = arith.constant 0 : i32
      %dma_start3A_131 = tpu.memref_slice %arg9[%add3A_49, %dma_start3A_130] : memref<10112x128xf32, #tpu.memory_space<vmem_shared>> -> memref<120x128xf32, #tpu.memory_space<vmem_shared>>
      %dma_start3A_132 = arith.constant 0 : i32
      %dma_start3A_133 = arith.constant 0 : i32
      %dma_start3A_134 = tpu.memref_slice %arg8[%run_scoped3A_50, %dma_start3A_132, %dma_start3A_133] : memref<2x128x128xf32, #tpu.memory_space<vmem>> -> memref<1x120x128xf32, #tpu.memory_space<vmem>>
      %dma_start3A_135 = tpu.memref_squeeze %dma_start3A_134 : memref<1x120x128xf32, #tpu.memory_space<vmem>> -> memref<120x128xf32, #tpu.memory_space<vmem>>
      tpu.enqueue_dma source(%dma_start3A_135 : memref<120x128xf32, #tpu.memory_space<vmem>>) target(%dma_start3A_131 : memref<120x128xf32, #tpu.memory_space<vmem_shared>>) target_semaphore(%run_scoped3A_123 : memref<!tpu.dma_semaphore, #tpu.memory_space<semaphore_mem>>)
      %dma_wait3A_136 = arith.constant 0 : i32
      %dma_wait3A_137 = arith.constant 0 : i32
      %dma_wait3A_138 = tpu.memref_slice %arg8[%run_scoped3A_50, %dma_wait3A_136, %dma_wait3A_137] : memref<2x128x128xf32, #tpu.memory_space<vmem>> -> memref<1x120x128xf32, #tpu.memory_space<vmem>>
      %dma_wait3A_139 = tpu.memref_squeeze %dma_wait3A_138 : memref<1x120x128xf32, #tpu.memory_space<vmem>> -> memref<120x128xf32, #tpu.memory_space<vmem>>
      %dma_wait3A_140 = arith.constant 0 : i32
      %dma_wait3A_141 = tpu.memref_slice %arg9[%add3A_49, %dma_wait3A_140] : memref<10112x128xf32, #tpu.memory_space<vmem_shared>> -> memref<120x128xf32, #tpu.memory_space<vmem_shared>>
      %dma_wait3A_142 = arith.constant 0 : i32
      %dma_wait3A_143 = tpu.memref_slice %arg9[%add3A_49, %dma_wait3A_142] : memref<10112x128xf32, #tpu.memory_space<vmem_shared>> -> memref<120x128xf32, #tpu.memory_space<vmem_shared>>
      %dma_wait3A_144 = arith.constant 0 : i32
      %dma_wait3A_145 = arith.constant 0 : i32
      %dma_wait3A_146 = tpu.memref_slice %arg8[%run_scoped3A_50, %dma_wait3A_144, %dma_wait3A_145] : memref<2x128x128xf32, #tpu.memory_space<vmem>> -> memref<1x120x128xf32, #tpu.memory_space<vmem>>
      %dma_wait3A_147 = tpu.memref_squeeze %dma_wait3A_146 : memref<1x120x128xf32, #tpu.memory_space<vmem>> -> memref<120x128xf32, #tpu.memory_space<vmem>>
      tpu.wait_dma2 semaphore(%run_scoped3A_123 : memref<!tpu.dma_semaphore, #tpu.memory_space<semaphore_mem>>) src(%dma_wait3A_147 : memref<120x128xf32, #tpu.memory_space<vmem>>) dst(%dma_wait3A_143 : memref<120x128xf32, #tpu.memory_space<vmem_shared>>)
      tpu.yield
    }) : () -> ()
    %barrier3A = arith.constant 0 : index
    tpu.barrier barrier_id(%barrier3A)
    %scan3A_51 = arith.constant 0 : i32
    %scan3A_52 = arith.constant 0 : i32
    %scan3A_53 = arith.constant 40 : i32
    %scan3A_54 = arith.addi %scan3A_52, %scan3A_53 : i32
    %scan3A_55 = arith.constant 1 : i32
    scf.for %scan3A_123 = %scan3A_52 to %scan3A_54 step %scan3A_55  : i32 {
      %rem3A_124 = arith.constant 2 : i32
      %rem3A_125 = arith.remsi %scan3A_123, %rem3A_124 : i32
      %sub3A = arith.constant 1 : i32
      %sub3A_126 = arith.subi %sub3A, %rem3A_125 : i32
      %gt3A = arith.constant 0 : i32
      %gt3A_127 = arith.cmpi sgt, %scan3A_123, %gt3A : i32
      %convert_element_type3A = arith.extui %gt3A_127 : i1 to i32
      %cond3A = arith.constant 0 : i32
      %cond3A_128 = arith.cmpi ne, %convert_element_type3A, %cond3A : i32
      scf.if %cond3A_128 {
        %sub3A_159 = arith.constant 1 : i32
        %sub3A_160 = arith.subi %scan3A_123, %sub3A_159 : i32
        %dma_wait3A_161 = arith.constant 0 : i32
        %dma_wait3A_162 = arith.constant 0 : i32
        %dma_wait3A_163 = tpu.memref_slice %arg8[%sub3A_126, %dma_wait3A_161, %dma_wait3A_162] : memref<2x128x128xf32, #tpu.memory_space<vmem>> -> memref<1x128x128xf32, #tpu.memory_space<vmem>>
        %dma_wait3A_164 = tpu.memref_squeeze %dma_wait3A_163 : memref<1x128x128xf32, #tpu.memory_space<vmem>> -> memref<128x128xf32, #tpu.memory_space<vmem>>
        %dma_wait3A_165 = arith.constant 0 : i32
        %dma_wait3A_166 = tpu.memref_slice %arg7[%sub3A_160, %dma_wait3A_165] : memref<40x128xi32, #tpu.memory_space<vmem>> -> memref<1x128xi32, #tpu.memory_space<vmem>>
        %dma_wait3A_167 = tpu.memref_squeeze %dma_wait3A_166 : memref<1x128xi32, #tpu.memory_space<vmem>> -> memref<128xi32, #tpu.memory_space<vmem>>
        %dma_wait3A_168 = arith.constant 0 : i32
        %dma_wait3A_169 = arith.constant 0 : i32
        %dma_wait3A_170 = tpu.memref_slice %arg9[%dma_wait3A_168, %dma_wait3A_169] : memref<10112x128xf32, #tpu.memory_space<vmem_shared>> -> memref<10112x128xf32, #tpu.memory_space<vmem_shared>>
        %dma_wait3A_171 = tpu.memref_slice %arg11[%sub3A_126] : memref<2x!tpu.dma_semaphore, #tpu.memory_space<semaphore_mem>> -> memref<1x!tpu.dma_semaphore, #tpu.memory_space<semaphore_mem>>
        %dma_wait3A_172 = tpu.memref_squeeze %dma_wait3A_171 : memref<1x!tpu.dma_semaphore, #tpu.memory_space<semaphore_mem>> -> memref<!tpu.dma_semaphore, #tpu.memory_space<semaphore_mem>>
        tpu.wait_indirect_dma semaphore(%dma_wait3A_172 : memref<!tpu.dma_semaphore, #tpu.memory_space<semaphore_mem>>) src(%dma_wait3A_164 : memref<128x128xf32, #tpu.memory_space<vmem>>) dst(%dma_wait3A_170 : memref<10112x128xf32, #tpu.memory_space<vmem_shared>>)
      } else {
      }
      %add3A_129 = arith.constant 1 : i32
      %add3A_130 = arith.addi %scan3A_123, %add3A_129 : i32
      %lt3A = arith.constant 40 : i32
      %lt3A_131 = arith.cmpi slt, %add3A_130, %lt3A : i32
      %convert_element_type3A_132 = arith.extui %lt3A_131 : i1 to i32
      %cond3A_133 = arith.constant 0 : i32
      %cond3A_134 = arith.cmpi ne, %convert_element_type3A_132, %cond3A_133 : i32
      scf.if %cond3A_134 {
        %add3A_159 = arith.constant 1 : i32
        %add3A_160 = arith.addi %scan3A_123, %add3A_159 : i32
        %dma_start3A_161 = arith.constant 0 : i32
        %dma_start3A_162 = arith.constant 0 : i32
        %dma_start3A_163 = tpu.memref_slice %arg8[%sub3A_126, %dma_start3A_161, %dma_start3A_162] : memref<2x128x128xf32, #tpu.memory_space<vmem>> -> memref<1x128x128xf32, #tpu.memory_space<vmem>>
        %dma_start3A_164 = tpu.memref_squeeze %dma_start3A_163 : memref<1x128x128xf32, #tpu.memory_space<vmem>> -> memref<128x128xf32, #tpu.memory_space<vmem>>
        %dma_start3A_165 = arith.constant 0 : i32
        %dma_start3A_166 = tpu.memref_slice %arg6[%add3A_160, %dma_start3A_165] : memref<40x128xi32, #tpu.memory_space<vmem>> -> memref<1x128xi32, #tpu.memory_space<vmem>>
        %dma_start3A_167 = tpu.memref_squeeze %dma_start3A_166 : memref<1x128xi32, #tpu.memory_space<vmem>> -> memref<128xi32, #tpu.memory_space<vmem>>
        %dma_start3A_168 = arith.constant 0 : i32
        %dma_start3A_169 = arith.constant 0 : i32
        %dma_start3A_170 = tpu.memref_slice %arg2[%dma_start3A_168, %dma_start3A_169] : memref<10000x128xf32, #tpu.memory_space<hbm>> -> memref<10000x128xf32, #tpu.memory_space<hbm>>
        %dma_start3A_171 = tpu.memref_slice %arg10[%sub3A_126] : memref<2x!tpu.dma_semaphore, #tpu.memory_space<semaphore_mem>> -> memref<1x!tpu.dma_semaphore, #tpu.memory_space<semaphore_mem>>
        %dma_start3A_172 = tpu.memref_squeeze %dma_start3A_171 : memref<1x!tpu.dma_semaphore, #tpu.memory_space<semaphore_mem>> -> memref<!tpu.dma_semaphore, #tpu.memory_space<semaphore_mem>>
        tpu.enqueue_indirect_dma source(%dma_start3A_170 : memref<10000x128xf32, #tpu.memory_space<hbm>>) target(%dma_start3A_164 : memref<128x128xf32, #tpu.memory_space<vmem>>) offsets(%dma_start3A_167 : memref<128xi32, #tpu.memory_space<vmem>>) semaphore(%dma_start3A_172 : memref<!tpu.dma_semaphore, #tpu.memory_space<semaphore_mem>>)
      } else {
      }
      %dma_wait3A_135 = arith.constant 0 : i32
      %dma_wait3A_136 = arith.constant 0 : i32
      %dma_wait3A_137 = tpu.memref_slice %arg8[%rem3A_125, %dma_wait3A_135, %dma_wait3A_136] : memref<2x128x128xf32, #tpu.memory_space<vmem>> -> memref<1x128x128xf32, #tpu.memory_space<vmem>>
      %dma_wait3A_138 = tpu.memref_squeeze %dma_wait3A_137 : memref<1x128x128xf32, #tpu.memory_space<vmem>> -> memref<128x128xf32, #tpu.memory_space<vmem>>
      %dma_wait3A_139 = arith.constant 0 : i32
      %dma_wait3A_140 = tpu.memref_slice %arg6[%scan3A_123, %dma_wait3A_139] : memref<40x128xi32, #tpu.memory_space<vmem>> -> memref<1x128xi32, #tpu.memory_space<vmem>>
      %dma_wait3A_141 = tpu.memref_squeeze %dma_wait3A_140 : memref<1x128xi32, #tpu.memory_space<vmem>> -> memref<128xi32, #tpu.memory_space<vmem>>
      %dma_wait3A_142 = arith.constant 0 : i32
      %dma_wait3A_143 = arith.constant 0 : i32
      %dma_wait3A_144 = tpu.memref_slice %arg2[%dma_wait3A_142, %dma_wait3A_143] : memref<10000x128xf32, #tpu.memory_space<hbm>> -> memref<10000x128xf32, #tpu.memory_space<hbm>>
      %dma_wait3A_145 = tpu.memref_slice %arg10[%rem3A_125] : memref<2x!tpu.dma_semaphore, #tpu.memory_space<semaphore_mem>> -> memref<1x!tpu.dma_semaphore, #tpu.memory_space<semaphore_mem>>
      %dma_wait3A_146 = tpu.memref_squeeze %dma_wait3A_145 : memref<1x!tpu.dma_semaphore, #tpu.memory_space<semaphore_mem>> -> memref<!tpu.dma_semaphore, #tpu.memory_space<semaphore_mem>>
      tpu.wait_indirect_dma semaphore(%dma_wait3A_146 : memref<!tpu.dma_semaphore, #tpu.memory_space<semaphore_mem>>) src(%dma_wait3A_144 : memref<10000x128xf32, #tpu.memory_space<hbm>>) dst(%dma_wait3A_138 : memref<128x128xf32, #tpu.memory_space<vmem>>)
      %dma_start3A_147 = arith.constant 0 : i32
      %dma_start3A_148 = arith.constant 0 : i32
      %dma_start3A_149 = tpu.memref_slice %arg8[%rem3A_125, %dma_start3A_147, %dma_start3A_148] : memref<2x128x128xf32, #tpu.memory_space<vmem>> -> memref<1x128x128xf32, #tpu.memory_space<vmem>>
      %dma_start3A_150 = tpu.memref_squeeze %dma_start3A_149 : memref<1x128x128xf32, #tpu.memory_space<vmem>> -> memref<128x128xf32, #tpu.memory_space<vmem>>
      %dma_start3A_151 = arith.constant 0 : i32
      %dma_start3A_152 = tpu.memref_slice %arg7[%scan3A_123, %dma_start3A_151] : memref<40x128xi32, #tpu.memory_space<vmem>> -> memref<1x128xi32, #tpu.memory_space<vmem>>
      %dma_start3A_153 = tpu.memref_squeeze %dma_start3A_152 : memref<1x128xi32, #tpu.memory_space<vmem>> -> memref<128xi32, #tpu.memory_space<vmem>>
      %dma_start3A_154 = arith.constant 0 : i32
      %dma_start3A_155 = arith.constant 0 : i32
      %dma_start3A_156 = tpu.memref_slice %arg9[%dma_start3A_154, %dma_start3A_155] : memref<10112x128xf32, #tpu.memory_space<vmem_shared>> -> memref<10112x128xf32, #tpu.memory_space<vmem_shared>>
      %dma_start3A_157 = tpu.memref_slice %arg11[%rem3A_125] : memref<2x!tpu.dma_semaphore, #tpu.memory_space<semaphore_mem>> -> memref<1x!tpu.dma_semaphore, #tpu.memory_space<semaphore_mem>>
      %dma_start3A_158 = tpu.memref_squeeze %dma_start3A_157 : memref<1x!tpu.dma_semaphore, #tpu.memory_space<semaphore_mem>> -> memref<!tpu.dma_semaphore, #tpu.memory_space<semaphore_mem>>
      tpu.enqueue_indirect_dma source(%dma_start3A_150 : memref<128x128xf32, #tpu.memory_space<vmem>>) target(%dma_start3A_156 : memref<10112x128xf32, #tpu.memory_space<vmem_shared>>) offsets(%dma_start3A_153 : memref<128xi32, #tpu.memory_space<vmem>>) semaphore(%dma_start3A_158 : memref<!tpu.dma_semaphore, #tpu.memory_space<semaphore_mem>>) {add = true}
    }
    %scan3A_56 = arith.constant 40 : i32
    %rem3A = arith.constant 39 : i32
    %rem3A_57 = arith.constant 2 : i32
    %rem3A_58 = arith.remsi %rem3A, %rem3A_57 : i32
    %rem3A_59 = arith.constant 39 : i32
    %rem3A_60 = arith.constant 2 : i32
    %rem3A_61 = arith.remsi %rem3A_59, %rem3A_60 : i32
    %dma_wait3A = arith.constant 39 : i32
    %dma_wait3A_62 = arith.constant 0 : i32
    %dma_wait3A_63 = arith.constant 0 : i32
    %dma_wait3A_64 = tpu.memref_slice %arg8[%rem3A_58, %dma_wait3A_62, %dma_wait3A_63] : memref<2x128x128xf32, #tpu.memory_space<vmem>> -> memref<1x128x128xf32, #tpu.memory_space<vmem>>
    %dma_wait3A_65 = tpu.memref_squeeze %dma_wait3A_64 : memref<1x128x128xf32, #tpu.memory_space<vmem>> -> memref<128x128xf32, #tpu.memory_space<vmem>>
    %dma_wait3A_66 = arith.constant 0 : i32
    %dma_wait3A_67 = tpu.memref_slice %arg7[%dma_wait3A, %dma_wait3A_66] : memref<40x128xi32, #tpu.memory_space<vmem>> -> memref<1x128xi32, #tpu.memory_space<vmem>>
    %dma_wait3A_68 = tpu.memref_squeeze %dma_wait3A_67 : memref<1x128xi32, #tpu.memory_space<vmem>> -> memref<128xi32, #tpu.memory_space<vmem>>
    %dma_wait3A_69 = arith.constant 0 : i32
    %dma_wait3A_70 = arith.constant 0 : i32
    %dma_wait3A_71 = tpu.memref_slice %arg9[%dma_wait3A_69, %dma_wait3A_70] : memref<10112x128xf32, #tpu.memory_space<vmem_shared>> -> memref<10112x128xf32, #tpu.memory_space<vmem_shared>>
    %dma_wait3A_72 = tpu.memref_slice %arg11[%rem3A_61] : memref<2x!tpu.dma_semaphore, #tpu.memory_space<semaphore_mem>> -> memref<1x!tpu.dma_semaphore, #tpu.memory_space<semaphore_mem>>
    %dma_wait3A_73 = tpu.memref_squeeze %dma_wait3A_72 : memref<1x!tpu.dma_semaphore, #tpu.memory_space<semaphore_mem>> -> memref<!tpu.dma_semaphore, #tpu.memory_space<semaphore_mem>>
    tpu.wait_indirect_dma semaphore(%dma_wait3A_73 : memref<!tpu.dma_semaphore, #tpu.memory_space<semaphore_mem>>) src(%dma_wait3A_65 : memref<128x128xf32, #tpu.memory_space<vmem>>) dst(%dma_wait3A_71 : memref<10112x128xf32, #tpu.memory_space<vmem_shared>>)
    %add3A_74 = arith.constant 40 : i32
    %add3A_75 = arith.addi %mul3A_2, %add3A_74 : i32
    "tpu.region"() ({
      %run_scoped3A_123 = tpu.sem_alloc : memref<!tpu.dma_semaphore, #tpu.memory_space<semaphore_mem>>
      %dma_start3A_124 = arith.constant 0 : i32
      %dma_start3A_125 = tpu.memref_slice %arg3[%add3A_75, %dma_start3A_124] : memref<2560x128xi32, #tpu.memory_space<hbm>> -> memref<40x128xi32, #tpu.memory_space<hbm>>
      %dma_start3A_126 = arith.constant 0 : i32
      %dma_start3A_127 = tpu.memref_slice %arg3[%add3A_75, %dma_start3A_126] : memref<2560x128xi32, #tpu.memory_space<hbm>> -> memref<40x128xi32, #tpu.memory_space<hbm>>
      tpu.enqueue_dma source(%dma_start3A_127 : memref<40x128xi32, #tpu.memory_space<hbm>>) target(%arg6 : memref<40x128xi32, #tpu.memory_space<vmem>>) target_semaphore(%run_scoped3A_123 : memref<!tpu.dma_semaphore, #tpu.memory_space<semaphore_mem>>)
      %dma_wait3A_128 = arith.constant 0 : i32
      %dma_wait3A_129 = tpu.memref_slice %arg3[%add3A_75, %dma_wait3A_128] : memref<2560x128xi32, #tpu.memory_space<hbm>> -> memref<40x128xi32, #tpu.memory_space<hbm>>
      %dma_wait3A_130 = arith.constant 0 : i32
      %dma_wait3A_131 = tpu.memref_slice %arg3[%add3A_75, %dma_wait3A_130] : memref<2560x128xi32, #tpu.memory_space<hbm>> -> memref<40x128xi32, #tpu.memory_space<hbm>>
      tpu.wait_dma2 semaphore(%run_scoped3A_123 : memref<!tpu.dma_semaphore, #tpu.memory_space<semaphore_mem>>) src(%dma_wait3A_131 : memref<40x128xi32, #tpu.memory_space<hbm>>) dst(%arg6 : memref<40x128xi32, #tpu.memory_space<vmem>>)
      tpu.yield
    }) : () -> ()
    %add3A_76 = arith.constant 40 : i32
    %add3A_77 = arith.addi %mul3A_2, %add3A_76 : i32
    "tpu.region"() ({
      %run_scoped3A_123 = tpu.sem_alloc : memref<!tpu.dma_semaphore, #tpu.memory_space<semaphore_mem>>
      %dma_start3A_124 = arith.constant 0 : i32
      %dma_start3A_125 = tpu.memref_slice %arg4[%add3A_77, %dma_start3A_124] : memref<2560x128xi32, #tpu.memory_space<hbm>> -> memref<40x128xi32, #tpu.memory_space<hbm>>
      %dma_start3A_126 = arith.constant 0 : i32
      %dma_start3A_127 = tpu.memref_slice %arg4[%add3A_77, %dma_start3A_126] : memref<2560x128xi32, #tpu.memory_space<hbm>> -> memref<40x128xi32, #tpu.memory_space<hbm>>
      tpu.enqueue_dma source(%dma_start3A_127 : memref<40x128xi32, #tpu.memory_space<hbm>>) target(%arg7 : memref<40x128xi32, #tpu.memory_space<vmem>>) target_semaphore(%run_scoped3A_123 : memref<!tpu.dma_semaphore, #tpu.memory_space<semaphore_mem>>)
      %dma_wait3A_128 = arith.constant 0 : i32
      %dma_wait3A_129 = tpu.memref_slice %arg4[%add3A_77, %dma_wait3A_128] : memref<2560x128xi32, #tpu.memory_space<hbm>> -> memref<40x128xi32, #tpu.memory_space<hbm>>
      %dma_wait3A_130 = arith.constant 0 : i32
      %dma_wait3A_131 = tpu.memref_slice %arg4[%add3A_77, %dma_wait3A_130] : memref<2560x128xi32, #tpu.memory_space<hbm>> -> memref<40x128xi32, #tpu.memory_space<hbm>>
      tpu.wait_dma2 semaphore(%run_scoped3A_123 : memref<!tpu.dma_semaphore, #tpu.memory_space<semaphore_mem>>) src(%dma_wait3A_131 : memref<40x128xi32, #tpu.memory_space<hbm>>) dst(%arg7 : memref<40x128xi32, #tpu.memory_space<vmem>>)
      tpu.yield
    }) : () -> ()
    %dma_start3A_78 = arith.constant 0 : i32
    %dma_start3A_79 = arith.constant 0 : i32
    %dma_start3A_80 = arith.constant 0 : i32
    %dma_start3A_81 = arith.constant 0 : i32
    %dma_start3A_82 = arith.constant 0 : i32
    %dma_start3A_83 = tpu.memref_slice %arg8[%dma_start3A_79, %dma_start3A_81, %dma_start3A_82] : memref<2x128x128xf32, #tpu.memory_space<vmem>> -> memref<1x128x128xf32, #tpu.memory_space<vmem>>
    %dma_start3A_84 = tpu.memref_squeeze %dma_start3A_83 : memref<1x128x128xf32, #tpu.memory_space<vmem>> -> memref<128x128xf32, #tpu.memory_space<vmem>>
    %dma_start3A_85 = arith.constant 0 : i32
    %dma_start3A_86 = tpu.memref_slice %arg6[%dma_start3A_78, %dma_start3A_85] : memref<40x128xi32, #tpu.memory_space<vmem>> -> memref<1x128xi32, #tpu.memory_space<vmem>>
    %dma_start3A_87 = tpu.memref_squeeze %dma_start3A_86 : memref<1x128xi32, #tpu.memory_space<vmem>> -> memref<128xi32, #tpu.memory_space<vmem>>
    %dma_start3A_88 = arith.constant 0 : i32
    %dma_start3A_89 = arith.constant 0 : i32
    %dma_start3A_90 = tpu.memref_slice %arg2[%dma_start3A_88, %dma_start3A_89] : memref<10000x128xf32, #tpu.memory_space<hbm>> -> memref<10000x128xf32, #tpu.memory_space<hbm>>
    %dma_start3A_91 = tpu.memref_slice %arg10[%dma_start3A_80] : memref<2x!tpu.dma_semaphore, #tpu.memory_space<semaphore_mem>> -> memref<1x!tpu.dma_semaphore, #tpu.memory_space<semaphore_mem>>
    %dma_start3A_92 = tpu.memref_squeeze %dma_start3A_91 : memref<1x!tpu.dma_semaphore, #tpu.memory_space<semaphore_mem>> -> memref<!tpu.dma_semaphore, #tpu.memory_space<semaphore_mem>>
    tpu.enqueue_indirect_dma source(%dma_start3A_90 : memref<10000x128xf32, #tpu.memory_space<hbm>>) target(%dma_start3A_84 : memref<128x128xf32, #tpu.memory_space<vmem>>) offsets(%dma_start3A_87 : memref<128xi32, #tpu.memory_space<vmem>>) semaphore(%dma_start3A_92 : memref<!tpu.dma_semaphore, #tpu.memory_space<semaphore_mem>>)
    %scan3A_93 = arith.constant 0 : i32
    %scan3A_94 = arith.constant 0 : i32
    %scan3A_95 = arith.constant 40 : i32
    %scan3A_96 = arith.addi %scan3A_94, %scan3A_95 : i32
    %scan3A_97 = arith.constant 1 : i32
    scf.for %scan3A_123 = %scan3A_94 to %scan3A_96 step %scan3A_97  : i32 {
      %rem3A_124 = arith.constant 2 : i32
      %rem3A_125 = arith.remsi %scan3A_123, %rem3A_124 : i32
      %sub3A = arith.constant 1 : i32
      %sub3A_126 = arith.subi %sub3A, %rem3A_125 : i32
      %gt3A = arith.constant 0 : i32
      %gt3A_127 = arith.cmpi sgt, %scan3A_123, %gt3A : i32
      %convert_element_type3A = arith.extui %gt3A_127 : i1 to i32
      %cond3A = arith.constant 0 : i32
      %cond3A_128 = arith.cmpi ne, %convert_element_type3A, %cond3A : i32
      scf.if %cond3A_128 {
        %sub3A_159 = arith.constant 1 : i32
        %sub3A_160 = arith.subi %scan3A_123, %sub3A_159 : i32
        %dma_wait3A_161 = arith.constant 0 : i32
        %dma_wait3A_162 = arith.constant 0 : i32
        %dma_wait3A_163 = tpu.memref_slice %arg8[%sub3A_126, %dma_wait3A_161, %dma_wait3A_162] : memref<2x128x128xf32, #tpu.memory_space<vmem>> -> memref<1x128x128xf32, #tpu.memory_space<vmem>>
        %dma_wait3A_164 = tpu.memref_squeeze %dma_wait3A_163 : memref<1x128x128xf32, #tpu.memory_space<vmem>> -> memref<128x128xf32, #tpu.memory_space<vmem>>
        %dma_wait3A_165 = arith.constant 0 : i32
        %dma_wait3A_166 = tpu.memref_slice %arg7[%sub3A_160, %dma_wait3A_165] : memref<40x128xi32, #tpu.memory_space<vmem>> -> memref<1x128xi32, #tpu.memory_space<vmem>>
        %dma_wait3A_167 = tpu.memref_squeeze %dma_wait3A_166 : memref<1x128xi32, #tpu.memory_space<vmem>> -> memref<128xi32, #tpu.memory_space<vmem>>
        %dma_wait3A_168 = arith.constant 0 : i32
        %dma_wait3A_169 = arith.constant 0 : i32
        %dma_wait3A_170 = tpu.memref_slice %arg9[%dma_wait3A_168, %dma_wait3A_169] : memref<10112x128xf32, #tpu.memory_space<vmem_shared>> -> memref<10112x128xf32, #tpu.memory_space<vmem_shared>>
        %dma_wait3A_171 = tpu.memref_slice %arg11[%sub3A_126] : memref<2x!tpu.dma_semaphore, #tpu.memory_space<semaphore_mem>> -> memref<1x!tpu.dma_semaphore, #tpu.memory_space<semaphore_mem>>
        %dma_wait3A_172 = tpu.memref_squeeze %dma_wait3A_171 : memref<1x!tpu.dma_semaphore, #tpu.memory_space<semaphore_mem>> -> memref<!tpu.dma_semaphore, #tpu.memory_space<semaphore_mem>>
        tpu.wait_indirect_dma semaphore(%dma_wait3A_172 : memref<!tpu.dma_semaphore, #tpu.memory_space<semaphore_mem>>) src(%dma_wait3A_164 : memref<128x128xf32, #tpu.memory_space<vmem>>) dst(%dma_wait3A_170 : memref<10112x128xf32, #tpu.memory_space<vmem_shared>>)
      } else {
      }
      %add3A_129 = arith.constant 1 : i32
      %add3A_130 = arith.addi %scan3A_123, %add3A_129 : i32
      %lt3A = arith.constant 40 : i32
      %lt3A_131 = arith.cmpi slt, %add3A_130, %lt3A : i32
      %convert_element_type3A_132 = arith.extui %lt3A_131 : i1 to i32
      %cond3A_133 = arith.constant 0 : i32
      %cond3A_134 = arith.cmpi ne, %convert_element_type3A_132, %cond3A_133 : i32
      scf.if %cond3A_134 {
        %add3A_159 = arith.constant 1 : i32
        %add3A_160 = arith.addi %scan3A_123, %add3A_159 : i32
        %dma_start3A_161 = arith.constant 0 : i32
        %dma_start3A_162 = arith.constant 0 : i32
        %dma_start3A_163 = tpu.memref_slice %arg8[%sub3A_126, %dma_start3A_161, %dma_start3A_162] : memref<2x128x128xf32, #tpu.memory_space<vmem>> -> memref<1x128x128xf32, #tpu.memory_space<vmem>>
        %dma_start3A_164 = tpu.memref_squeeze %dma_start3A_163 : memref<1x128x128xf32, #tpu.memory_space<vmem>> -> memref<128x128xf32, #tpu.memory_space<vmem>>
        %dma_start3A_165 = arith.constant 0 : i32
        %dma_start3A_166 = tpu.memref_slice %arg6[%add3A_160, %dma_start3A_165] : memref<40x128xi32, #tpu.memory_space<vmem>> -> memref<1x128xi32, #tpu.memory_space<vmem>>
        %dma_start3A_167 = tpu.memref_squeeze %dma_start3A_166 : memref<1x128xi32, #tpu.memory_space<vmem>> -> memref<128xi32, #tpu.memory_space<vmem>>
        %dma_start3A_168 = arith.constant 0 : i32
        %dma_start3A_169 = arith.constant 0 : i32
        %dma_start3A_170 = tpu.memref_slice %arg2[%dma_start3A_168, %dma_start3A_169] : memref<10000x128xf32, #tpu.memory_space<hbm>> -> memref<10000x128xf32, #tpu.memory_space<hbm>>
        %dma_start3A_171 = tpu.memref_slice %arg10[%sub3A_126] : memref<2x!tpu.dma_semaphore, #tpu.memory_space<semaphore_mem>> -> memref<1x!tpu.dma_semaphore, #tpu.memory_space<semaphore_mem>>
        %dma_start3A_172 = tpu.memref_squeeze %dma_start3A_171 : memref<1x!tpu.dma_semaphore, #tpu.memory_space<semaphore_mem>> -> memref<!tpu.dma_semaphore, #tpu.memory_space<semaphore_mem>>
        tpu.enqueue_indirect_dma source(%dma_start3A_170 : memref<10000x128xf32, #tpu.memory_space<hbm>>) target(%dma_start3A_164 : memref<128x128xf32, #tpu.memory_space<vmem>>) offsets(%dma_start3A_167 : memref<128xi32, #tpu.memory_space<vmem>>) semaphore(%dma_start3A_172 : memref<!tpu.dma_semaphore, #tpu.memory_space<semaphore_mem>>)
      } else {
      }
      %dma_wait3A_135 = arith.constant 0 : i32
      %dma_wait3A_136 = arith.constant 0 : i32
      %dma_wait3A_137 = tpu.memref_slice %arg8[%rem3A_125, %dma_wait3A_135, %dma_wait3A_136] : memref<2x128x128xf32, #tpu.memory_space<vmem>> -> memref<1x128x128xf32, #tpu.memory_space<vmem>>
      %dma_wait3A_138 = tpu.memref_squeeze %dma_wait3A_137 : memref<1x128x128xf32, #tpu.memory_space<vmem>> -> memref<128x128xf32, #tpu.memory_space<vmem>>
      %dma_wait3A_139 = arith.constant 0 : i32
      %dma_wait3A_140 = tpu.memref_slice %arg6[%scan3A_123, %dma_wait3A_139] : memref<40x128xi32, #tpu.memory_space<vmem>> -> memref<1x128xi32, #tpu.memory_space<vmem>>
      %dma_wait3A_141 = tpu.memref_squeeze %dma_wait3A_140 : memref<1x128xi32, #tpu.memory_space<vmem>> -> memref<128xi32, #tpu.memory_space<vmem>>
      %dma_wait3A_142 = arith.constant 0 : i32
      %dma_wait3A_143 = arith.constant 0 : i32
      %dma_wait3A_144 = tpu.memref_slice %arg2[%dma_wait3A_142, %dma_wait3A_143] : memref<10000x128xf32, #tpu.memory_space<hbm>> -> memref<10000x128xf32, #tpu.memory_space<hbm>>
      %dma_wait3A_145 = tpu.memref_slice %arg10[%rem3A_125] : memref<2x!tpu.dma_semaphore, #tpu.memory_space<semaphore_mem>> -> memref<1x!tpu.dma_semaphore, #tpu.memory_space<semaphore_mem>>
      %dma_wait3A_146 = tpu.memref_squeeze %dma_wait3A_145 : memref<1x!tpu.dma_semaphore, #tpu.memory_space<semaphore_mem>> -> memref<!tpu.dma_semaphore, #tpu.memory_space<semaphore_mem>>
      tpu.wait_indirect_dma semaphore(%dma_wait3A_146 : memref<!tpu.dma_semaphore, #tpu.memory_space<semaphore_mem>>) src(%dma_wait3A_144 : memref<10000x128xf32, #tpu.memory_space<hbm>>) dst(%dma_wait3A_138 : memref<128x128xf32, #tpu.memory_space<vmem>>)
      %dma_start3A_147 = arith.constant 0 : i32
      %dma_start3A_148 = arith.constant 0 : i32
      %dma_start3A_149 = tpu.memref_slice %arg8[%rem3A_125, %dma_start3A_147, %dma_start3A_148] : memref<2x128x128xf32, #tpu.memory_space<vmem>> -> memref<1x128x128xf32, #tpu.memory_space<vmem>>
      %dma_start3A_150 = tpu.memref_squeeze %dma_start3A_149 : memref<1x128x128xf32, #tpu.memory_space<vmem>> -> memref<128x128xf32, #tpu.memory_space<vmem>>
      %dma_start3A_151 = arith.constant 0 : i32
      %dma_start3A_152 = tpu.memref_slice %arg7[%scan3A_123, %dma_start3A_151] : memref<40x128xi32, #tpu.memory_space<vmem>> -> memref<1x128xi32, #tpu.memory_space<vmem>>
      %dma_start3A_153 = tpu.memref_squeeze %dma_start3A_152 : memref<1x128xi32, #tpu.memory_space<vmem>> -> memref<128xi32, #tpu.memory_space<vmem>>
      %dma_start3A_154 = arith.constant 0 : i32
      %dma_start3A_155 = arith.constant 0 : i32
      %dma_start3A_156 = tpu.memref_slice %arg9[%dma_start3A_154, %dma_start3A_155] : memref<10112x128xf32, #tpu.memory_space<vmem_shared>> -> memref<10112x128xf32, #tpu.memory_space<vmem_shared>>
      %dma_start3A_157 = tpu.memref_slice %arg11[%rem3A_125] : memref<2x!tpu.dma_semaphore, #tpu.memory_space<semaphore_mem>> -> memref<1x!tpu.dma_semaphore, #tpu.memory_space<semaphore_mem>>
      %dma_start3A_158 = tpu.memref_squeeze %dma_start3A_157 : memref<1x!tpu.dma_semaphore, #tpu.memory_space<semaphore_mem>> -> memref<!tpu.dma_semaphore, #tpu.memory_space<semaphore_mem>>
      tpu.enqueue_indirect_dma source(%dma_start3A_150 : memref<128x128xf32, #tpu.memory_space<vmem>>) target(%dma_start3A_156 : memref<10112x128xf32, #tpu.memory_space<vmem_shared>>) offsets(%dma_start3A_153 : memref<128xi32, #tpu.memory_space<vmem>>) semaphore(%dma_start3A_158 : memref<!tpu.dma_semaphore, #tpu.memory_space<semaphore_mem>>) {add = true}
    }
    %scan3A_98 = arith.constant 40 : i32
    %rem3A_99 = arith.constant 39 : i32
    %rem3A_100 = arith.constant 2 : i32
    %rem3A_101 = arith.remsi %rem3A_99, %rem3A_100 : i32
    %rem3A_102 = arith.constant 39 : i32
    %rem3A_103 = arith.constant 2 : i32
    %rem3A_104 = arith.remsi %rem3A_102, %rem3A_103 : i32
    %dma_wait3A_105 = arith.constant 39 : i32
    %dma_wait3A_106 = arith.constant 0 : i32
    %dma_wait3A_107 = arith.constant 0 : i32
    %dma_wait3A_108 = tpu.memref_slice %arg8[%rem3A_101, %dma_wait3A_106, %dma_wait3A_107] : memref<2x128x128xf32, #tpu.memory_space<vmem>> -> memref<1x128x128xf32, #tpu.memory_space<vmem>>
    %dma_wait3A_109 = tpu.memref_squeeze %dma_wait3A_108 : memref<1x128x128xf32, #tpu.memory_space<vmem>> -> memref<128x128xf32, #tpu.memory_space<vmem>>
    %dma_wait3A_110 = arith.constant 0 : i32
    %dma_wait3A_111 = tpu.memref_slice %arg7[%dma_wait3A_105, %dma_wait3A_110] : memref<40x128xi32, #tpu.memory_space<vmem>> -> memref<1x128xi32, #tpu.memory_space<vmem>>
    %dma_wait3A_112 = tpu.memref_squeeze %dma_wait3A_111 : memref<1x128xi32, #tpu.memory_space<vmem>> -> memref<128xi32, #tpu.memory_space<vmem>>
    %dma_wait3A_113 = arith.constant 0 : i32
    %dma_wait3A_114 = arith.constant 0 : i32
    %dma_wait3A_115 = tpu.memref_slice %arg9[%dma_wait3A_113, %dma_wait3A_114] : memref<10112x128xf32, #tpu.memory_space<vmem_shared>> -> memref<10112x128xf32, #tpu.memory_space<vmem_shared>>
    %dma_wait3A_116 = tpu.memref_slice %arg11[%rem3A_104] : memref<2x!tpu.dma_semaphore, #tpu.memory_space<semaphore_mem>> -> memref<1x!tpu.dma_semaphore, #tpu.memory_space<semaphore_mem>>
    %dma_wait3A_117 = tpu.memref_squeeze %dma_wait3A_116 : memref<1x!tpu.dma_semaphore, #tpu.memory_space<semaphore_mem>> -> memref<!tpu.dma_semaphore, #tpu.memory_space<semaphore_mem>>
    tpu.wait_indirect_dma semaphore(%dma_wait3A_117 : memref<!tpu.dma_semaphore, #tpu.memory_space<semaphore_mem>>) src(%dma_wait3A_109 : memref<128x128xf32, #tpu.memory_space<vmem>>) dst(%dma_wait3A_115 : memref<10112x128xf32, #tpu.memory_space<vmem_shared>>)
    %barrier3A_118 = arith.constant 0 : index
    tpu.barrier barrier_id(%barrier3A_118)
    %mul3A_119 = arith.constant 632 : i32
    %mul3A_120 = arith.muli %arg1, %mul3A_119 : i32
    %mul3A_121 = arith.constant 632 : i32
    %mul3A_122 = arith.muli %arg1, %mul3A_121 : i32
    "tpu.region"() ({
      %run_scoped3A_123 = tpu.sem_alloc : memref<!tpu.dma_semaphore, #tpu.memory_space<semaphore_mem>>
      %dma_start3A_124 = arith.constant 0 : i32
      %dma_start3A_125 = tpu.memref_slice %arg5[%arg0, %mul3A_122, %dma_start3A_124] : memref<2x10112x128xf32, #tpu.memory_space<hbm>> -> memref<1x632x128xf32, #tpu.memory_space<hbm>>
      %dma_start3A_126 = tpu.memref_squeeze %dma_start3A_125 : memref<1x632x128xf32, #tpu.memory_space<hbm>> -> memref<632x128xf32, #tpu.memory_space<hbm>>
      %dma_start3A_127 = arith.constant 0 : i32
      %dma_start3A_128 = tpu.memref_slice %arg9[%mul3A_120, %dma_start3A_127] : memref<10112x128xf32, #tpu.memory_space<vmem_shared>> -> memref<632x128xf32, #tpu.memory_space<vmem_shared>>
      tpu.enqueue_dma source(%dma_start3A_128 : memref<632x128xf32, #tpu.memory_space<vmem_shared>>) target(%dma_start3A_126 : memref<632x128xf32, #tpu.memory_space<hbm>>) target_semaphore(%run_scoped3A_123 : memref<!tpu.dma_semaphore, #tpu.memory_space<semaphore_mem>>)
      %dma_wait3A_129 = arith.constant 0 : i32
      %dma_wait3A_130 = tpu.memref_slice %arg5[%arg0, %mul3A_122, %dma_wait3A_129] : memref<2x10112x128xf32, #tpu.memory_space<hbm>> -> memref<1x632x128xf32, #tpu.memory_space<hbm>>
      %dma_wait3A_131 = tpu.memref_squeeze %dma_wait3A_130 : memref<1x632x128xf32, #tpu.memory_space<hbm>> -> memref<632x128xf32, #tpu.memory_space<hbm>>
      %dma_wait3A_132 = arith.constant 0 : i32
      %dma_wait3A_133 = tpu.memref_slice %arg9[%mul3A_120, %dma_wait3A_132] : memref<10112x128xf32, #tpu.memory_space<vmem_shared>> -> memref<632x128xf32, #tpu.memory_space<vmem_shared>>
      tpu.wait_dma2 semaphore(%run_scoped3A_123 : memref<!tpu.dma_semaphore, #tpu.memory_space<semaphore_mem>>) src(%dma_wait3A_133 : memref<632x128xf32, #tpu.memory_space<vmem_shared>>) dst(%dma_wait3A_131 : memref<632x128xf32, #tpu.memory_space<hbm>>)
      tpu.yield
    }) : () -> ()
    return
  }
}

module attributes {stable_mosaic.version = 14 : i64} {
  func.func @_embed_body(%arg0: i32, %arg1: memref<2000x128xf32, #tpu.memory_space<vmem>>, %arg2: memref<128x128xf32, #tpu.memory_space<vmem>>, %arg3: memref<2000x128xf32, #tpu.memory_space<vmem>>) attributes {dimension_semantics = [#tpu.dimension_semantics<arbitrary>], iteration_bounds = array<i64: 5>, scalar_prefetch = 0 : i64, scratch_operands = 0 : i64, tpu.core_type = #tpu.core_type<tc>, window_params = [{transform_indices = @transform_0, window_bounds = array<i64: 2000, 128>}, {pipeline_mode = #tpu.pipeline_mode<synchronous>, transform_indices = @transform_1, window_bounds = array<i64: 128, 128>}, {transform_indices = @transform_2, window_bounds = array<i64: 2000, 128>}]} {
    %get3A = arith.constant 0 : index
    %get3A_0 = arith.constant 0 : index
    %get3A_1 = vector.load %arg1[%get3A, %get3A_0] : memref<2000x128xf32, #tpu.memory_space<vmem>>, vector<2000x128xf32>
    %get3A_2 = arith.constant 0 : index
    %get3A_3 = arith.constant 0 : index
    %get3A_4 = vector.load %arg2[%get3A_2, %get3A_3] : memref<128x128xf32, #tpu.memory_space<vmem>>, vector<128x128xf32>
    %dot_general3A = arith.constant dense<0.000000e+00> : vector<2000x128xf32>
    %dot_general3A_5 = tpu.matmul %get3A_1, %get3A_4, %dot_general3A {dimension_numbers = #tpu.dot_dimension_numbers<[1], [0], [0], [1], [0, 0, 1, 1], [], []>, transpose_lhs_hint = false} : vector<2000x128xf32>, vector<128x128xf32>, vector<2000x128xf32> -> vector<2000x128xf32>
    %swap3A = arith.constant 0 : index
    %swap3A_6 = arith.constant 0 : index
    %swap3A_7 = vector.load %arg3[%swap3A, %swap3A_6] : memref<2000x128xf32, #tpu.memory_space<vmem>>, vector<2000x128xf32>
    tpu.vector_store %arg3[%swap3A, %swap3A_6], %dot_general3A_5 {strides = array<i32>} : memref<2000x128xf32, #tpu.memory_space<vmem>>, vector<2000x128xf32>,
    return
  }
  func.func @transform_0(%arg0: i32) -> (i32, i32) {
    %c0_i32 = arith.constant 0 : i32
    %c0_i32_0 = arith.constant 0 : i32
    return %arg0, %c0_i32 : i32, i32
  }
  func.func @transform_1(%arg0: i32) -> (i32, i32) {
    %c0_i32 = arith.constant 0 : i32
    %c0_i32_0 = arith.constant 0 : i32
    %c0_i32_1 = arith.constant 0 : i32
    return %c0_i32, %c0_i32_0 : i32, i32
  }
  func.func @transform_2(%arg0: i32) -> (i32, i32) {
    %c0_i32 = arith.constant 0 : i32
    %c0_i32_0 = arith.constant 0 : i32
    return %arg0, %c0_i32 : i32, i32
  }
}

module attributes {stable_mosaic.version = 14 : i64} {
  func.func @_res_body(%arg0: i32, %arg1: memref<2000x128xf32, #tpu.memory_space<vmem>>, %arg2: memref<128x128xf32, #tpu.memory_space<vmem>>, %arg3: memref<128xf32, #tpu.memory_space<vmem>>, %arg4: memref<128xf32, #tpu.memory_space<vmem>>, %arg5: memref<2000x128xf32, #tpu.memory_space<vmem>>) attributes {dimension_semantics = [#tpu.dimension_semantics<arbitrary>], iteration_bounds = array<i64: 5>, scalar_prefetch = 0 : i64, scratch_operands = 0 : i64, tpu.core_type = #tpu.core_type<tc>, window_params = [{transform_indices = @transform_0, window_bounds = array<i64: 2000, 128>}, {pipeline_mode = #tpu.pipeline_mode<synchronous>, transform_indices = @transform_1, window_bounds = array<i64: 128, 128>}, {pipeline_mode = #tpu.pipeline_mode<synchronous>, transform_indices = @transform_2, window_bounds = array<i64: 128>}, {pipeline_mode = #tpu.pipeline_mode<synchronous>, transform_indices = @transform_3, window_bounds = array<i64: 128>}, {transform_indices = @transform_4, window_bounds = array<i64: 2000, 128>}]} {
    %get3A = arith.constant 0 : index
    %get3A_0 = arith.constant 0 : index
    %get3A_1 = vector.load %arg1[%get3A, %get3A_0] : memref<2000x128xf32, #tpu.memory_space<vmem>>, vector<2000x128xf32>
    %get3A_2 = arith.constant 0 : index
    %get3A_3 = arith.constant 0 : index
    %get3A_4 = vector.load %arg2[%get3A_2, %get3A_3] : memref<128x128xf32, #tpu.memory_space<vmem>>, vector<128x128xf32>
    %dot_general3A = arith.constant dense<0.000000e+00> : vector<2000x128xf32>
    %dot_general3A_5 = tpu.matmul %get3A_1, %get3A_4, %dot_general3A {dimension_numbers = #tpu.dot_dimension_numbers<[1], [0], [0], [1], [0, 0, 1, 1], [], []>, transpose_lhs_hint = false} : vector<2000x128xf32>, vector<128x128xf32>, vector<2000x128xf32> -> vector<2000x128xf32>
    %get3A_6 = arith.constant 0 : index
    %get3A_7 = vector.load %arg3[%get3A_6] : memref<128xf32, #tpu.memory_space<vmem>>, vector<128xf32>
    %get3A_8 = arith.constant 0 : index
    %get3A_9 = vector.load %arg4[%get3A_8] : memref<128xf32, #tpu.memory_space<vmem>>, vector<128xf32>
    %add3A = arith.addf %get3A_7, %get3A_9 : vector<128xf32>
    %broadcast_in_dim3A = vector.shape_cast %add3A : vector<128xf32> to vector<1x128xf32>
    %add3A_10 = vector.broadcast %broadcast_in_dim3A : vector<1x128xf32> to vector<2000x128xf32>
    %add3A_11 = arith.addf %dot_general3A_5, %add3A_10 : vector<2000x128xf32>
    %swap3A = arith.constant 0 : index
    %swap3A_12 = arith.constant 0 : index
    %swap3A_13 = vector.load %arg5[%swap3A, %swap3A_12] : memref<2000x128xf32, #tpu.memory_space<vmem>>, vector<2000x128xf32>
    tpu.vector_store %arg5[%swap3A, %swap3A_12], %add3A_11 {strides = array<i32>} : memref<2000x128xf32, #tpu.memory_space<vmem>>, vector<2000x128xf32>,
    return
  }
  func.func @transform_0(%arg0: i32) -> (i32, i32) {
    %c0_i32 = arith.constant 0 : i32
    %c0_i32_0 = arith.constant 0 : i32
    return %arg0, %c0_i32 : i32, i32
  }
  func.func @transform_1(%arg0: i32) -> (i32, i32) {
    %c0_i32 = arith.constant 0 : i32
    %c0_i32_0 = arith.constant 0 : i32
    %c0_i32_1 = arith.constant 0 : i32
    return %c0_i32, %c0_i32_0 : i32, i32
  }
  func.func @transform_2(%arg0: i32) -> i32 {
    %c0_i32 = arith.constant 0 : i32
    %c0_i32_0 = arith.constant 0 : i32
    return %c0_i32 : i32
  }
  func.func @transform_3(%arg0: i32) -> i32 {
    %c0_i32 = arith.constant 0 : i32
    %c0_i32_0 = arith.constant 0 : i32
    return %c0_i32 : i32
  }
  func.func @transform_4(%arg0: i32) -> (i32, i32) {
    %c0_i32 = arith.constant 0 : i32
    %c0_i32_0 = arith.constant 0 : i32
    return %arg0, %c0_i32 : i32, i32
  }
}

module attributes {stable_mosaic.version = 14 : i64} {
  func.func @_combine_body(%arg0: i32, %arg1: memref<2x2000x128xf32, #tpu.memory_space<vmem>>, %arg2: memref<2000x128xf32, #tpu.memory_space<vmem>>, %arg3: memref<128x128xf32, #tpu.memory_space<vmem>>, %arg4: memref<2000x128xf32, #tpu.memory_space<vmem>>) attributes {dimension_semantics = [#tpu.dimension_semantics<arbitrary>], iteration_bounds = array<i64: 5>, scalar_prefetch = 0 : i64, scratch_operands = 0 : i64, tpu.core_type = #tpu.core_type<tc>, window_params = [{transform_indices = @transform_0, window_bounds = array<i64: 2, 2000, 128>}, {transform_indices = @transform_1, window_bounds = array<i64: 2000, 128>}, {pipeline_mode = #tpu.pipeline_mode<synchronous>, transform_indices = @transform_2, window_bounds = array<i64: 128, 128>}, {transform_indices = @transform_3, window_bounds = array<i64: 2000, 128>}]} {
    %get3A = arith.constant 0 : index
    %get3A_0 = arith.constant 0 : index
    %get3A_1 = arith.constant 0 : index
    %get3A_2 = vector.load %arg1[%get3A, %get3A_0, %get3A_1] : memref<2x2000x128xf32, #tpu.memory_space<vmem>>, vector<1x2000x128xf32>
    %get3A_3 = vector.shape_cast %get3A_2 : vector<1x2000x128xf32> to vector<2000x128xf32>
    %get3A_4 = arith.constant 1 : index
    %get3A_5 = arith.constant 0 : index
    %get3A_6 = arith.constant 0 : index
    %get3A_7 = vector.load %arg1[%get3A_4, %get3A_5, %get3A_6] : memref<2x2000x128xf32, #tpu.memory_space<vmem>>, vector<1x2000x128xf32>
    %get3A_8 = vector.shape_cast %get3A_7 : vector<1x2000x128xf32> to vector<2000x128xf32>
    %add3A = arith.addf %get3A_3, %get3A_8 : vector<2000x128xf32>
    %get3A_9 = arith.constant 0 : index
    %get3A_10 = arith.constant 0 : index
    %get3A_11 = vector.load %arg3[%get3A_9, %get3A_10] : memref<128x128xf32, #tpu.memory_space<vmem>>, vector<128x128xf32>
    %dot_general3A = arith.constant dense<0.000000e+00> : vector<2000x128xf32>
    %dot_general3A_12 = tpu.matmul %add3A, %get3A_11, %dot_general3A {dimension_numbers = #tpu.dot_dimension_numbers<[1], [0], [0], [1], [0, 0, 1, 1], [], []>, transpose_lhs_hint = false} : vector<2000x128xf32>, vector<128x128xf32>, vector<2000x128xf32> -> vector<2000x128xf32>
    %get3A_13 = arith.constant 0 : index
    %get3A_14 = arith.constant 0 : index
    %get3A_15 = vector.load %arg2[%get3A_13, %get3A_14] : memref<2000x128xf32, #tpu.memory_space<vmem>>, vector<2000x128xf32>
    %add3A_16 = arith.addf %dot_general3A_12, %get3A_15 : vector<2000x128xf32>
    %swap3A = arith.constant 0 : index
    %swap3A_17 = arith.constant 0 : index
    %swap3A_18 = vector.load %arg4[%swap3A, %swap3A_17] : memref<2000x128xf32, #tpu.memory_space<vmem>>, vector<2000x128xf32>
    tpu.vector_store %arg4[%swap3A, %swap3A_17], %add3A_16 {strides = array<i32>} : memref<2000x128xf32, #tpu.memory_space<vmem>>, vector<2000x128xf32>,
    return
  }
  func.func @transform_0(%arg0: i32) -> (i32, i32, i32) {
    %c0_i32 = arith.constant 0 : i32
    %c0_i32_0 = arith.constant 0 : i32
    %c0_i32_1 = arith.constant 0 : i32
    return %c0_i32, %arg0, %c0_i32_0 : i32, i32, i32
  }
  func.func @transform_1(%arg0: i32) -> (i32, i32) {
    %c0_i32 = arith.constant 0 : i32
    %c0_i32_0 = arith.constant 0 : i32
    return %arg0, %c0_i32 : i32, i32
  }
  func.func @transform_2(%arg0: i32) -> (i32, i32) {
    %c0_i32 = arith.constant 0 : i32
    %c0_i32_0 = arith.constant 0 : i32
    %c0_i32_1 = arith.constant 0 : i32
    return %c0_i32, %c0_i32_0 : i32, i32
  }
  func.func @transform_3(%arg0: i32) -> (i32, i32) {
    %c0_i32 = arith.constant 0 : i32
    %c0_i32_0 = arith.constant 0 : i32
    return %arg0, %c0_i32 : i32, i32
  }
}

</mosaic_0001>

<sc_bundles>
// kernel: kernel.12.cloned.1.call-start
scs
__scs_entry_jumppad:
0x0: {  	(pc) =	sbr.rel $0x88, $3  }
0x1: {  	(tag) =	ssettag $0x0;
	lr =	simm.s32 $0x1  }
0x2: {  	[smem:$0x3F92] =	sst lr;
	_ =	strace $0xD0000000  }
0x3: {  	_ = 	snop  }
0x4: {  	_ = 	snop  }
0x5: {  	_ = 	snop  }
0x6: {  	_ = 	snop  }
0x7: {  	_ = 	snop  }
__scs_overlays_trampoline_lowered:
0x8: {  	[smem:$0x3FA1] =	sst s0  }
0x9: {  	[smem:$0x3FA2] =	sst s1  }
0xa: {  	[smem:$0x3FA3] =	sst s2  }
0xb: {  	[smem:$0x3FA4] =	sst s3  }
0xc: {  	[smem:$0x3FA5] =	sst s4  }
0xd: {  	[smem:$0x3FA6] =	sst s5  }
0xe: {  	[smem:$0x3FA7] =	sst s6  }
0xf: {  	[smem:$0x3FA8] =	sst s7  }
0x10: {  	[smem:$0x3FA9] =	sst s8  }
0x11: {  	[smem:$0x3FAA] =	sst s9;
	s0 =	simm.s32 @!p0 $0x0  }
0x12: {  	s1 =	sld [smem:$0x3F90];
	s0 =	simm.s32 @p0 $0x1  }
0x13: {  	[smem:$0x3FAB] =	sst s0;
	s0 =	simm.s32 @!p1 $0x0  }
0x14: {  	s2 =	sld [smem:$0x3F8F];
	s0 =	simm.s32 @p1 $0x1  }
0x15: {  	[smem:$0x3FAC] =	sst s0;
	s0 =	simm.s32 @!p2 $0x0  }
0x16: {  	s3 =	sld [smem:$0x3FDB];
	s0 =	simm.s32 @p2 $0x1  }
0x17: {  	s4 =	simm.s32 $0x1BF5;
	[smem:$0x3FAE] =	sst s0  }
0x18: {  	s0 =	sld [smem:$0x3F91];
	_ =	swait.ge [sflag:s4], $0x0  }
0x19: {  	s7 =	sld [smem:$0x3F92]  }
0x1a: {  	s8 =	sadd.s32 $0xFFFFE003, lr  }
0x1b: {  	s9 =	sadd.s32 $0xFFFFFEF7, lr;
	s5 =	simm.s32 $0xFFFFFFFF;
	p2 =	slt.u32 s8, $0xFFFFF086  }
0x1c: {  	p1 =	slt.u32 s9, $0xF7A;
	s5 =	simm.s32 @!p2 $0x0  }
0x1d: {  	s5 =	simm.s32 @p1 $0x1;
	p0 =	seq.s32 s7, s2  }
0x1e: {  	s7 =	smul.u32 @!p0 $0xF7A, s2;
	p2 =	seq.s32 @!p0 s5, $0x0  }
0x1f: {  	s9 =	smul.u32 $0xF7A, s1;
	s8 =	simm.s32 @!p0 $0x1BF5;
	p2 =	por !p2, p0  }
0x20: {  	[sflag:s8] =	ssyncset.s32 @!p0 $0xFFFFF086;
	s6 =	sadd.s32 @!p0 s3, s7;
	s7 =	simm.s32 @!p0 $0x108  }
0x21: {  	s3 =	sadd.s32 s3, s9;
	s6 =	sadd.s32 @!p0 $0x88, s6;
	s7 =	simm.s32 @p2 $0x1082  }
0x22: {  	[simem:s7], [sflag:s8] =	dma.local @!p0 [hbm:s6], $0xF7A  }
0x23: {  	s9 =	sor.u32 $0xD0000000, s2;
	s6 =	simm.s32 $0x108;
	_ =	swait.ge @!p0 [sflag:s8], $0x0  }
0x24: {  	s3 =	sadd.s32 $0x88, s3;
	s6 =	simm.s32 @!p1 $0x1082;
	[sflag:s4] =	ssyncset.s32 $0xFFFFF086  }
0x25: {  	[simem:s6], [sflag:s4] =	dma.local [hbm:s3], $0xF7A  }
0x26: {  	[smem:$0x3F92] =	sst s1;
	(tag) =	ssettag s2;
	_ =	strace s9  }
0x27: {  	s1 =	sld [smem:$0x3FA2]  }
0x28: {  	s2 =	sld [smem:$0x3FA3]  }
0x29: {  	s4 =	sld [smem:$0x3FA5]  }
0x2a: {  	p0 =	seq.s32 s5, $0x0;
	s5 =	sld [smem:$0x3FA6]  }
0x2b: {  	s6 =	sld [smem:$0x3FA7]  }
0x2c: {  	s7 =	sld [smem:$0x3FA8]  }
0x2d: {  	s3 =	simm.s32 $0x108;
	s8 =	sld [smem:$0x3FA9]  }
0x2e: {  	s3 =	simm.s32 @!p0 $0x1082;
	s9 =	sld [smem:$0x3FAA]  }
0x2f: {  	lr =	sadd.s32 s0, s3;
	s0 =	sld [smem:$0x3FA1]  }
0x30: {  	s3 =	sld [smem:$0x3FA4]  }
0x31: {  	[smem:$0x3FAD] =	sst s10  }
0x32: {  	s10 =	sld [smem:$0x3FAB];
	_ =	sdelay $0x3  }
0x33: {  	p0 =	seq.s32 s10, $0x1;
	s10 =	sld [smem:$0x3FAD];
	_ =	sdelay $0x3  }
0x34: {  	[smem:$0x3FAD] =	sst s10  }
0x35: {  	s10 =	sld [smem:$0x3FAC];
	_ =	sdelay $0x3  }
0x36: {  	p1 =	seq.s32 s10, $0x1;
	s10 =	sld [smem:$0x3FAD];
	_ =	sdelay $0x3  }
0x37: {  	[smem:$0x3FAD] =	sst s10  }
0x38: {  	s10 =	sld [smem:$0x3FAE]  }
0x39: {  	_ = 	snop;
	(pc) =	sbr.ind lr, $3  }
0x3a: {  	_ = 	snop  }
0x3b: {  	_ = 	snop  }
0x3c: {  	p2 =	seq.s32 s10, $0x1;
	s10 =	sld [smem:$0x3FAD]  }
0x3d: {  	_ =	shalt  }
0x3e: {  	_ =	shalt  }
0x3f: {  	_ =	shalt  }
0x40: {  	_ =	shalt  }
0x41: {  	_ =	shalt  }
0x42: {  	_ =	shalt  }
0x43: {  	_ =	shalt  }
0x44: {  	_ =	shalt  }
0x45: {  	_ =	shalt  }
0x46: {  	_ =	shalt  }
0x47: {  	_ =	shalt  }
0x48: {  	_ =	shalt  }
0x49: {  	_ =	shalt  }
0x4a: {  	_ =	shalt  }
0x4b: {  	_ =	shalt  }
0x4c: {  	_ =	shalt  }
0x4d: {  	_ =	shalt  }
0x4e: {  	_ =	shalt  }
0x4f: {  	_ =	shalt  }
0x50: {  	_ =	shalt  }
0x51: {  	_ =	shalt  }
0x52: {  	_ =	shalt  }
0x53: {  	_ =	shalt  }
0x54: {  	_ =	shalt  }
0x55: {  	_ =	shalt  }
0x56: {  	_ =	shalt  }
0x57: {  	_ =	shalt  }
0x58: {  	_ =	shalt  }
0x59: {  	_ =	shalt  }
0x5a: {  	_ =	shalt  }
0x5b: {  	_ =	shalt  }
0x5c: {  	_ =	shalt  }
0x5d: {  	_ =	shalt  }
0x5e: {  	_ =	shalt  }
0x5f: {  	_ =	shalt  }
0x60: {  	_ =	shalt  }
0x61: {  	_ =	shalt  }
0x62: {  	_ =	shalt  }
0x63: {  	_ =	shalt  }
0x64: {  	_ =	shalt  }
0x65: {  	_ =	shalt  }
0x66: {  	_ =	shalt  }
0x67: {  	_ =	shalt  }
0x68: {  	_ =	shalt  }
0x69: {  	_ =	shalt  }
0x6a: {  	_ =	shalt  }
0x6b: {  	_ =	shalt  }
0x6c: {  	_ =	shalt  }
0x6d: {  	_ =	shalt  }
0x6e: {  	_ =	shalt  }
0x6f: {  	_ =	shalt  }
0x70: {  	_ =	shalt  }
0x71: {  	_ =	shalt  }
0x72: {  	_ =	shalt  }
0x73: {  	_ =	shalt  }
0x74: {  	_ =	shalt  }
0x75: {  	_ =	shalt  }
0x76: {  	_ =	shalt  }
0x77: {  	_ =	shalt  }
0x78: {  	_ =	shalt  }
0x79: {  	_ =	shalt  }
0x7a: {  	_ =	shalt  }
0x7b: {  	_ =	shalt  }
0x7c: {  	_ =	shalt  }
0x7d: {  	_ =	shalt  }
0x7e: {  	_ =	shalt  }
0x7f: {  	_ =	shalt  }
0x80: {  	_ =	shalt  }
0x81: {  	_ =	shalt  }
0x82: {  	_ =	shalt  }
0x83: {  	_ =	shalt  }
0x84: {  	_ =	shalt  }
0x85: {  	_ =	shalt  }
0x86: {  	_ =	shalt  }
0x87: {  	_ =	shalt  }
.Lfunc_end0:
.L_simem_size_0:
called_computation_lowered:
.L_overlay_start_0:
0x88: {  	s2 =	sld [smem:$0x3FD9]  }
0x89: {  	s3 =	sld [smem:$0x3FFE];
	_ =	sdelay $0x1  }
0x8a: {  	s1 =	srdreg.scid  }
0x8b: {  	s0 =	sand.u32 $0x1, s1  }
0x8c: {  	s17 =	sshll.u32 s0, $0xA;
	s2 =	sadd.s32 s3, s2  }
0x8d: {  	s2 =	sadd.s32 s2, s17  }
0x8e: {  	[smem:$0x3FB9] =	sst s2  }
0x8f: {  	_ = 	snop  }
0x90: {  	s2 =	sld [smem:$0x3FD0];
	(tm) =	ssettm $0x1  }
0x91: {  	s18 =	sld [smem:$0x3FFB];
	_ =	sdelay $0x3  }
0x92: {  	_ =	strace s18  }
0x93: {  	s3 =	sld [smem:$0x3FFC];
	_ =	sdelay $0x3  }
0x94: {  	_ =	strace s3  }
0x95: {  	s3 =	sld [smem:$0x3FFD];
	_ =	sdelay $0x3  }
0x96: {  	_ =	strace s3  }
0x97: {  	_ =	strace $0x8FFFFFFF  }
0x98: {  	s19 =	sld [smem:$0x3FDB];
	_ =	sdelay $0x1  }
0x99: {  	s4 =	simm.s32 $_scs_section_size  }
0x9a: {  	s5 =	simm.s32 $_size__tile_overlayer_lowered;
	s6 =	simm.s32 $_tile_overlayer_lowered  }
0x9b: {  	s22 =	simm.s32 $0x1BFF;
	s21 =	sshll.u32 s6, $0x1;
	s3 =	sadd.s32 s4, s19  }
0x9c: {  	s7 =	simm.s32 $0x0;
	s20 =	sshll.u32 s5, $0x1;
	s5 =	sadd.s32 s21, s3  }
0x9d: {  	[timem:s7], [sflag:s22] =	dma.local [hbm:s5], s20  }
0x9e: {  	_ =	swait.ge [sflag:s22], s20  }
0x9f: {  	s4 =	ssub.s32 $0x0, s20;
	[sflag:s22] =	ssyncset.done $0x0  }
0xa0: {  	[sflag:s22] =	ssyncadd.s32 s4;
	_ =	sdelay $0x1  }
0xa1: {  	s23 =	simm.s32 $0x1B8B  }
0xa2: {  	_ =	swait.ge [sflag:s23], $0x1  }
0xa3: {  	[sflag:s23] =	ssyncset.done $0x0  }
0xa4: {  	s25 =	simm.s32 $0x1B8E;
	s24 =	sld [smem:$0x3FFE];
	[sflag:s23] =	ssyncadd.s32 $0xFFFFFFFF  }
0xa5: {  	s26 =	simm.s32 $execute0_lowered;
	[smem:$0x3FD2] =	sst s25  }
0xa6: {  	s5 =	sshll.u32 s26, $0x1;
	_ =	strace $0x80000046;
	[dreg:$0x1] =	wrdreg $0xFFFFFFFF  }
0xa7: {  	s28 =	simm.s32 $_size_execute0_lowered;
	s3 =	sadd.s32 s3, s5;
	[dreg:$0x0] =	wrdreg $0x0  }
0xa8: {  	s5 =	sshll.u32 s28, $0x1;
	[dreg:$0x2] =	wrdreg s3  }
0xa9: {  	[dreg:$0x3] =	wrdreg s5  }
0xaa: {  	[dreg:$0x4] =	wrdreg $0xC0  }
0xab: {  	_ =	task [dreg:s7], $0x5FFFF  }
0xac: {  	[dreg:$0x1] =	wrdreg $0xFFFFFFFF  }
0xad: {  	[dreg:$0x0] =	wrdreg $0x60  }
0xae: {  	[dreg:$0x2] =	wrdreg s2  }
0xaf: {  	[dreg:$0x3] =	wrdreg s24  }
0xb0: {  	[dreg:$0x4] =	wrdreg $0xA8000  }
0xb1: {  	[dreg:$0x5] =	wrdreg $0x9  }
0xb2: {  	_ =	task.clear_ibuf [dreg:s7], $0x6FFFF;
	_ =	strace $0x90000046  }
0xb3: {  	s29 =	simm.s32 $0x9;
	_ =	strace $0x80000048  }
0xb4: {  	_ =	swait.ge [sflag:s29], $0x1  }
0xb5: {  	[sflag:s29] =	ssyncadd.s32 $0xFFFFFFFF  }
0xb6: {  	_ =	strace $0x90000048  }
0xb7: {  	_ =	sfence  }
0xb8: {  	s30 =	sld [smem:$0x0];
	_ =	sdelay $0x2  }
0xb9: {  	s31 =	sshll.u32 s1, $0xD;
	s1 =	sshrl.u32 s1, $0x2  }
0xba: {  	s3 =	sand.u32 $0x4000, s31;
	s1 =	sadd.s32 s1, s30  }
0xbb: {  	s0 =	sor.u32 s3, s0;
	s1 =	sshll.u32 s1, $0x11  }
0xbc: {  	s0 =	sor.u32 s1, s0  }
0xbd: {  	s0 =	sadd.s32 $0x8F2B, s0  }
0xbe: {  	[sflag:s0] =	ssyncadd.remote.s32 $0x1  }
0xbf: {  	_ =	sfence.sel $0xFFFF  }
0xc0: {  	[dreg:$0x0] =	wrdreg $0xFFFFFFFF;
	(pc) =	sbr.abs _section_cstart, $3  }
0xc1: {  	[dreg:$0x1] =	wrdreg $0xFFFFFFFF  }
0xc2: {  	_ =	task.clear_ibuf [dreg:s7], $0x2FFFF;
	_ =	strace $0x9FFFFFFF  }
0xc3: {  	(tm) =	ssettm $0x7FFFFFFF  }
tec
execute0_lowered:
.L_overlay_start_1:
0x0: {  	(tag) =	ssettag $0x1  }
0x1: {  	s1 =	rddreg [dreg:$0x0]  }
0x2: {  	s5 =	rddreg [dreg:$0x1]  }
0x3: {  	s2 =	rddreg [dreg:$0x2]  }
0x4: {  	s3 =	srdreg.scid;
	s0 =	rddreg [dreg:$0x3]  }
0x5: {  	s4 =	simm.s32 $0x0;
	s17 =	simm.s32 $0x1400;
	s18 =	simm.s32 $0x80  }
0x6: {  	s19 =	simm.s32 $0x2800;
	s20 =	simm.s32 $0x6800;
	s21 =	simm.s32 $0x4  }
0x7: {  	s22 =	simm.s32 $0x0;
	s6 =	sand.u32 $0x1, s3;
	s3 =	stileid.u32  }
0x8: {  	[smem:$0x7FF] =	sst s4;
	s12 =	sadd.s32 $0x3400, s5;
	s7 =	smul.u32 $0x13C000, s6  }
0x9: {  	s13 =	sadd.s32 $0xD400, s5;
	s8 =	smul.u32 $0x13C00, s3;
	_ =	strace $0x80000047  }
0xa: {  	s29 =	sshll.u32 s6, $0x4;
	s9 =	smul.u32 $0x4F000, s3;
	s30 =	ssub.s32 $0x2, s6  }
0xb: {  	s6 =	sshrl.u32 s30, $0x1;
	s7 =	sadd.s32 s8, s7;
	s8 =	sor.u32 s3, s29  }
0xc: {  	s9 =	sshrl.u32 s9, $0x2;
	s15 =	ssub.s32 s30, s6;
	s31 =	smul.u32 $0x500, s8  }
0xd: {  	s7 =	sshrl.u32 s7, $0x3;
	s10 =	smul.u32 $0x2800, s8;
	s6 =	sadd.s32 s9, s2  }
.Ltmp0:
0xe: {  	s15 =	smax.u32 s15, $0x1;
	s14 =	sadd.s32 s7, s5;
	(pc) =	sbr.rel .LBB2_1-.Ltmp0, $4  }
0xf: {  	s8 =	sadd.s32 $0x4000, s6;
	s9 =	sadd.s32 $0x8000, s6;
	s5 =	sadd.s32 s12, s31  }
0x10: {  	s7 =	sadd.s32 s13, s31;
	s11 =	sshrl.u32 s10, $0x3;
	s10 =	sadd.s32 $0xC000, s6  }
0x11: {  	s14 =	sadd.s32 $0x17400, s14;
	s16 =	sadd.s32 $0x280, s11;
	s11 =	sadd.s32 $0x10000, s6  }
0x12: {  	v0 =	vimm.f32 $0.0e+00;
	s12 =	sadd.s32 s12, s16;
	s13 =	sadd.s32 s13, s16;
	s16 =	simm.s32 $0x5  }
.LBB2_11:
0x13: {  	_ =	swait.ge [sflag:s21], $0x4000  }
0x14: {  	s23 =	sshll.u32 s3, $0x6;
	s22 =	sadd.s32 $0x1, s22;
	[sflag:s21] =	ssyncset.done $0x0  }
0x15: {  	s24 =	sshrl.u32 s6, $0x3;
	p0 =	sne.s32 s22, s15;
	[sflag:s21] =	ssyncadd.s32 $0xFFFFC000  }
.Ltmp1:
0x16: {  	s23 =	sor.u32 $0x1C05, s23;
	[bflag:$0x0] =	sbarrier.arrive $0xFFFF;
	(pc) =	sbr.rel @!p0 .LBB2_12-.Ltmp1, $4  }
0x17: {  	[hbm:s14], [sflag:s23] =	dma.local [spmem:s24], $0x2780  }
0x18: {  	_ =	swait.ge [sflag:s16], $0x2780  }
0x19: {  	[sflag:s16] =	ssyncset.done $0x0  }
0x1a: {  	[sflag:s16] =	ssyncadd.s32 $0xFFFFD880  }
.LBB2_1:
0x1b: {  	[tilespmem:s4], [sflag:$0x5] =	stream.linear.gather [hbm4b:s5+s4], $0x1400, $0x38;
	[tilespmem:$0x1E400] =	vst v63  }
0x1c: {  	_ =	swait.ge [sflag:s16], $0x1400  }
0x1d: {  	[sflag:s16] =	ssyncset.done $0x0  }
0x1e: {  	[sflag:s16] =	ssyncadd.s32 $0xFFFFEC00  }
0x1f: {  	[tilespmem:s17], [sflag:$0x5] =	stream.linear.gather [hbm4b:s7+s4], $0x1400, $0x38;
	[tilespmem:$0x1E400] =	vst v63  }
0x20: {  	_ =	swait.ge [sflag:s16], $0x1400  }
0x21: {  	[sflag:s16] =	ssyncset.done $0x0  }
0x22: {  	s23 =	simm.s32 $0x0;
	s24 =	simm.s32 $0x200;
	[sflag:s16] =	ssyncadd.s32 $0xFFFFEC00  }
0x23: {  	[tilespmem:s19], [sflag:$0x1] =	stream.indirect.gather [hbm4b:s1+s18], $0x80, s4, s18, $0xb8;
	[tilespmem:$0x1E400] =	vst v63  }
.LBB2_2:
0x24: {  	p0 =	sne.s32 s24, $0xFE00;
	[tilespmem:s23+$0x6870] =	vst v0  }
0x25: {  	[tilespmem:s23+$0x6800] =	vst v0  }
0x26: {  	[tilespmem:s23+$0x6810] =	vst v0  }
.Ltmp2:
0x27: {  	[tilespmem:s23+$0x6820] =	vst v0;
	(pc) =	sbr.rel @p0 .LBB2_2-.Ltmp2, $4  }
0x28: {  	[tilespmem:s23+$0x6830] =	vst v0  }
0x29: {  	[tilespmem:s23+$0x6840] =	vst v0  }
0x2a: {  	[tilespmem:s23+$0x6850] =	vst v0  }
0x2b: {  	[tilespmem:s23+$0x6860] =	vst v0;
	s23 =	sshra.s32 s24, $0x2;
	s24 =	sadd.s32 $0x200, s24  }
0x2c: {  	[tilespmem:s23+$0x6870] =	vst v0  }
0x2d: {  	[tilespmem:s23+$0x6800] =	vst v0  }
0x2e: {  	[tilespmem:s23+$0x6810] =	vst v0  }
0x2f: {  	[tilespmem:s23+$0x6820] =	vst v0  }
0x30: {  	[tilespmem:s23+$0x6830] =	vst v0  }
0x31: {  	[tilespmem:s23+$0x6840] =	vst v0  }
0x32: {  	[tilespmem:s23+$0x6850] =	vst v0  }
0x33: {  	[tilespmem:s23+$0x6860] =	vst v0  }
0x34: {  	[spmem:s6] =	stream.linear.scatter [tilespmem:s20], [sflag:$0x5], $0x4000, $0x38;
	[tilespmem:$0x1E400] =	vst v63  }
0x35: {  	_ =	swait.ge [sflag:s16], $0x4000  }
0x36: {  	[sflag:s16] =	ssyncset.done $0x0  }
0x37: {  	[sflag:s16] =	ssyncadd.s32 $0xFFFFC000  }
0x38: {  	[spmem:s8] =	stream.linear.scatter [tilespmem:s20], [sflag:$0x5], $0x4000, $0x38;
	[tilespmem:$0x1E400] =	vst v63  }
0x39: {  	_ =	swait.ge [sflag:s16], $0x4000  }
0x3a: {  	[sflag:s16] =	ssyncset.done $0x0  }
0x3b: {  	[sflag:s16] =	ssyncadd.s32 $0xFFFFC000  }
0x3c: {  	[spmem:s9] =	stream.linear.scatter [tilespmem:s20], [sflag:$0x5], $0x4000, $0x38;
	[tilespmem:$0x1E400] =	vst v63  }
0x3d: {  	_ =	swait.ge [sflag:s16], $0x4000  }
0x3e: {  	[sflag:s16] =	ssyncset.done $0x0  }
0x3f: {  	[sflag:s16] =	ssyncadd.s32 $0xFFFFC000  }
0x40: {  	[spmem:s10] =	stream.linear.scatter [tilespmem:s20], [sflag:$0x5], $0x4000, $0x38;
	[tilespmem:$0x1E400] =	vst v63  }
0x41: {  	_ =	swait.ge [sflag:s16], $0x4000  }
0x42: {  	[sflag:s16] =	ssyncset.done $0x0  }
0x43: {  	[sflag:s16] =	ssyncadd.s32 $0xFFFFC000  }
0x44: {  	[spmem:s11] =	stream.linear.scatter [tilespmem:s20], [sflag:$0x5], $0x3C00, $0x38;
	[tilespmem:$0x1E400] =	vst v63  }
.Ltmp3:
0x45: {  	_ =	swait.ge [sflag:s16], $0x3C00;
	(pc) =	sbr.rel .LBB2_4-.Ltmp3, $4  }
0x46: {  	[sflag:s16] =	ssyncset.done $0x0  }
0x47: {  	[sflag:s16] =	ssyncadd.s32 $0xFFFFC400  }
0x48: {  	[bflag:$0x0] =	sbarrier.arrive $0xFFFF  }
0x49: {  	s24 =	simm.s32 $0x0  }
.LBB2_6:
0x4a: {  	s26 =	sadd.s32 $0x1, s23;
	s28 =	sshll.u32 s23, $0xE;
	p0 =	slt.u32 s25, $0x28  }
.Ltmp4:
0x4b: {  	s24 =	sshll.u32 s24, $0x7;
	_ =	swait.ge [sflag:s26], $0x4000;
	(pc) =	sbr.rel @!p0 .LBB2_7-.Ltmp4, $4  }
0x4c: {  	s31 =	sadd.s32 $0x3, s23;
	s24 =	sand.u32 $0x3FFFFF80, s24;
	[sflag:s26] =	ssyncset.done $0x0  }
0x4d: {  	s28 =	sor.u32 $0x2800, s28;
	s24 =	sadd.s32 $0x1400, s24;
	[sflag:s26] =	ssyncadd.s32 $0xFFFFC000  }
0x4e: {  	[spmem:s2] =	stream.indirect.scatter.add.f32 [tilespmem:s28], [sflag:s31], $0x80, s24, s18, $0xb8;
	[tilespmem:$0x1E400] =	vst v63  }
0x4f: {  	s24 =	smov.u32 s25  }
.LBB2_4:
0x50: {  	p0 =	seq.s32 s24, $0x0  }
0x51: {  	p1 =	seq.s32 @!p0 s24, $0x27  }
0x52: {  	s23 =	sand.u32 $0x1, s24;
	p1 =	por p0, !p1  }
.Ltmp5:
0x53: {  	s26 =	sxor.u32 $0x1, s23;
	(pc) =	sbr.rel @!p1 .LBB2_6-.Ltmp5, $4  }
0x54: {  	s25 =	sadd.s32 @!p0 $0x3, s26  }
0x55: {  	_ =	swait.ge @!p0 [sflag:s25], $0x4000  }
0x56: {  	[sflag:s25] =	ssyncset.done @!p0 $0x0  }
0x57: {  	[sflag:s25] =	ssyncadd.s32 @!p0 $0xFFFFC000;
	s25 =	simm.s32 @!p0 $0x28  }
.Ltmp6:
0x58: {  	s25 =	sadd.s32 @!p0 $0x1, s24;
	(pc) =	sbr.rel .LBB2_6-.Ltmp6, $4  }
0x59: {  	s25 =	simm.s32 @p0 $0x1  }
0x5a: {  	s28 =	sshll.u32 s26, $0xE;
	s29 =	sshll.u32 s25, $0x7  }
0x5b: {  	s31 =	sadd.s32 $0x1, s26;
	s28 =	sor.u32 $0x2800, s28;
	s29 =	sand.u32 $0x3FFFFF80, s29  }
0x5c: {  	[tilespmem:s28], [sflag:s31] =	stream.indirect.gather [hbm4b:s1+s18], $0x80, s29, s18, $0xb8;
	[tilespmem:$0x1E400] =	vst v63  }
.LBB2_7:
0x5d: {  	_ =	swait.ge [sflag:s21], $0x4000  }
0x5e: {  	[sflag:s21] =	ssyncset.done $0x0  }
0x5f: {  	s23 =	simm.s32 $0x0;
	[sflag:s21] =	ssyncadd.s32 $0xFFFFC000  }
0x60: {  	[tilespmem:s23], [sflag:$0x5] =	stream.linear.gather [hbm4b:s12+s23], $0x1400, $0x38;
	[tilespmem:$0x1E400] =	vst v63  }
0x61: {  	_ =	swait.ge [sflag:s16], $0x1400  }
0x62: {  	[sflag:s16] =	ssyncset.done $0x0  }
0x63: {  	[sflag:s16] =	ssyncadd.s32 $0xFFFFEC00  }
0x64: {  	[tilespmem:s17], [sflag:$0x5] =	stream.linear.gather [hbm4b:s13+s23], $0x1400, $0x38;
	[tilespmem:$0x1E400] =	vst v63  }
.Ltmp7:
0x65: {  	_ = 	snop;
	(pc) =	sbr.rel .LBB2_8-.Ltmp7, $4  }
0x66: {  	_ =	swait.ge [sflag:s16], $0x1400  }
0x67: {  	[sflag:s16] =	ssyncset.done $0x0  }
0x68: {  	[sflag:s16] =	ssyncadd.s32 $0xFFFFEC00  }
0x69: {  	[tilespmem:s19], [sflag:$0x1] =	stream.indirect.gather [hbm4b:s1+s18], $0x80, s23, s18, $0xb8;
	[tilespmem:$0x1E400] =	vst v63  }
.LBB2_10:
0x6a: {  	s26 =	sadd.s32 $0x1, s24;
	s28 =	sshll.u32 s24, $0xE;
	p0 =	slt.u32 s25, $0x28  }
.Ltmp8:
0x6b: {  	s23 =	sshll.u32 s23, $0x7;
	_ =	swait.ge [sflag:s26], $0x4000;
	(pc) =	sbr.rel @!p0 .LBB2_11-.Ltmp8, $4  }
0x6c: {  	s31 =	sadd.s32 $0x3, s24;
	s23 =	sand.u32 $0x3FFFFF80, s23;
	[sflag:s26] =	ssyncset.done $0x0  }
0x6d: {  	s28 =	sor.u32 $0x2800, s28;
	s23 =	sadd.s32 $0x1400, s23;
	[sflag:s26] =	ssyncadd.s32 $0xFFFFC000  }
0x6e: {  	[spmem:s2] =	stream.indirect.scatter.add.f32 [tilespmem:s28], [sflag:s31], $0x80, s23, s18, $0xb8;
	[tilespmem:$0x1E400] =	vst v63  }
0x6f: {  	s23 =	smov.u32 s25  }
.LBB2_8:
0x70: {  	p0 =	seq.s32 s23, $0x0  }
0x71: {  	p1 =	seq.s32 @!p0 s23, $0x27  }
0x72: {  	s24 =	sand.u32 $0x1, s23;
	p1 =	por p0, !p1  }
.Ltmp9:
0x73: {  	s26 =	sxor.u32 $0x1, s24;
	(pc) =	sbr.rel @!p1 .LBB2_10-.Ltmp9, $4  }
0x74: {  	s25 =	sadd.s32 @!p0 $0x3, s26  }
0x75: {  	_ =	swait.ge @!p0 [sflag:s25], $0x4000  }
0x76: {  	[sflag:s25] =	ssyncset.done @!p0 $0x0  }
0x77: {  	[sflag:s25] =	ssyncadd.s32 @!p0 $0xFFFFC000;
	s25 =	simm.s32 @!p0 $0x28  }
.Ltmp10:
0x78: {  	s25 =	sadd.s32 @!p0 $0x1, s23;
	(pc) =	sbr.rel .LBB2_10-.Ltmp10, $4  }
0x79: {  	s25 =	simm.s32 @p0 $0x1  }
0x7a: {  	s28 =	sshll.u32 s26, $0xE;
	s29 =	sshll.u32 s25, $0x7  }
0x7b: {  	s31 =	sadd.s32 $0x1, s26;
	s28 =	sor.u32 $0x2800, s28;
	s29 =	sand.u32 $0x3FFFFF80, s29  }
0x7c: {  	[tilespmem:s28], [sflag:s31] =	stream.indirect.gather [hbm4b:s1+s18], $0x80, s29, s18, $0xb8;
	[tilespmem:$0x1E400] =	vst v63  }
.LBB2_12:
0x7d: {  	_ =	sfence.sel $0x180000  }
0x7e: {  	[bflag:$0x0] =	sbarrier.arrive $0xFFFF  }
0x7f: {  	p0 =	sne.s32 s3, $0x0;
	_ =	strace $0x90000047  }
0x80: {  	s0 =	sadd.s32 @!p0 $0x100000, s0;
	[bflag:$0x2] =	sbarrier.arrive $0xFFFF  }
0x81: {  	[sflag:s0] =	ssyncadd.tile.s32 @!p0 $0x1;
	_ =	shalt  }
.Lfunc_end2:
_tile_overlayer_lowered:
.L_overlay_start_2:
0x82: {  	(tag) =	ssettag $0x2  }
0x83: {  	s0 =	rddreg [dreg:$0x0];
	s2 =	stileid.u32  }
0x84: {  	s1 =	rddreg [dreg:$0x1];
	p0 =	sne.s32 s2, $0x0  }
0x85: {  	s3 =	rddreg [dreg:$0x2];
	[bflag:$0x3] =	sbarrier.arrive $0xFFFF;
	s2 =	simm.s32 @!p0 $0x1C05  }
0x86: {  	[timem:s3], [sflag:s2] =	dma.local @!p0 [hbm:s0], s1  }
0x87: {  	s0 =	simm.s32 @!p0 $0x5  }
0x88: {  	_ =	swait.ge @!p0 [sflag:s0], s1  }
0x89: {  	s1 =	ssub.s32 @!p0 $0x0, s1;
	[sflag:s0] =	ssyncset.done @!p0 $0x0  }
0x8a: {  	[sflag:s0] =	ssyncadd.s32 @!p0 s1  }
0x8b: {  	[bflag:$0x3] =	sbarrier.arrive $0xFFFF  }
0x8c: {  	_ =	shalt  }

// kernel: kernel.15.cloned.1.call-start
scs
__scs_entry_jumppad:
0x0: {  	(pc) =	sbr.rel $0x88, $3  }
0x1: {  	(tag) =	ssettag $0x0;
	lr =	simm.s32 $0x1  }
0x2: {  	[smem:$0x3F92] =	sst lr;
	_ =	strace $0xD0000000  }
0x3: {  	_ = 	snop  }
0x4: {  	_ = 	snop  }
0x5: {  	_ = 	snop  }
0x6: {  	_ = 	snop  }
0x7: {  	_ = 	snop  }
__scs_overlays_trampoline_lowered:
0x8: {  	[smem:$0x3FA1] =	sst s0  }
0x9: {  	[smem:$0x3FA2] =	sst s1  }
0xa: {  	[smem:$0x3FA3] =	sst s2  }
0xb: {  	[smem:$0x3FA4] =	sst s3  }
0xc: {  	[smem:$0x3FA5] =	sst s4  }
0xd: {  	[smem:$0x3FA6] =	sst s5  }
0xe: {  	[smem:$0x3FA7] =	sst s6  }
0xf: {  	[smem:$0x3FA8] =	sst s7  }
0x10: {  	[smem:$0x3FA9] =	sst s8  }
0x11: {  	[smem:$0x3FAA] =	sst s9;
	s0 =	simm.s32 @!p0 $0x0  }
0x12: {  	s1 =	sld [smem:$0x3F90];
	s0 =	simm.s32 @p0 $0x1  }
0x13: {  	[smem:$0x3FAB] =	sst s0;
	s0 =	simm.s32 @!p1 $0x0  }
0x14: {  	s2 =	sld [smem:$0x3F8F];
	s0 =	simm.s32 @p1 $0x1  }
0x15: {  	[smem:$0x3FAC] =	sst s0;
	s0 =	simm.s32 @!p2 $0x0  }
0x16: {  	s3 =	sld [smem:$0x3FDB];
	s0 =	simm.s32 @p2 $0x1  }
0x17: {  	s4 =	simm.s32 $0x1BF5;
	[smem:$0x3FAE] =	sst s0  }
0x18: {  	s0 =	sld [smem:$0x3F91];
	_ =	swait.ge [sflag:s4], $0x0  }
0x19: {  	s7 =	sld [smem:$0x3F92]  }
0x1a: {  	s8 =	sadd.s32 $0xFFFFE003, lr  }
0x1b: {  	s9 =	sadd.s32 $0xFFFFFEF7, lr;
	s5 =	simm.s32 $0xFFFFFFFF;
	p2 =	slt.u32 s8, $0xFFFFF086  }
0x1c: {  	p1 =	slt.u32 s9, $0xF7A;
	s5 =	simm.s32 @!p2 $0x0  }
0x1d: {  	s5 =	simm.s32 @p1 $0x1;
	p0 =	seq.s32 s7, s2  }
0x1e: {  	s7 =	smul.u32 @!p0 $0xF7A, s2;
	p2 =	seq.s32 @!p0 s5, $0x0  }
0x1f: {  	s9 =	smul.u32 $0xF7A, s1;
	s8 =	simm.s32 @!p0 $0x1BF5;
	p2 =	por !p2, p0  }
0x20: {  	[sflag:s8] =	ssyncset.s32 @!p0 $0xFFFFF086;
	s6 =	sadd.s32 @!p0 s3, s7;
	s7 =	simm.s32 @!p0 $0x108  }
0x21: {  	s3 =	sadd.s32 s3, s9;
	s6 =	sadd.s32 @!p0 $0x88, s6;
	s7 =	simm.s32 @p2 $0x1082  }
0x22: {  	[simem:s7], [sflag:s8] =	dma.local @!p0 [hbm:s6], $0xF7A  }
0x23: {  	s9 =	sor.u32 $0xD0000000, s2;
	s6 =	simm.s32 $0x108;
	_ =	swait.ge @!p0 [sflag:s8], $0x0  }
0x24: {  	s3 =	sadd.s32 $0x88, s3;
	s6 =	simm.s32 @!p1 $0x1082;
	[sflag:s4] =	ssyncset.s32 $0xFFFFF086  }
0x25: {  	[simem:s6], [sflag:s4] =	dma.local [hbm:s3], $0xF7A  }
0x26: {  	[smem:$0x3F92] =	sst s1;
	(tag) =	ssettag s2;
	_ =	strace s9  }
0x27: {  	s1 =	sld [smem:$0x3FA2]  }
0x28: {  	s2 =	sld [smem:$0x3FA3]  }
0x29: {  	s4 =	sld [smem:$0x3FA5]  }
0x2a: {  	p0 =	seq.s32 s5, $0x0;
	s5 =	sld [smem:$0x3FA6]  }
0x2b: {  	s6 =	sld [smem:$0x3FA7]  }
0x2c: {  	s7 =	sld [smem:$0x3FA8]  }
0x2d: {  	s3 =	simm.s32 $0x108;
	s8 =	sld [smem:$0x3FA9]  }
0x2e: {  	s3 =	simm.s32 @!p0 $0x1082;
	s9 =	sld [smem:$0x3FAA]  }
0x2f: {  	lr =	sadd.s32 s0, s3;
	s0 =	sld [smem:$0x3FA1]  }
0x30: {  	s3 =	sld [smem:$0x3FA4]  }
0x31: {  	[smem:$0x3FAD] =	sst s10  }
0x32: {  	s10 =	sld [smem:$0x3FAB];
	_ =	sdelay $0x3  }
0x33: {  	p0 =	seq.s32 s10, $0x1;
	s10 =	sld [smem:$0x3FAD];
	_ =	sdelay $0x3  }
0x34: {  	[smem:$0x3FAD] =	sst s10  }
0x35: {  	s10 =	sld [smem:$0x3FAC];
	_ =	sdelay $0x3  }
0x36: {  	p1 =	seq.s32 s10, $0x1;
	s10 =	sld [smem:$0x3FAD];
	_ =	sdelay $0x3  }
0x37: {  	[smem:$0x3FAD] =	sst s10  }
0x38: {  	s10 =	sld [smem:$0x3FAE]  }
0x39: {  	_ = 	snop;
	(pc) =	sbr.ind lr, $3  }
0x3a: {  	_ = 	snop  }
0x3b: {  	_ = 	snop  }
0x3c: {  	p2 =	seq.s32 s10, $0x1;
	s10 =	sld [smem:$0x3FAD]  }
0x3d: {  	_ =	shalt  }
0x3e: {  	_ =	shalt  }
0x3f: {  	_ =	shalt  }
0x40: {  	_ =	shalt  }
0x41: {  	_ =	shalt  }
0x42: {  	_ =	shalt  }
0x43: {  	_ =	shalt  }
0x44: {  	_ =	shalt  }
0x45: {  	_ =	shalt  }
0x46: {  	_ =	shalt  }
0x47: {  	_ =	shalt  }
0x48: {  	_ =	shalt  }
0x49: {  	_ =	shalt  }
0x4a: {  	_ =	shalt  }
0x4b: {  	_ =	shalt  }
0x4c: {  	_ =	shalt  }
0x4d: {  	_ =	shalt  }
0x4e: {  	_ =	shalt  }
0x4f: {  	_ =	shalt  }
0x50: {  	_ =	shalt  }
0x51: {  	_ =	shalt  }
0x52: {  	_ =	shalt  }
0x53: {  	_ =	shalt  }
0x54: {  	_ =	shalt  }
0x55: {  	_ =	shalt  }
0x56: {  	_ =	shalt  }
0x57: {  	_ =	shalt  }
0x58: {  	_ =	shalt  }
0x59: {  	_ =	shalt  }
0x5a: {  	_ =	shalt  }
0x5b: {  	_ =	shalt  }
0x5c: {  	_ =	shalt  }
0x5d: {  	_ =	shalt  }
0x5e: {  	_ =	shalt  }
0x5f: {  	_ =	shalt  }
0x60: {  	_ =	shalt  }
0x61: {  	_ =	shalt  }
0x62: {  	_ =	shalt  }
0x63: {  	_ =	shalt  }
0x64: {  	_ =	shalt  }
0x65: {  	_ =	shalt  }
0x66: {  	_ =	shalt  }
0x67: {  	_ =	shalt  }
0x68: {  	_ =	shalt  }
0x69: {  	_ =	shalt  }
0x6a: {  	_ =	shalt  }
0x6b: {  	_ =	shalt  }
0x6c: {  	_ =	shalt  }
0x6d: {  	_ =	shalt  }
0x6e: {  	_ =	shalt  }
0x6f: {  	_ =	shalt  }
0x70: {  	_ =	shalt  }
0x71: {  	_ =	shalt  }
0x72: {  	_ =	shalt  }
0x73: {  	_ =	shalt  }
0x74: {  	_ =	shalt  }
0x75: {  	_ =	shalt  }
0x76: {  	_ =	shalt  }
0x77: {  	_ =	shalt  }
0x78: {  	_ =	shalt  }
0x79: {  	_ =	shalt  }
0x7a: {  	_ =	shalt  }
0x7b: {  	_ =	shalt  }
0x7c: {  	_ =	shalt  }
0x7d: {  	_ =	shalt  }
0x7e: {  	_ =	shalt  }
0x7f: {  	_ =	shalt  }
0x80: {  	_ =	shalt  }
0x81: {  	_ =	shalt  }
0x82: {  	_ =	shalt  }
0x83: {  	_ =	shalt  }
0x84: {  	_ =	shalt  }
0x85: {  	_ =	shalt  }
0x86: {  	_ =	shalt  }
0x87: {  	_ =	shalt  }
.Lfunc_end0:
.L_simem_size_0:
called_computation.1_lowered:
.L_overlay_start_0:
0x88: {  	s2 =	sld [smem:$0x3FD9]  }
0x89: {  	s3 =	sld [smem:$0x3FFE];
	_ =	sdelay $0x1  }
0x8a: {  	s1 =	srdreg.scid  }
0x8b: {  	s0 =	sand.u32 $0x1, s1  }
0x8c: {  	s17 =	sshll.u32 s0, $0xA;
	s2 =	sadd.s32 s3, s2  }
0x8d: {  	s2 =	sadd.s32 s2, s17  }
0x8e: {  	[smem:$0x3FB9] =	sst s2  }
0x8f: {  	_ = 	snop  }
0x90: {  	s2 =	sld [smem:$0x3FD0];
	(tm) =	ssettm $0x1  }
0x91: {  	s18 =	sld [smem:$0x3FFB];
	_ =	sdelay $0x3  }
0x92: {  	_ =	strace s18  }
0x93: {  	s3 =	sld [smem:$0x3FFC];
	_ =	sdelay $0x3  }
0x94: {  	_ =	strace s3  }
0x95: {  	s3 =	sld [smem:$0x3FFD];
	_ =	sdelay $0x3  }
0x96: {  	_ =	strace s3  }
0x97: {  	_ =	strace $0x8FFFFFFF  }
0x98: {  	s19 =	sld [smem:$0x3FDB];
	_ =	sdelay $0x1  }
0x99: {  	s4 =	simm.s32 $_scs_section_size  }
0x9a: {  	s5 =	simm.s32 $_size__tile_overlayer_lowered;
	s6 =	simm.s32 $_tile_overlayer_lowered  }
0x9b: {  	s22 =	simm.s32 $0x1BFF;
	s21 =	sshll.u32 s6, $0x1;
	s3 =	sadd.s32 s4, s19  }
0x9c: {  	s7 =	simm.s32 $0x0;
	s20 =	sshll.u32 s5, $0x1;
	s5 =	sadd.s32 s21, s3  }
0x9d: {  	[timem:s7], [sflag:s22] =	dma.local [hbm:s5], s20  }
0x9e: {  	_ =	swait.ge [sflag:s22], s20  }
0x9f: {  	s4 =	ssub.s32 $0x0, s20;
	[sflag:s22] =	ssyncset.done $0x0  }
0xa0: {  	[sflag:s22] =	ssyncadd.s32 s4;
	_ =	sdelay $0x1  }
0xa1: {  	s23 =	simm.s32 $0x1B8B  }
0xa2: {  	_ =	swait.ge [sflag:s23], $0x1  }
0xa3: {  	[sflag:s23] =	ssyncset.done $0x0  }
0xa4: {  	s25 =	simm.s32 $0x1B8E;
	s24 =	sld [smem:$0x3FFE];
	[sflag:s23] =	ssyncadd.s32 $0xFFFFFFFF  }
0xa5: {  	s26 =	simm.s32 $execute0_lowered;
	[smem:$0x3FD2] =	sst s25  }
0xa6: {  	s5 =	sshll.u32 s26, $0x1;
	_ =	strace $0x80000049;
	[dreg:$0x1] =	wrdreg $0xFFFFFFFF  }
0xa7: {  	s28 =	simm.s32 $_size_execute0_lowered;
	s3 =	sadd.s32 s3, s5;
	[dreg:$0x0] =	wrdreg $0x0  }
0xa8: {  	s5 =	sshll.u32 s28, $0x1;
	[dreg:$0x2] =	wrdreg s3  }
0xa9: {  	[dreg:$0x3] =	wrdreg s5  }
0xaa: {  	[dreg:$0x4] =	wrdreg $0xC0  }
0xab: {  	_ =	task [dreg:s7], $0x5FFFF  }
0xac: {  	[dreg:$0x1] =	wrdreg $0xFFFFFFFF  }
0xad: {  	[dreg:$0x0] =	wrdreg $0x60  }
0xae: {  	[dreg:$0x2] =	wrdreg s2  }
0xaf: {  	[dreg:$0x3] =	wrdreg s24  }
0xb0: {  	[dreg:$0x4] =	wrdreg $0xA8000  }
0xb1: {  	[dreg:$0x5] =	wrdreg $0x9  }
0xb2: {  	_ =	task.clear_ibuf [dreg:s7], $0x6FFFF;
	_ =	strace $0x90000049  }
0xb3: {  	s29 =	simm.s32 $0x9;
	_ =	strace $0x8000004B  }
0xb4: {  	_ =	swait.ge [sflag:s29], $0x1  }
0xb5: {  	[sflag:s29] =	ssyncadd.s32 $0xFFFFFFFF  }
0xb6: {  	_ =	strace $0x9000004B  }
0xb7: {  	_ =	sfence  }
0xb8: {  	s30 =	sld [smem:$0x0];
	_ =	sdelay $0x2  }
0xb9: {  	s31 =	sshll.u32 s1, $0xD;
	s1 =	sshrl.u32 s1, $0x2  }
0xba: {  	s3 =	sand.u32 $0x4000, s31;
	s1 =	sadd.s32 s1, s30  }
0xbb: {  	s0 =	sor.u32 s3, s0;
	s1 =	sshll.u32 s1, $0x11  }
0xbc: {  	s0 =	sor.u32 s1, s0  }
0xbd: {  	s0 =	sadd.s32 $0x8F2B, s0  }
0xbe: {  	[sflag:s0] =	ssyncadd.remote.s32 $0x1  }
0xbf: {  	_ =	sfence.sel $0xFFFF  }
0xc0: {  	[dreg:$0x0] =	wrdreg $0xFFFFFFFF;
	(pc) =	sbr.abs _section_cstart, $3  }
0xc1: {  	[dreg:$0x1] =	wrdreg $0xFFFFFFFF  }
0xc2: {  	_ =	task.clear_ibuf [dreg:s7], $0x2FFFF;
	_ =	strace $0x9FFFFFFF  }
0xc3: {  	(tm) =	ssettm $0x7FFFFFFF  }
tec
execute0_lowered:
.L_overlay_start_1:
0x0: {  	(tag) =	ssettag $0x1  }
0x1: {  	s1 =	rddreg [dreg:$0x0]  }
0x2: {  	s5 =	rddreg [dreg:$0x1]  }
0x3: {  	s2 =	rddreg [dreg:$0x2]  }
0x4: {  	s3 =	srdreg.scid;
	s0 =	rddreg [dreg:$0x3]  }
0x5: {  	s4 =	simm.s32 $0x0;
	s17 =	simm.s32 $0x1400;
	s18 =	simm.s32 $0x80  }
0x6: {  	s19 =	simm.s32 $0x2800;
	s20 =	simm.s32 $0x6800;
	s21 =	simm.s32 $0x4  }
0x7: {  	s22 =	simm.s32 $0x0;
	s6 =	sand.u32 $0x1, s3;
	s3 =	stileid.u32  }
0x8: {  	[smem:$0x7FF] =	sst s4;
	s12 =	sadd.s32 $0x3400, s5;
	s7 =	smul.u32 $0x13C000, s6  }
0x9: {  	s13 =	sadd.s32 $0xD400, s5;
	s8 =	smul.u32 $0x13C00, s3;
	_ =	strace $0x8000004A  }
0xa: {  	s29 =	sshll.u32 s6, $0x4;
	s9 =	smul.u32 $0x4F000, s3;
	s30 =	ssub.s32 $0x2, s6  }
0xb: {  	s6 =	sshrl.u32 s30, $0x1;
	s7 =	sadd.s32 s8, s7;
	s8 =	sor.u32 s3, s29  }
0xc: {  	s9 =	sshrl.u32 s9, $0x2;
	s15 =	ssub.s32 s30, s6;
	s31 =	smul.u32 $0x500, s8  }
0xd: {  	s7 =	sshrl.u32 s7, $0x3;
	s10 =	smul.u32 $0x2800, s8;
	s6 =	sadd.s32 s9, s2  }
.Ltmp0:
0xe: {  	s15 =	smax.u32 s15, $0x1;
	s14 =	sadd.s32 s7, s5;
	(pc) =	sbr.rel .LBB2_1-.Ltmp0, $4  }
0xf: {  	s8 =	sadd.s32 $0x4000, s6;
	s9 =	sadd.s32 $0x8000, s6;
	s5 =	sadd.s32 s12, s31  }
0x10: {  	s7 =	sadd.s32 s13, s31;
	s11 =	sshrl.u32 s10, $0x3;
	s10 =	sadd.s32 $0xC000, s6  }
0x11: {  	s14 =	sadd.s32 $0x17400, s14;
	s16 =	sadd.s32 $0x280, s11;
	s11 =	sadd.s32 $0x10000, s6  }
0x12: {  	v0 =	vimm.f32 $0.0e+00;
	s12 =	sadd.s32 s12, s16;
	s13 =	sadd.s32 s13, s16;
	s16 =	simm.s32 $0x5  }
.LBB2_11:
0x13: {  	_ =	swait.ge [sflag:s21], $0x4000  }
0x14: {  	s23 =	sshll.u32 s3, $0x6;
	s22 =	sadd.s32 $0x1, s22;
	[sflag:s21] =	ssyncset.done $0x0  }
0x15: {  	s24 =	sshrl.u32 s6, $0x3;
	p0 =	sne.s32 s22, s15;
	[sflag:s21] =	ssyncadd.s32 $0xFFFFC000  }
.Ltmp1:
0x16: {  	s23 =	sor.u32 $0x1C05, s23;
	[bflag:$0x0] =	sbarrier.arrive $0xFFFF;
	(pc) =	sbr.rel @!p0 .LBB2_12-.Ltmp1, $4  }
0x17: {  	[hbm:s14], [sflag:s23] =	dma.local [spmem:s24], $0x2780  }
0x18: {  	_ =	swait.ge [sflag:s16], $0x2780  }
0x19: {  	[sflag:s16] =	ssyncset.done $0x0  }
0x1a: {  	[sflag:s16] =	ssyncadd.s32 $0xFFFFD880  }
.LBB2_1:
0x1b: {  	[tilespmem:s4], [sflag:$0x5] =	stream.linear.gather [hbm4b:s5+s4], $0x1400, $0x38;
	[tilespmem:$0x1E400] =	vst v63  }
0x1c: {  	_ =	swait.ge [sflag:s16], $0x1400  }
0x1d: {  	[sflag:s16] =	ssyncset.done $0x0  }
0x1e: {  	[sflag:s16] =	ssyncadd.s32 $0xFFFFEC00  }
0x1f: {  	[tilespmem:s17], [sflag:$0x5] =	stream.linear.gather [hbm4b:s7+s4], $0x1400, $0x38;
	[tilespmem:$0x1E400] =	vst v63  }
0x20: {  	_ =	swait.ge [sflag:s16], $0x1400  }
0x21: {  	[sflag:s16] =	ssyncset.done $0x0  }
0x22: {  	s23 =	simm.s32 $0x0;
	s24 =	simm.s32 $0x200;
	[sflag:s16] =	ssyncadd.s32 $0xFFFFEC00  }
0x23: {  	[tilespmem:s19], [sflag:$0x1] =	stream.indirect.gather [hbm4b:s1+s18], $0x80, s4, s18, $0xb8;
	[tilespmem:$0x1E400] =	vst v63  }
.LBB2_2:
0x24: {  	p0 =	sne.s32 s24, $0xFE00;
	[tilespmem:s23+$0x6870] =	vst v0  }
0x25: {  	[tilespmem:s23+$0x6800] =	vst v0  }
0x26: {  	[tilespmem:s23+$0x6810] =	vst v0  }
.Ltmp2:
0x27: {  	[tilespmem:s23+$0x6820] =	vst v0;
	(pc) =	sbr.rel @p0 .LBB2_2-.Ltmp2, $4  }
0x28: {  	[tilespmem:s23+$0x6830] =	vst v0  }
0x29: {  	[tilespmem:s23+$0x6840] =	vst v0  }
0x2a: {  	[tilespmem:s23+$0x6850] =	vst v0  }
0x2b: {  	[tilespmem:s23+$0x6860] =	vst v0;
	s23 =	sshra.s32 s24, $0x2;
	s24 =	sadd.s32 $0x200, s24  }
0x2c: {  	[tilespmem:s23+$0x6870] =	vst v0  }
0x2d: {  	[tilespmem:s23+$0x6800] =	vst v0  }
0x2e: {  	[tilespmem:s23+$0x6810] =	vst v0  }
0x2f: {  	[tilespmem:s23+$0x6820] =	vst v0  }
0x30: {  	[tilespmem:s23+$0x6830] =	vst v0  }
0x31: {  	[tilespmem:s23+$0x6840] =	vst v0  }
0x32: {  	[tilespmem:s23+$0x6850] =	vst v0  }
0x33: {  	[tilespmem:s23+$0x6860] =	vst v0  }
0x34: {  	[spmem:s6] =	stream.linear.scatter [tilespmem:s20], [sflag:$0x5], $0x4000, $0x38;
	[tilespmem:$0x1E400] =	vst v63  }
0x35: {  	_ =	swait.ge [sflag:s16], $0x4000  }
0x36: {  	[sflag:s16] =	ssyncset.done $0x0  }
0x37: {  	[sflag:s16] =	ssyncadd.s32 $0xFFFFC000  }
0x38: {  	[spmem:s8] =	stream.linear.scatter [tilespmem:s20], [sflag:$0x5], $0x4000, $0x38;
	[tilespmem:$0x1E400] =	vst v63  }
0x39: {  	_ =	swait.ge [sflag:s16], $0x4000  }
0x3a: {  	[sflag:s16] =	ssyncset.done $0x0  }
0x3b: {  	[sflag:s16] =	ssyncadd.s32 $0xFFFFC000  }
0x3c: {  	[spmem:s9] =	stream.linear.scatter [tilespmem:s20], [sflag:$0x5], $0x4000, $0x38;
	[tilespmem:$0x1E400] =	vst v63  }
0x3d: {  	_ =	swait.ge [sflag:s16], $0x4000  }
0x3e: {  	[sflag:s16] =	ssyncset.done $0x0  }
0x3f: {  	[sflag:s16] =	ssyncadd.s32 $0xFFFFC000  }
0x40: {  	[spmem:s10] =	stream.linear.scatter [tilespmem:s20], [sflag:$0x5], $0x4000, $0x38;
	[tilespmem:$0x1E400] =	vst v63  }
0x41: {  	_ =	swait.ge [sflag:s16], $0x4000  }
0x42: {  	[sflag:s16] =	ssyncset.done $0x0  }
0x43: {  	[sflag:s16] =	ssyncadd.s32 $0xFFFFC000  }
0x44: {  	[spmem:s11] =	stream.linear.scatter [tilespmem:s20], [sflag:$0x5], $0x3C00, $0x38;
	[tilespmem:$0x1E400] =	vst v63  }
.Ltmp3:
0x45: {  	_ =	swait.ge [sflag:s16], $0x3C00;
	(pc) =	sbr.rel .LBB2_4-.Ltmp3, $4  }
0x46: {  	[sflag:s16] =	ssyncset.done $0x0  }
0x47: {  	[sflag:s16] =	ssyncadd.s32 $0xFFFFC400  }
0x48: {  	[bflag:$0x0] =	sbarrier.arrive $0xFFFF  }
0x49: {  	s24 =	simm.s32 $0x0  }
.LBB2_6:
0x4a: {  	s26 =	sadd.s32 $0x1, s23;
	s28 =	sshll.u32 s23, $0xE;
	p0 =	slt.u32 s25, $0x28  }
.Ltmp4:
0x4b: {  	s24 =	sshll.u32 s24, $0x7;
	_ =	swait.ge [sflag:s26], $0x4000;
	(pc) =	sbr.rel @!p0 .LBB2_7-.Ltmp4, $4  }
0x4c: {  	s31 =	sadd.s32 $0x3, s23;
	s24 =	sand.u32 $0x3FFFFF80, s24;
	[sflag:s26] =	ssyncset.done $0x0  }
0x4d: {  	s28 =	sor.u32 $0x2800, s28;
	s24 =	sadd.s32 $0x1400, s24;
	[sflag:s26] =	ssyncadd.s32 $0xFFFFC000  }
0x4e: {  	[spmem:s2] =	stream.indirect.scatter.add.f32 [tilespmem:s28], [sflag:s31], $0x80, s24, s18, $0xb8;
	[tilespmem:$0x1E400] =	vst v63  }
0x4f: {  	s24 =	smov.u32 s25  }
.LBB2_4:
0x50: {  	p0 =	seq.s32 s24, $0x0  }
0x51: {  	p1 =	seq.s32 @!p0 s24, $0x27  }
0x52: {  	s23 =	sand.u32 $0x1, s24;
	p1 =	por p0, !p1  }
.Ltmp5:
0x53: {  	s26 =	sxor.u32 $0x1, s23;
	(pc) =	sbr.rel @!p1 .LBB2_6-.Ltmp5, $4  }
0x54: {  	s25 =	sadd.s32 @!p0 $0x3, s26  }
0x55: {  	_ =	swait.ge @!p0 [sflag:s25], $0x4000  }
0x56: {  	[sflag:s25] =	ssyncset.done @!p0 $0x0  }
0x57: {  	[sflag:s25] =	ssyncadd.s32 @!p0 $0xFFFFC000;
	s25 =	simm.s32 @!p0 $0x28  }
.Ltmp6:
0x58: {  	s25 =	sadd.s32 @!p0 $0x1, s24;
	(pc) =	sbr.rel .LBB2_6-.Ltmp6, $4  }
0x59: {  	s25 =	simm.s32 @p0 $0x1  }
0x5a: {  	s28 =	sshll.u32 s26, $0xE;
	s29 =	sshll.u32 s25, $0x7  }
0x5b: {  	s31 =	sadd.s32 $0x1, s26;
	s28 =	sor.u32 $0x2800, s28;
	s29 =	sand.u32 $0x3FFFFF80, s29  }
0x5c: {  	[tilespmem:s28], [sflag:s31] =	stream.indirect.gather [hbm4b:s1+s18], $0x80, s29, s18, $0xb8;
	[tilespmem:$0x1E400] =	vst v63  }
.LBB2_7:
0x5d: {  	_ =	swait.ge [sflag:s21], $0x4000  }
0x5e: {  	[sflag:s21] =	ssyncset.done $0x0  }
0x5f: {  	s23 =	simm.s32 $0x0;
	[sflag:s21] =	ssyncadd.s32 $0xFFFFC000  }
0x60: {  	[tilespmem:s23], [sflag:$0x5] =	stream.linear.gather [hbm4b:s12+s23], $0x1400, $0x38;
	[tilespmem:$0x1E400] =	vst v63  }
0x61: {  	_ =	swait.ge [sflag:s16], $0x1400  }
0x62: {  	[sflag:s16] =	ssyncset.done $0x0  }
0x63: {  	[sflag:s16] =	ssyncadd.s32 $0xFFFFEC00  }
0x64: {  	[tilespmem:s17], [sflag:$0x5] =	stream.linear.gather [hbm4b:s13+s23], $0x1400, $0x38;
	[tilespmem:$0x1E400] =	vst v63  }
.Ltmp7:
0x65: {  	_ = 	snop;
	(pc) =	sbr.rel .LBB2_8-.Ltmp7, $4  }
0x66: {  	_ =	swait.ge [sflag:s16], $0x1400  }
0x67: {  	[sflag:s16] =	ssyncset.done $0x0  }
0x68: {  	[sflag:s16] =	ssyncadd.s32 $0xFFFFEC00  }
0x69: {  	[tilespmem:s19], [sflag:$0x1] =	stream.indirect.gather [hbm4b:s1+s18], $0x80, s23, s18, $0xb8;
	[tilespmem:$0x1E400] =	vst v63  }
.LBB2_10:
0x6a: {  	s26 =	sadd.s32 $0x1, s24;
	s28 =	sshll.u32 s24, $0xE;
	p0 =	slt.u32 s25, $0x28  }
.Ltmp8:
0x6b: {  	s23 =	sshll.u32 s23, $0x7;
	_ =	swait.ge [sflag:s26], $0x4000;
	(pc) =	sbr.rel @!p0 .LBB2_11-.Ltmp8, $4  }
0x6c: {  	s31 =	sadd.s32 $0x3, s24;
	s23 =	sand.u32 $0x3FFFFF80, s23;
	[sflag:s26] =	ssyncset.done $0x0  }
0x6d: {  	s28 =	sor.u32 $0x2800, s28;
	s23 =	sadd.s32 $0x1400, s23;
	[sflag:s26] =	ssyncadd.s32 $0xFFFFC000  }
0x6e: {  	[spmem:s2] =	stream.indirect.scatter.add.f32 [tilespmem:s28], [sflag:s31], $0x80, s23, s18, $0xb8;
	[tilespmem:$0x1E400] =	vst v63  }
0x6f: {  	s23 =	smov.u32 s25  }
.LBB2_8:
0x70: {  	p0 =	seq.s32 s23, $0x0  }
0x71: {  	p1 =	seq.s32 @!p0 s23, $0x27  }
0x72: {  	s24 =	sand.u32 $0x1, s23;
	p1 =	por p0, !p1  }
.Ltmp9:
0x73: {  	s26 =	sxor.u32 $0x1, s24;
	(pc) =	sbr.rel @!p1 .LBB2_10-.Ltmp9, $4  }
0x74: {  	s25 =	sadd.s32 @!p0 $0x3, s26  }
0x75: {  	_ =	swait.ge @!p0 [sflag:s25], $0x4000  }
0x76: {  	[sflag:s25] =	ssyncset.done @!p0 $0x0  }
0x77: {  	[sflag:s25] =	ssyncadd.s32 @!p0 $0xFFFFC000;
	s25 =	simm.s32 @!p0 $0x28  }
.Ltmp10:
0x78: {  	s25 =	sadd.s32 @!p0 $0x1, s23;
	(pc) =	sbr.rel .LBB2_10-.Ltmp10, $4  }
0x79: {  	s25 =	simm.s32 @p0 $0x1  }
0x7a: {  	s28 =	sshll.u32 s26, $0xE;
	s29 =	sshll.u32 s25, $0x7  }
0x7b: {  	s31 =	sadd.s32 $0x1, s26;
	s28 =	sor.u32 $0x2800, s28;
	s29 =	sand.u32 $0x3FFFFF80, s29  }
0x7c: {  	[tilespmem:s28], [sflag:s31] =	stream.indirect.gather [hbm4b:s1+s18], $0x80, s29, s18, $0xb8;
	[tilespmem:$0x1E400] =	vst v63  }
.LBB2_12:
0x7d: {  	_ =	sfence.sel $0x180000  }
0x7e: {  	[bflag:$0x0] =	sbarrier.arrive $0xFFFF  }
0x7f: {  	p0 =	sne.s32 s3, $0x0;
	_ =	strace $0x9000004A  }
0x80: {  	s0 =	sadd.s32 @!p0 $0x100000, s0;
	[bflag:$0x2] =	sbarrier.arrive $0xFFFF  }
0x81: {  	[sflag:s0] =	ssyncadd.tile.s32 @!p0 $0x1;
	_ =	shalt  }
.Lfunc_end2:
_tile_overlayer_lowered:
.L_overlay_start_2:
0x82: {  	(tag) =	ssettag $0x2  }
0x83: {  	s0 =	rddreg [dreg:$0x0];
	s2 =	stileid.u32  }
0x84: {  	s1 =	rddreg [dreg:$0x1];
	p0 =	sne.s32 s2, $0x0  }
0x85: {  	s3 =	rddreg [dreg:$0x2];
	[bflag:$0x3] =	sbarrier.arrive $0xFFFF;
	s2 =	simm.s32 @!p0 $0x1C05  }
0x86: {  	[timem:s3], [sflag:s2] =	dma.local @!p0 [hbm:s0], s1  }
0x87: {  	s0 =	simm.s32 @!p0 $0x5  }
0x88: {  	_ =	swait.ge @!p0 [sflag:s0], s1  }
0x89: {  	s1 =	ssub.s32 @!p0 $0x0, s1;
	[sflag:s0] =	ssyncset.done @!p0 $0x0  }
0x8a: {  	[sflag:s0] =	ssyncadd.s32 @!p0 s1  }
0x8b: {  	[bflag:$0x3] =	sbarrier.arrive $0xFFFF  }
0x8c: {  	_ =	shalt  }

// kernel: kernel.18.cloned.1.call-start
scs
__scs_entry_jumppad:
0x0: {  	(pc) =	sbr.rel $0x88, $3  }
0x1: {  	(tag) =	ssettag $0x0;
	lr =	simm.s32 $0x1  }
0x2: {  	[smem:$0x3F92] =	sst lr;
	_ =	strace $0xD0000000  }
0x3: {  	_ = 	snop  }
0x4: {  	_ = 	snop  }
0x5: {  	_ = 	snop  }
0x6: {  	_ = 	snop  }
0x7: {  	_ = 	snop  }
__scs_overlays_trampoline_lowered:
0x8: {  	[smem:$0x3FA1] =	sst s0  }
0x9: {  	[smem:$0x3FA2] =	sst s1  }
0xa: {  	[smem:$0x3FA3] =	sst s2  }
0xb: {  	[smem:$0x3FA4] =	sst s3  }
0xc: {  	[smem:$0x3FA5] =	sst s4  }
0xd: {  	[smem:$0x3FA6] =	sst s5  }
0xe: {  	[smem:$0x3FA7] =	sst s6  }
0xf: {  	[smem:$0x3FA8] =	sst s7  }
0x10: {  	[smem:$0x3FA9] =	sst s8  }
0x11: {  	[smem:$0x3FAA] =	sst s9;
	s0 =	simm.s32 @!p0 $0x0  }
0x12: {  	s1 =	sld [smem:$0x3F90];
	s0 =	simm.s32 @p0 $0x1  }
0x13: {  	[smem:$0x3FAB] =	sst s0;
	s0 =	simm.s32 @!p1 $0x0  }
0x14: {  	s2 =	sld [smem:$0x3F8F];
	s0 =	simm.s32 @p1 $0x1  }
0x15: {  	[smem:$0x3FAC] =	sst s0;
	s0 =	simm.s32 @!p2 $0x0  }
0x16: {  	s3 =	sld [smem:$0x3FDB];
	s0 =	simm.s32 @p2 $0x1  }
0x17: {  	s4 =	simm.s32 $0x1BF5;
	[smem:$0x3FAE] =	sst s0  }
0x18: {  	s0 =	sld [smem:$0x3F91];
	_ =	swait.ge [sflag:s4], $0x0  }
0x19: {  	s7 =	sld [smem:$0x3F92]  }
0x1a: {  	s8 =	sadd.s32 $0xFFFFE003, lr  }
0x1b: {  	s9 =	sadd.s32 $0xFFFFFEF7, lr;
	s5 =	simm.s32 $0xFFFFFFFF;
	p2 =	slt.u32 s8, $0xFFFFF086  }
0x1c: {  	p1 =	slt.u32 s9, $0xF7A;
	s5 =	simm.s32 @!p2 $0x0  }
0x1d: {  	s5 =	simm.s32 @p1 $0x1;
	p0 =	seq.s32 s7, s2  }
0x1e: {  	s7 =	smul.u32 @!p0 $0xF7A, s2;
	p2 =	seq.s32 @!p0 s5, $0x0  }
0x1f: {  	s9 =	smul.u32 $0xF7A, s1;
	s8 =	simm.s32 @!p0 $0x1BF5;
	p2 =	por !p2, p0  }
0x20: {  	[sflag:s8] =	ssyncset.s32 @!p0 $0xFFFFF086;
	s6 =	sadd.s32 @!p0 s3, s7;
	s7 =	simm.s32 @!p0 $0x108  }
0x21: {  	s3 =	sadd.s32 s3, s9;
	s6 =	sadd.s32 @!p0 $0x88, s6;
	s7 =	simm.s32 @p2 $0x1082  }
0x22: {  	[simem:s7], [sflag:s8] =	dma.local @!p0 [hbm:s6], $0xF7A  }
0x23: {  	s9 =	sor.u32 $0xD0000000, s2;
	s6 =	simm.s32 $0x108;
	_ =	swait.ge @!p0 [sflag:s8], $0x0  }
0x24: {  	s3 =	sadd.s32 $0x88, s3;
	s6 =	simm.s32 @!p1 $0x1082;
	[sflag:s4] =	ssyncset.s32 $0xFFFFF086  }
0x25: {  	[simem:s6], [sflag:s4] =	dma.local [hbm:s3], $0xF7A  }
0x26: {  	[smem:$0x3F92] =	sst s1;
	(tag) =	ssettag s2;
	_ =	strace s9  }
0x27: {  	s1 =	sld [smem:$0x3FA2]  }
0x28: {  	s2 =	sld [smem:$0x3FA3]  }
0x29: {  	s4 =	sld [smem:$0x3FA5]  }
0x2a: {  	p0 =	seq.s32 s5, $0x0;
	s5 =	sld [smem:$0x3FA6]  }
0x2b: {  	s6 =	sld [smem:$0x3FA7]  }
0x2c: {  	s7 =	sld [smem:$0x3FA8]  }
0x2d: {  	s3 =	simm.s32 $0x108;
	s8 =	sld [smem:$0x3FA9]  }
0x2e: {  	s3 =	simm.s32 @!p0 $0x1082;
	s9 =	sld [smem:$0x3FAA]  }
0x2f: {  	lr =	sadd.s32 s0, s3;
	s0 =	sld [smem:$0x3FA1]  }
0x30: {  	s3 =	sld [smem:$0x3FA4]  }
0x31: {  	[smem:$0x3FAD] =	sst s10  }
0x32: {  	s10 =	sld [smem:$0x3FAB];
	_ =	sdelay $0x3  }
0x33: {  	p0 =	seq.s32 s10, $0x1;
	s10 =	sld [smem:$0x3FAD];
	_ =	sdelay $0x3  }
0x34: {  	[smem:$0x3FAD] =	sst s10  }
0x35: {  	s10 =	sld [smem:$0x3FAC];
	_ =	sdelay $0x3  }
0x36: {  	p1 =	seq.s32 s10, $0x1;
	s10 =	sld [smem:$0x3FAD];
	_ =	sdelay $0x3  }
0x37: {  	[smem:$0x3FAD] =	sst s10  }
0x38: {  	s10 =	sld [smem:$0x3FAE]  }
0x39: {  	_ = 	snop;
	(pc) =	sbr.ind lr, $3  }
0x3a: {  	_ = 	snop  }
0x3b: {  	_ = 	snop  }
0x3c: {  	p2 =	seq.s32 s10, $0x1;
	s10 =	sld [smem:$0x3FAD]  }
0x3d: {  	_ =	shalt  }
0x3e: {  	_ =	shalt  }
0x3f: {  	_ =	shalt  }
0x40: {  	_ =	shalt  }
0x41: {  	_ =	shalt  }
0x42: {  	_ =	shalt  }
0x43: {  	_ =	shalt  }
0x44: {  	_ =	shalt  }
0x45: {  	_ =	shalt  }
0x46: {  	_ =	shalt  }
0x47: {  	_ =	shalt  }
0x48: {  	_ =	shalt  }
0x49: {  	_ =	shalt  }
0x4a: {  	_ =	shalt  }
0x4b: {  	_ =	shalt  }
0x4c: {  	_ =	shalt  }
0x4d: {  	_ =	shalt  }
0x4e: {  	_ =	shalt  }
0x4f: {  	_ =	shalt  }
0x50: {  	_ =	shalt  }
0x51: {  	_ =	shalt  }
0x52: {  	_ =	shalt  }
0x53: {  	_ =	shalt  }
0x54: {  	_ =	shalt  }
0x55: {  	_ =	shalt  }
0x56: {  	_ =	shalt  }
0x57: {  	_ =	shalt  }
0x58: {  	_ =	shalt  }
0x59: {  	_ =	shalt  }
0x5a: {  	_ =	shalt  }
0x5b: {  	_ =	shalt  }
0x5c: {  	_ =	shalt  }
0x5d: {  	_ =	shalt  }
0x5e: {  	_ =	shalt  }
0x5f: {  	_ =	shalt  }
0x60: {  	_ =	shalt  }
0x61: {  	_ =	shalt  }
0x62: {  	_ =	shalt  }
0x63: {  	_ =	shalt  }
0x64: {  	_ =	shalt  }
0x65: {  	_ =	shalt  }
0x66: {  	_ =	shalt  }
0x67: {  	_ =	shalt  }
0x68: {  	_ =	shalt  }
0x69: {  	_ =	shalt  }
0x6a: {  	_ =	shalt  }
0x6b: {  	_ =	shalt  }
0x6c: {  	_ =	shalt  }
0x6d: {  	_ =	shalt  }
0x6e: {  	_ =	shalt  }
0x6f: {  	_ =	shalt  }
0x70: {  	_ =	shalt  }
0x71: {  	_ =	shalt  }
0x72: {  	_ =	shalt  }
0x73: {  	_ =	shalt  }
0x74: {  	_ =	shalt  }
0x75: {  	_ =	shalt  }
0x76: {  	_ =	shalt  }
0x77: {  	_ =	shalt  }
0x78: {  	_ =	shalt  }
0x79: {  	_ =	shalt  }
0x7a: {  	_ =	shalt  }
0x7b: {  	_ =	shalt  }
0x7c: {  	_ =	shalt  }
0x7d: {  	_ =	shalt  }
0x7e: {  	_ =	shalt  }
0x7f: {  	_ =	shalt  }
0x80: {  	_ =	shalt  }
0x81: {  	_ =	shalt  }
0x82: {  	_ =	shalt  }
0x83: {  	_ =	shalt  }
0x84: {  	_ =	shalt  }
0x85: {  	_ =	shalt  }
0x86: {  	_ =	shalt  }
0x87: {  	_ =	shalt  }
.Lfunc_end0:
.L_simem_size_0:
called_computation.2_lowered:
.L_overlay_start_0:
0x88: {  	s2 =	sld [smem:$0x3FD9]  }
0x89: {  	s3 =	sld [smem:$0x3FFE];
	_ =	sdelay $0x1  }
0x8a: {  	s1 =	srdreg.scid  }
0x8b: {  	s0 =	sand.u32 $0x1, s1  }
0x8c: {  	s17 =	sshll.u32 s0, $0xA;
	s2 =	sadd.s32 s3, s2  }
0x8d: {  	s2 =	sadd.s32 s2, s17  }
0x8e: {  	[smem:$0x3FB9] =	sst s2  }
0x8f: {  	_ = 	snop  }
0x90: {  	s2 =	sld [smem:$0x3FD0];
	(tm) =	ssettm $0x1  }
0x91: {  	s18 =	sld [smem:$0x3FFB];
	_ =	sdelay $0x3  }
0x92: {  	_ =	strace s18  }
0x93: {  	s3 =	sld [smem:$0x3FFC];
	_ =	sdelay $0x3  }
0x94: {  	_ =	strace s3  }
0x95: {  	s3 =	sld [smem:$0x3FFD];
	_ =	sdelay $0x3  }
0x96: {  	_ =	strace s3  }
0x97: {  	_ =	strace $0x8FFFFFFF  }
0x98: {  	s19 =	sld [smem:$0x3FDB];
	_ =	sdelay $0x1  }
0x99: {  	s4 =	simm.s32 $_scs_section_size  }
0x9a: {  	s5 =	simm.s32 $_size__tile_overlayer_lowered;
	s6 =	simm.s32 $_tile_overlayer_lowered  }
0x9b: {  	s22 =	simm.s32 $0x1BFF;
	s21 =	sshll.u32 s6, $0x1;
	s3 =	sadd.s32 s4, s19  }
0x9c: {  	s7 =	simm.s32 $0x0;
	s20 =	sshll.u32 s5, $0x1;
	s5 =	sadd.s32 s21, s3  }
0x9d: {  	[timem:s7], [sflag:s22] =	dma.local [hbm:s5], s20  }
0x9e: {  	_ =	swait.ge [sflag:s22], s20  }
0x9f: {  	s4 =	ssub.s32 $0x0, s20;
	[sflag:s22] =	ssyncset.done $0x0  }
0xa0: {  	[sflag:s22] =	ssyncadd.s32 s4;
	_ =	sdelay $0x1  }
0xa1: {  	s23 =	simm.s32 $0x1B8B  }
0xa2: {  	_ =	swait.ge [sflag:s23], $0x1  }
0xa3: {  	[sflag:s23] =	ssyncset.done $0x0  }
0xa4: {  	s25 =	simm.s32 $0x1B8E;
	s24 =	sld [smem:$0x3FFE];
	[sflag:s23] =	ssyncadd.s32 $0xFFFFFFFF  }
0xa5: {  	s26 =	simm.s32 $execute0_lowered;
	[smem:$0x3FD2] =	sst s25  }
0xa6: {  	s5 =	sshll.u32 s26, $0x1;
	_ =	strace $0x8000004C;
	[dreg:$0x1] =	wrdreg $0xFFFFFFFF  }
0xa7: {  	s28 =	simm.s32 $_size_execute0_lowered;
	s3 =	sadd.s32 s3, s5;
	[dreg:$0x0] =	wrdreg $0x0  }
0xa8: {  	s5 =	sshll.u32 s28, $0x1;
	[dreg:$0x2] =	wrdreg s3  }
0xa9: {  	[dreg:$0x3] =	wrdreg s5  }
0xaa: {  	[dreg:$0x4] =	wrdreg $0xC0  }
0xab: {  	_ =	task [dreg:s7], $0x5FFFF  }
0xac: {  	[dreg:$0x1] =	wrdreg $0xFFFFFFFF  }
0xad: {  	[dreg:$0x0] =	wrdreg $0x60  }
0xae: {  	[dreg:$0x2] =	wrdreg s2  }
0xaf: {  	[dreg:$0x3] =	wrdreg s24  }
0xb0: {  	[dreg:$0x4] =	wrdreg $0xA8000  }
0xb1: {  	[dreg:$0x5] =	wrdreg $0x9  }
0xb2: {  	_ =	task.clear_ibuf [dreg:s7], $0x6FFFF;
	_ =	strace $0x9000004C  }
0xb3: {  	s29 =	simm.s32 $0x9;
	_ =	strace $0x8000004E  }
0xb4: {  	_ =	swait.ge [sflag:s29], $0x1  }
0xb5: {  	[sflag:s29] =	ssyncadd.s32 $0xFFFFFFFF  }
0xb6: {  	_ =	strace $0x9000004E  }
0xb7: {  	_ =	sfence  }
0xb8: {  	s30 =	sld [smem:$0x0];
	_ =	sdelay $0x2  }
0xb9: {  	s31 =	sshll.u32 s1, $0xD;
	s1 =	sshrl.u32 s1, $0x2  }
0xba: {  	s3 =	sand.u32 $0x4000, s31;
	s1 =	sadd.s32 s1, s30  }
0xbb: {  	s0 =	sor.u32 s3, s0;
	s1 =	sshll.u32 s1, $0x11  }
0xbc: {  	s0 =	sor.u32 s1, s0  }
0xbd: {  	s0 =	sadd.s32 $0x8F2B, s0  }
0xbe: {  	[sflag:s0] =	ssyncadd.remote.s32 $0x1  }
0xbf: {  	_ =	sfence.sel $0xFFFF  }
0xc0: {  	[dreg:$0x0] =	wrdreg $0xFFFFFFFF;
	(pc) =	sbr.abs _section_cstart, $3  }
0xc1: {  	[dreg:$0x1] =	wrdreg $0xFFFFFFFF  }
0xc2: {  	_ =	task.clear_ibuf [dreg:s7], $0x2FFFF;
	_ =	strace $0x9FFFFFFF  }
0xc3: {  	(tm) =	ssettm $0x7FFFFFFF  }
tec
execute0_lowered:
.L_overlay_start_1:
0x0: {  	(tag) =	ssettag $0x1  }
0x1: {  	s1 =	rddreg [dreg:$0x0]  }
0x2: {  	s5 =	rddreg [dreg:$0x1]  }
0x3: {  	s2 =	rddreg [dreg:$0x2]  }
0x4: {  	s3 =	srdreg.scid;
	s0 =	rddreg [dreg:$0x3]  }
0x5: {  	s4 =	simm.s32 $0x0;
	s17 =	simm.s32 $0x1400;
	s18 =	simm.s32 $0x80  }
0x6: {  	s19 =	simm.s32 $0x2800;
	s20 =	simm.s32 $0x6800;
	s21 =	simm.s32 $0x4  }
0x7: {  	s22 =	simm.s32 $0x0;
	s6 =	sand.u32 $0x1, s3;
	s3 =	stileid.u32  }
0x8: {  	[smem:$0x7FF] =	sst s4;
	s12 =	sadd.s32 $0x3400, s5;
	s7 =	smul.u32 $0x13C000, s6  }
0x9: {  	s13 =	sadd.s32 $0xD400, s5;
	s8 =	smul.u32 $0x13C00, s3;
	_ =	strace $0x8000004D  }
0xa: {  	s29 =	sshll.u32 s6, $0x4;
	s9 =	smul.u32 $0x4F000, s3;
	s30 =	ssub.s32 $0x2, s6  }
0xb: {  	s6 =	sshrl.u32 s30, $0x1;
	s7 =	sadd.s32 s8, s7;
	s8 =	sor.u32 s3, s29  }
0xc: {  	s9 =	sshrl.u32 s9, $0x2;
	s15 =	ssub.s32 s30, s6;
	s31 =	smul.u32 $0x500, s8  }
0xd: {  	s7 =	sshrl.u32 s7, $0x3;
	s10 =	smul.u32 $0x2800, s8;
	s6 =	sadd.s32 s9, s2  }
.Ltmp0:
0xe: {  	s15 =	smax.u32 s15, $0x1;
	s14 =	sadd.s32 s7, s5;
	(pc) =	sbr.rel .LBB2_1-.Ltmp0, $4  }
0xf: {  	s8 =	sadd.s32 $0x4000, s6;
	s9 =	sadd.s32 $0x8000, s6;
	s5 =	sadd.s32 s12, s31  }
0x10: {  	s7 =	sadd.s32 s13, s31;
	s11 =	sshrl.u32 s10, $0x3;
	s10 =	sadd.s32 $0xC000, s6  }
0x11: {  	s14 =	sadd.s32 $0x17400, s14;
	s16 =	sadd.s32 $0x280, s11;
	s11 =	sadd.s32 $0x10000, s6  }
0x12: {  	v0 =	vimm.f32 $0.0e+00;
	s12 =	sadd.s32 s12, s16;
	s13 =	sadd.s32 s13, s16;
	s16 =	simm.s32 $0x5  }
.LBB2_11:
0x13: {  	_ =	swait.ge [sflag:s21], $0x4000  }
0x14: {  	s23 =	sshll.u32 s3, $0x6;
	s22 =	sadd.s32 $0x1, s22;
	[sflag:s21] =	ssyncset.done $0x0  }
0x15: {  	s24 =	sshrl.u32 s6, $0x3;
	p0 =	sne.s32 s22, s15;
	[sflag:s21] =	ssyncadd.s32 $0xFFFFC000  }
.Ltmp1:
0x16: {  	s23 =	sor.u32 $0x1C05, s23;
	[bflag:$0x0] =	sbarrier.arrive $0xFFFF;
	(pc) =	sbr.rel @!p0 .LBB2_12-.Ltmp1, $4  }
0x17: {  	[hbm:s14], [sflag:s23] =	dma.local [spmem:s24], $0x2780  }
0x18: {  	_ =	swait.ge [sflag:s16], $0x2780  }
0x19: {  	[sflag:s16] =	ssyncset.done $0x0  }
0x1a: {  	[sflag:s16] =	ssyncadd.s32 $0xFFFFD880  }
.LBB2_1:
0x1b: {  	[tilespmem:s4], [sflag:$0x5] =	stream.linear.gather [hbm4b:s5+s4], $0x1400, $0x38;
	[tilespmem:$0x1E400] =	vst v63  }
0x1c: {  	_ =	swait.ge [sflag:s16], $0x1400  }
0x1d: {  	[sflag:s16] =	ssyncset.done $0x0  }
0x1e: {  	[sflag:s16] =	ssyncadd.s32 $0xFFFFEC00  }
0x1f: {  	[tilespmem:s17], [sflag:$0x5] =	stream.linear.gather [hbm4b:s7+s4], $0x1400, $0x38;
	[tilespmem:$0x1E400] =	vst v63  }
0x20: {  	_ =	swait.ge [sflag:s16], $0x1400  }
0x21: {  	[sflag:s16] =	ssyncset.done $0x0  }
0x22: {  	s23 =	simm.s32 $0x0;
	s24 =	simm.s32 $0x200;
	[sflag:s16] =	ssyncadd.s32 $0xFFFFEC00  }
0x23: {  	[tilespmem:s19], [sflag:$0x1] =	stream.indirect.gather [hbm4b:s1+s18], $0x80, s4, s18, $0xb8;
	[tilespmem:$0x1E400] =	vst v63  }
.LBB2_2:
0x24: {  	p0 =	sne.s32 s24, $0xFE00;
	[tilespmem:s23+$0x6870] =	vst v0  }
0x25: {  	[tilespmem:s23+$0x6800] =	vst v0  }
0x26: {  	[tilespmem:s23+$0x6810] =	vst v0  }
.Ltmp2:
0x27: {  	[tilespmem:s23+$0x6820] =	vst v0;
	(pc) =	sbr.rel @p0 .LBB2_2-.Ltmp2, $4  }
0x28: {  	[tilespmem:s23+$0x6830] =	vst v0  }
0x29: {  	[tilespmem:s23+$0x6840] =	vst v0  }
0x2a: {  	[tilespmem:s23+$0x6850] =	vst v0  }
0x2b: {  	[tilespmem:s23+$0x6860] =	vst v0;
	s23 =	sshra.s32 s24, $0x2;
	s24 =	sadd.s32 $0x200, s24  }
0x2c: {  	[tilespmem:s23+$0x6870] =	vst v0  }
0x2d: {  	[tilespmem:s23+$0x6800] =	vst v0  }
0x2e: {  	[tilespmem:s23+$0x6810] =	vst v0  }
0x2f: {  	[tilespmem:s23+$0x6820] =	vst v0  }
0x30: {  	[tilespmem:s23+$0x6830] =	vst v0  }
0x31: {  	[tilespmem:s23+$0x6840] =	vst v0  }
0x32: {  	[tilespmem:s23+$0x6850] =	vst v0  }
0x33: {  	[tilespmem:s23+$0x6860] =	vst v0  }
0x34: {  	[spmem:s6] =	stream.linear.scatter [tilespmem:s20], [sflag:$0x5], $0x4000, $0x38;
	[tilespmem:$0x1E400] =	vst v63  }
0x35: {  	_ =	swait.ge [sflag:s16], $0x4000  }
0x36: {  	[sflag:s16] =	ssyncset.done $0x0  }
0x37: {  	[sflag:s16] =	ssyncadd.s32 $0xFFFFC000  }
0x38: {  	[spmem:s8] =	stream.linear.scatter [tilespmem:s20], [sflag:$0x5], $0x4000, $0x38;
	[tilespmem:$0x1E400] =	vst v63  }
0x39: {  	_ =	swait.ge [sflag:s16], $0x4000  }
0x3a: {  	[sflag:s16] =	ssyncset.done $0x0  }
0x3b: {  	[sflag:s16] =	ssyncadd.s32 $0xFFFFC000  }
0x3c: {  	[spmem:s9] =	stream.linear.scatter [tilespmem:s20], [sflag:$0x5], $0x4000, $0x38;
	[tilespmem:$0x1E400] =	vst v63  }
0x3d: {  	_ =	swait.ge [sflag:s16], $0x4000  }
0x3e: {  	[sflag:s16] =	ssyncset.done $0x0  }
0x3f: {  	[sflag:s16] =	ssyncadd.s32 $0xFFFFC000  }
0x40: {  	[spmem:s10] =	stream.linear.scatter [tilespmem:s20], [sflag:$0x5], $0x4000, $0x38;
	[tilespmem:$0x1E400] =	vst v63  }
0x41: {  	_ =	swait.ge [sflag:s16], $0x4000  }
0x42: {  	[sflag:s16] =	ssyncset.done $0x0  }
0x43: {  	[sflag:s16] =	ssyncadd.s32 $0xFFFFC000  }
0x44: {  	[spmem:s11] =	stream.linear.scatter [tilespmem:s20], [sflag:$0x5], $0x3C00, $0x38;
	[tilespmem:$0x1E400] =	vst v63  }
.Ltmp3:
0x45: {  	_ =	swait.ge [sflag:s16], $0x3C00;
	(pc) =	sbr.rel .LBB2_4-.Ltmp3, $4  }
0x46: {  	[sflag:s16] =	ssyncset.done $0x0  }
0x47: {  	[sflag:s16] =	ssyncadd.s32 $0xFFFFC400  }
0x48: {  	[bflag:$0x0] =	sbarrier.arrive $0xFFFF  }
0x49: {  	s24 =	simm.s32 $0x0  }
.LBB2_6:
0x4a: {  	s26 =	sadd.s32 $0x1, s23;
	s28 =	sshll.u32 s23, $0xE;
	p0 =	slt.u32 s25, $0x28  }
.Ltmp4:
0x4b: {  	s24 =	sshll.u32 s24, $0x7;
	_ =	swait.ge [sflag:s26], $0x4000;
	(pc) =	sbr.rel @!p0 .LBB2_7-.Ltmp4, $4  }
0x4c: {  	s31 =	sadd.s32 $0x3, s23;
	s24 =	sand.u32 $0x3FFFFF80, s24;
	[sflag:s26] =	ssyncset.done $0x0  }
0x4d: {  	s28 =	sor.u32 $0x2800, s28;
	s24 =	sadd.s32 $0x1400, s24;
	[sflag:s26] =	ssyncadd.s32 $0xFFFFC000  }
0x4e: {  	[spmem:s2] =	stream.indirect.scatter.add.f32 [tilespmem:s28], [sflag:s31], $0x80, s24, s18, $0xb8;
	[tilespmem:$0x1E400] =	vst v63  }
0x4f: {  	s24 =	smov.u32 s25  }
.LBB2_4:
0x50: {  	p0 =	seq.s32 s24, $0x0  }
0x51: {  	p1 =	seq.s32 @!p0 s24, $0x27  }
0x52: {  	s23 =	sand.u32 $0x1, s24;
	p1 =	por p0, !p1  }
.Ltmp5:
0x53: {  	s26 =	sxor.u32 $0x1, s23;
	(pc) =	sbr.rel @!p1 .LBB2_6-.Ltmp5, $4  }
0x54: {  	s25 =	sadd.s32 @!p0 $0x3, s26  }
0x55: {  	_ =	swait.ge @!p0 [sflag:s25], $0x4000  }
0x56: {  	[sflag:s25] =	ssyncset.done @!p0 $0x0  }
0x57: {  	[sflag:s25] =	ssyncadd.s32 @!p0 $0xFFFFC000;
	s25 =	simm.s32 @!p0 $0x28  }
.Ltmp6:
0x58: {  	s25 =	sadd.s32 @!p0 $0x1, s24;
	(pc) =	sbr.rel .LBB2_6-.Ltmp6, $4  }
0x59: {  	s25 =	simm.s32 @p0 $0x1  }
0x5a: {  	s28 =	sshll.u32 s26, $0xE;
	s29 =	sshll.u32 s25, $0x7  }
0x5b: {  	s31 =	sadd.s32 $0x1, s26;
	s28 =	sor.u32 $0x2800, s28;
	s29 =	sand.u32 $0x3FFFFF80, s29  }
0x5c: {  	[tilespmem:s28], [sflag:s31] =	stream.indirect.gather [hbm4b:s1+s18], $0x80, s29, s18, $0xb8;
	[tilespmem:$0x1E400] =	vst v63  }
.LBB2_7:
0x5d: {  	_ =	swait.ge [sflag:s21], $0x4000  }
0x5e: {  	[sflag:s21] =	ssyncset.done $0x0  }
0x5f: {  	s23 =	simm.s32 $0x0;
	[sflag:s21] =	ssyncadd.s32 $0xFFFFC000  }
0x60: {  	[tilespmem:s23], [sflag:$0x5] =	stream.linear.gather [hbm4b:s12+s23], $0x1400, $0x38;
	[tilespmem:$0x1E400] =	vst v63  }
0x61: {  	_ =	swait.ge [sflag:s16], $0x1400  }
0x62: {  	[sflag:s16] =	ssyncset.done $0x0  }
0x63: {  	[sflag:s16] =	ssyncadd.s32 $0xFFFFEC00  }
0x64: {  	[tilespmem:s17], [sflag:$0x5] =	stream.linear.gather [hbm4b:s13+s23], $0x1400, $0x38;
	[tilespmem:$0x1E400] =	vst v63  }
.Ltmp7:
0x65: {  	_ = 	snop;
	(pc) =	sbr.rel .LBB2_8-.Ltmp7, $4  }
0x66: {  	_ =	swait.ge [sflag:s16], $0x1400  }
0x67: {  	[sflag:s16] =	ssyncset.done $0x0  }
0x68: {  	[sflag:s16] =	ssyncadd.s32 $0xFFFFEC00  }
0x69: {  	[tilespmem:s19], [sflag:$0x1] =	stream.indirect.gather [hbm4b:s1+s18], $0x80, s23, s18, $0xb8;
	[tilespmem:$0x1E400] =	vst v63  }
.LBB2_10:
0x6a: {  	s26 =	sadd.s32 $0x1, s24;
	s28 =	sshll.u32 s24, $0xE;
	p0 =	slt.u32 s25, $0x28  }
.Ltmp8:
0x6b: {  	s23 =	sshll.u32 s23, $0x7;
	_ =	swait.ge [sflag:s26], $0x4000;
	(pc) =	sbr.rel @!p0 .LBB2_11-.Ltmp8, $4  }
0x6c: {  	s31 =	sadd.s32 $0x3, s24;
	s23 =	sand.u32 $0x3FFFFF80, s23;
	[sflag:s26] =	ssyncset.done $0x0  }
0x6d: {  	s28 =	sor.u32 $0x2800, s28;
	s23 =	sadd.s32 $0x1400, s23;
	[sflag:s26] =	ssyncadd.s32 $0xFFFFC000  }
0x6e: {  	[spmem:s2] =	stream.indirect.scatter.add.f32 [tilespmem:s28], [sflag:s31], $0x80, s23, s18, $0xb8;
	[tilespmem:$0x1E400] =	vst v63  }
0x6f: {  	s23 =	smov.u32 s25  }
.LBB2_8:
0x70: {  	p0 =	seq.s32 s23, $0x0  }
0x71: {  	p1 =	seq.s32 @!p0 s23, $0x27  }
0x72: {  	s24 =	sand.u32 $0x1, s23;
	p1 =	por p0, !p1  }
.Ltmp9:
0x73: {  	s26 =	sxor.u32 $0x1, s24;
	(pc) =	sbr.rel @!p1 .LBB2_10-.Ltmp9, $4  }
0x74: {  	s25 =	sadd.s32 @!p0 $0x3, s26  }
0x75: {  	_ =	swait.ge @!p0 [sflag:s25], $0x4000  }
0x76: {  	[sflag:s25] =	ssyncset.done @!p0 $0x0  }
0x77: {  	[sflag:s25] =	ssyncadd.s32 @!p0 $0xFFFFC000;
	s25 =	simm.s32 @!p0 $0x28  }
.Ltmp10:
0x78: {  	s25 =	sadd.s32 @!p0 $0x1, s23;
	(pc) =	sbr.rel .LBB2_10-.Ltmp10, $4  }
0x79: {  	s25 =	simm.s32 @p0 $0x1  }
0x7a: {  	s28 =	sshll.u32 s26, $0xE;
	s29 =	sshll.u32 s25, $0x7  }
0x7b: {  	s31 =	sadd.s32 $0x1, s26;
	s28 =	sor.u32 $0x2800, s28;
	s29 =	sand.u32 $0x3FFFFF80, s29  }
0x7c: {  	[tilespmem:s28], [sflag:s31] =	stream.indirect.gather [hbm4b:s1+s18], $0x80, s29, s18, $0xb8;
	[tilespmem:$0x1E400] =	vst v63  }
.LBB2_12:
0x7d: {  	_ =	sfence.sel $0x180000  }
0x7e: {  	[bflag:$0x0] =	sbarrier.arrive $0xFFFF  }
0x7f: {  	p0 =	sne.s32 s3, $0x0;
	_ =	strace $0x9000004D  }
0x80: {  	s0 =	sadd.s32 @!p0 $0x100000, s0;
	[bflag:$0x2] =	sbarrier.arrive $0xFFFF  }
0x81: {  	[sflag:s0] =	ssyncadd.tile.s32 @!p0 $0x1;
	_ =	shalt  }
.Lfunc_end2:
_tile_overlayer_lowered:
.L_overlay_start_2:
0x82: {  	(tag) =	ssettag $0x2  }
0x83: {  	s0 =	rddreg [dreg:$0x0];
	s2 =	stileid.u32  }
0x84: {  	s1 =	rddreg [dreg:$0x1];
	p0 =	sne.s32 s2, $0x0  }
0x85: {  	s3 =	rddreg [dreg:$0x2];
	[bflag:$0x3] =	sbarrier.arrive $0xFFFF;
	s2 =	simm.s32 @!p0 $0x1C05  }
0x86: {  	[timem:s3], [sflag:s2] =	dma.local @!p0 [hbm:s0], s1  }
0x87: {  	s0 =	simm.s32 @!p0 $0x5  }
0x88: {  	_ =	swait.ge @!p0 [sflag:s0], s1  }
0x89: {  	s1 =	ssub.s32 @!p0 $0x0, s1;
	[sflag:s0] =	ssyncset.done @!p0 $0x0  }
0x8a: {  	[sflag:s0] =	ssyncadd.s32 @!p0 s1  }
0x8b: {  	[bflag:$0x3] =	sbarrier.arrive $0xFFFF  }
0x8c: {  	_ =	shalt  }

</sc_bundles>
